<compile_context>
chip_gen: v7x
topology: tpu7x:2x2x1
jax: 0.10.2.dev20260603
libtpu: 0.0.44.dev20260713+nightly
codegen_flags: <defaults>
</compile_context>

<pallas_src>
import functools

import jax
import jax.numpy as jnp
from jax import lax
from jax.experimental import pallas as pl
from jax.experimental.pallas import tpu as pltpu
from jax.experimental.pallas import tpu_sc as plsc

NC = 2
NS = 16
NW = NC * NS
L = 16

B = 16384
K = 32
B_PER_W = B // NW
N_SUB = 4
SUB = B_PER_W // N_SUB
NPH = 2
H = B_PER_W // NPH


def _body(idx_hbm, p_hbm, q_hbm, out_hbm,
          idx_v, pu_v, qi_v, out_v, sem_p, sem_q):
    wid = lax.axis_index("s") * NC + lax.axis_index("c")
    base = wid * B_PER_W

    pltpu.sync_copy(idx_hbm.at[wid], idx_v)

    for ph in range(NPH):
        def issue(g, carry, ph=ph):
            g = g + ph * (H // L)
            j = g // (SUB // L)
            l0 = (g % (SUB // L)) * L
            uv = idx_v[j, pl.ds(l0, L)]
            iv = idx_v[N_SUB + j, pl.ds(l0, L)]
            for e in range(L):
                r = (g - ph * (H // L)) * L + e
                pltpu.async_copy(
                    p_hbm.at[pl.ds(uv[e], 1)], pu_v.at[pl.ds(r, 1)], sem_p)
                pltpu.async_copy(
                    q_hbm.at[pl.ds(iv[e], 1)], qi_v.at[pl.ds(r, 1)], sem_q)
            return carry

        lax.fori_loop(0, H // L, issue, 0, unroll=False)

        def drain(r, carry):
            pltpu.make_async_copy(
                p_hbm.at[pl.ds(0, 1)], pu_v.at[pl.ds(0, 1)], sem_p).wait()
            pltpu.make_async_copy(
                q_hbm.at[pl.ds(0, 1)], qi_v.at[pl.ds(0, 1)], sem_q).wait()
            return carry

        lax.fori_loop(0, H, drain, 0, unroll=False)

        def chunk(c, carry, ph=ph):
            rows = c * L + lax.iota(jnp.int32, L)
            acc = jnp.zeros((L,), jnp.float32)
            for k in range(K):
                col = jnp.full((L,), k, jnp.int32)
                acc = acc + (plsc.load_gather(pu_v, [rows, col]) *
                             plsc.load_gather(qi_v, [rows, col]))
            out_v[pl.ds(ph * H + c * L, L)] = acc
            return carry

        lax.fori_loop(0, H // L, chunk, 0, unroll=False)

    pltpu.sync_copy(out_v, out_hbm.at[pl.ds(base, B_PER_W)])


@jax.jit
def _funk_svd_sc(idx2, P, Q):
    mesh = plsc.VectorSubcoreMesh(core_axis_name="c", subcore_axis_name="s")
    return pl.kernel(
        _body,
        out_type=jax.ShapeDtypeStruct((B,), jnp.float32),
        mesh=mesh,
        scratch_types=[
            pltpu.VMEM((2 * N_SUB, SUB), jnp.int32),
            pltpu.VMEM((H, K), jnp.float32),
            pltpu.VMEM((H, K), jnp.float32),
            pltpu.VMEM((B_PER_W,), jnp.float32),
            pltpu.SemaphoreType.DMA,
            pltpu.SemaphoreType.DMA,
        ],
        compiler_params=pltpu.CompilerParams(
            needs_layout_passes=False, use_tc_tiling_on_sc=True),
    )(idx2, P, Q)


def kernel(u, i, P, Q):
    u2 = u.astype(jnp.int32).reshape(NW, N_SUB, SUB)
    i2 = i.astype(jnp.int32).reshape(NW, N_SUB, SUB)
    idx2 = jnp.concatenate([u2, i2], axis=1)
    return _funk_svd_sc(idx2, P, Q)

# --- scband reference (transcript-rebuilt; emitter-appended) ---
"""Pipeline reference for scband-funk-svd-88587995447758 (READ-ONLY COPY).

The authoritative reference and input builder live on the scoring server;
editing this copy changes nothing except your own understanding.
"""

import jax, jax.numpy as jnp
import numpy as np

N_USERS = 1000000
N_ITEMS = 1000000
K = 32
BATCH = 16384

def setup_inputs(seed: int = 0) -> dict:
    key = jax.random.key(seed)
    k1, k2, k3, k4 = jax.random.split(key, 4)
    u = jax.random.randint(k1, (BATCH,), 0, N_USERS, dtype=jnp.int64) if jax.config.jax_enable_x64 else jax.random.randint(k1, (BATCH,), 0, N_USERS, dtype=jnp.int32)
    i = jax.random.randint(k2, (BATCH,), 0, N_ITEMS, dtype=jnp.int64) if jax.config.jax_enable_x64 else jax.random.randint(k2, (BATCH,), 0, N_ITEMS, dtype=jnp.int32)
    P = jax.random.normal(k3, (N_USERS, K), dtype=jnp.float32) * 0.05
    Q = jax.random.normal(k4, (N_ITEMS, K), dtype=jnp.float32) * 0.05
    return {"u": u, "i": i, "P": P, "Q": Q}

def reference(u, i, P, Q):
    # FunkSVD forward: (P(u) * Q(i)).sum(1)
    pu = jnp.take(P, u, axis=0)   # gather user embeddings [B, K]
    qi = jnp.take(Q, i, axis=0)   # gather item embeddings [B, K]
    return (pu * qi).sum(axis=1)  # [B]

if __name__ == "__main__":
    import jax
    _d = setup_inputs()
    print(jax.jit(kernel)(*tuple(_d.values())))

</pallas_src>

<mosaic_0001>
#map = affine_map<(d0, d1) -> (0, 0, 0)>
#map1 = affine_map<(d0, d1) -> (0, 0)>
#map2 = affine_map<(d0, d1) -> (0)>
module attributes {stable_mosaic.version = 14 : i64} {
  func.func @_body(%arg0: i32, %arg1: i32, %arg2: memref<32x8x128xi32, #tpu.memory_space<hbm>>, %arg3: memref<1000000x32xf32, #tpu.memory_space<hbm>>, %arg4: memref<1000000x32xf32, #tpu.memory_space<hbm>>, %arg5: memref<16384xf32, #tpu.memory_space<hbm>>, %arg6: memref<8x128xi32, #tpu.memory_space<vmem>>, %arg7: memref<256x32xf32, #tpu.memory_space<vmem>>, %arg8: memref<256x32xf32, #tpu.memory_space<vmem>>, %arg9: memref<512xf32, #tpu.memory_space<vmem>>, %arg10: memref<!tpu.dma_semaphore, #tpu.memory_space<semaphore_mem>>, %arg11: memref<!tpu.dma_semaphore, #tpu.memory_space<semaphore_mem>>) attributes {dimension_semantics = [#tpu.dimension_semantics<core_parallel>, #tpu.dimension_semantics<subcore_parallel>], iteration_bounds = array<i64: 2, 16>, scalar_prefetch = 0 : i64, scratch_operands = 6 : i64, tpu.core_type = #tpu.core_type<sc_vector_subcore>, window_params = [{transform_indices = #map}, {transform_indices = #map1}, {transform_indices = #map1}, {transform_indices = #map2}]} {
    %mul3A = arith.constant 2 : i32
    %mul3A_0 = arith.muli %arg1, %mul3A : i32
    %add3A = arith.addi %mul3A_0, %arg0 : i32
    %mul3A_1 = arith.constant 512 : i32
    %mul3A_2 = arith.muli %add3A, %mul3A_1 : i32
    "tpu.region"() ({
      %run_scoped3A = tpu.sem_alloc : memref<!tpu.dma_semaphore, #tpu.memory_space<semaphore_mem>>
      %dma_start3A = arith.constant 0 : i32
      %dma_start3A_38 = arith.constant 0 : i32
      %dma_start3A_39 = tpu.memref_slice %arg2[%add3A, %dma_start3A, %dma_start3A_38] : memref<32x8x128xi32, #tpu.memory_space<hbm>> -> memref<1x8x128xi32, #tpu.memory_space<hbm>>
      %dma_start3A_40 = tpu.memref_squeeze %dma_start3A_39 : memref<1x8x128xi32, #tpu.memory_space<hbm>> -> memref<8x128xi32, #tpu.memory_space<hbm>>
      %dma_start3A_41 = arith.constant 0 : i32
      %dma_start3A_42 = arith.constant 0 : i32
      %dma_start3A_43 = tpu.memref_slice %arg2[%add3A, %dma_start3A_41, %dma_start3A_42] : memref<32x8x128xi32, #tpu.memory_space<hbm>> -> memref<1x8x128xi32, #tpu.memory_space<hbm>>
      %dma_start3A_44 = tpu.memref_squeeze %dma_start3A_43 : memref<1x8x128xi32, #tpu.memory_space<hbm>> -> memref<8x128xi32, #tpu.memory_space<hbm>>
      tpu.enqueue_dma source(%dma_start3A_44 : memref<8x128xi32, #tpu.memory_space<hbm>>) target(%arg6 : memref<8x128xi32, #tpu.memory_space<vmem>>) target_semaphore(%run_scoped3A : memref<!tpu.dma_semaphore, #tpu.memory_space<semaphore_mem>>)
      %dma_wait3A = arith.constant 0 : i32
      %dma_wait3A_45 = arith.constant 0 : i32
      %dma_wait3A_46 = tpu.memref_slice %arg2[%add3A, %dma_wait3A, %dma_wait3A_45] : memref<32x8x128xi32, #tpu.memory_space<hbm>> -> memref<1x8x128xi32, #tpu.memory_space<hbm>>
      %dma_wait3A_47 = tpu.memref_squeeze %dma_wait3A_46 : memref<1x8x128xi32, #tpu.memory_space<hbm>> -> memref<8x128xi32, #tpu.memory_space<hbm>>
      %dma_wait3A_48 = arith.constant 0 : i32
      %dma_wait3A_49 = arith.constant 0 : i32
      %dma_wait3A_50 = tpu.memref_slice %arg2[%add3A, %dma_wait3A_48, %dma_wait3A_49] : memref<32x8x128xi32, #tpu.memory_space<hbm>> -> memref<1x8x128xi32, #tpu.memory_space<hbm>>
      %dma_wait3A_51 = tpu.memref_squeeze %dma_wait3A_50 : memref<1x8x128xi32, #tpu.memory_space<hbm>> -> memref<8x128xi32, #tpu.memory_space<hbm>>
      tpu.wait_dma2 semaphore(%run_scoped3A : memref<!tpu.dma_semaphore, #tpu.memory_space<semaphore_mem>>) src(%dma_wait3A_51 : memref<8x128xi32, #tpu.memory_space<hbm>>) dst(%arg6 : memref<8x128xi32, #tpu.memory_space<vmem>>)
      tpu.yield
    }) : () -> ()
    %scan3A = arith.constant 0 : i32
    %scan3A_3 = arith.constant 0 : i32
    %scan3A_4 = arith.constant 16 : i32
    %scan3A_5 = arith.addi %scan3A_3, %scan3A_4 : i32
    %scan3A_6 = arith.constant 1 : i32
    scf.for %scan3A_38 = %scan3A_3 to %scan3A_5 step %scan3A_6  : i32 {
      %add3A_39 = arith.constant 0 : i32
      %add3A_40 = arith.addi %scan3A_38, %add3A_39 : i32
      %jit3A = arith.constant 8 : i32
      %div3A = arith.divsi %add3A_40, %jit3A : i32
      %sign3A = arith.constant 0 : i32
      %sign3A_41 = arith.cmpi sgt, %add3A_40, %sign3A : i32
      %sign3A_42 = arith.extui %sign3A_41 : i1 to i32
      %sign3A_43 = arith.constant 0 : i32
      %sign3A_44 = arith.cmpi slt, %add3A_40, %sign3A_43 : i32
      %sign3A_45 = arith.extui %sign3A_44 : i1 to i32
      %sign3A_46 = arith.subi %sign3A_42, %sign3A_45 : i32
      %sign3A_47 = arith.constant 0 : i32
      %sign3A_48 = arith.cmpi sgt, %jit3A, %sign3A_47 : i32
      %sign3A_49 = arith.extui %sign3A_48 : i1 to i32
      %sign3A_50 = arith.constant 0 : i32
      %sign3A_51 = arith.cmpi slt, %jit3A, %sign3A_50 : i32
      %sign3A_52 = arith.extui %sign3A_51 : i1 to i32
      %sign3A_53 = arith.subi %sign3A_49, %sign3A_52 : i32
      %ne3A = arith.cmpi ne, %sign3A_46, %sign3A_53 : i32
      %rem3A = arith.remsi %add3A_40, %jit3A : i32
      %ne3A_54 = arith.constant 0 : i32
      %ne3A_55 = arith.cmpi ne, %rem3A, %ne3A_54 : i32
      %and3A = arith.andi %ne3A, %ne3A_55 : i1
      %sub3A = arith.constant 1 : i32
      %sub3A_56 = arith.subi %div3A, %sub3A : i32
      %select_n3A = arith.select %and3A, %sub3A_56, %div3A : i32
      %jit3A_57 = arith.constant 8 : i32
      %eq3A = arith.constant 0 : i32
      %eq3A_58 = arith.cmpi eq, %jit3A_57, %eq3A : i32
      %jit3A_59 = arith.constant 1 : i32
      %select_n3A_60 = arith.select %eq3A_58, %jit3A_59, %jit3A_57 : i32
      %rem3A_61 = arith.remsi %add3A_40, %select_n3A_60 : i32
      %ne3A_62 = arith.constant 0 : i32
      %ne3A_63 = arith.cmpi ne, %rem3A_61, %ne3A_62 : i32
      %lt3A = arith.constant 0 : i32
      %lt3A_64 = arith.cmpi slt, %rem3A_61, %lt3A : i32
      %lt3A_65 = arith.constant 0 : i32
      %lt3A_66 = arith.cmpi slt, %select_n3A_60, %lt3A_65 : i32
      %ne3A_67 = arith.xori %lt3A_64, %lt3A_66 : i1
      %and3A_68 = arith.andi %ne3A_67, %ne3A_63 : i1
      %add3A_69 = arith.addi %rem3A_61, %select_n3A_60 : i32
      %select_n3A_70 = arith.select %and3A_68, %add3A_69, %rem3A_61 : i32
      %mul3A_71 = arith.constant 16 : i32
      %mul3A_72 = arith.muli %select_n3A_70, %mul3A_71 : i32
      %get3A = arith.index_cast %select_n3A : i32 to index
      %get3A_73 = arith.index_cast %mul3A_72 : i32 to index
      %get3A_74 = tpu.vector_load %arg6[%get3A, %get3A_73] {strides = array<i32>} : memref<8x128xi32, #tpu.memory_space<vmem>>, vector<16xi32>,
      %add3A_75 = arith.constant 4 : i32
      %add3A_76 = arith.addi %add3A_75, %select_n3A : i32
      %get3A_77 = arith.index_cast %add3A_76 : i32 to index
      %get3A_78 = arith.index_cast %mul3A_72 : i32 to index
      %get3A_79 = tpu.vector_load %arg6[%get3A_77, %get3A_78] {strides = array<i32>} : memref<8x128xi32, #tpu.memory_space<vmem>>, vector<16xi32>,
      %sub3A_80 = arith.constant 0 : i32
      %sub3A_81 = arith.subi %add3A_40, %sub3A_80 : i32
      %mul3A_82 = arith.constant 16 : i32
      %mul3A_83 = arith.muli %sub3A_81, %mul3A_82 : i32
      %add3A_84 = arith.constant 0 : i32
      %add3A_85 = arith.addi %mul3A_83, %add3A_84 : i32
      %slice3A = vector.extract_strided_slice %get3A_74 {offsets = [0], sizes = [1], strides = [1]} : vector<16xi32> to vector<1xi32>
      %squeeze3A = vector.extract %slice3A[0] : i32 from vector<1xi32>
      %dma_start3A = arith.constant 0 : i32
      %dma_start3A_86 = tpu.memref_slice %arg7[%add3A_85, %dma_start3A] : memref<256x32xf32, #tpu.memory_space<vmem>> -> memref<1x32xf32, #tpu.memory_space<vmem>>
      %dma_start3A_87 = arith.constant 0 : i32
      %dma_start3A_88 = tpu.memref_slice %arg3[%squeeze3A, %dma_start3A_87] : memref<1000000x32xf32, #tpu.memory_space<hbm>> -> memref<1x32xf32, #tpu.memory_space<hbm>>
      %dma_start3A_89 = arith.constant 0 : i32
      %dma_start3A_90 = tpu.memref_slice %arg7[%add3A_85, %dma_start3A_89] : memref<256x32xf32, #tpu.memory_space<vmem>> -> memref<1x32xf32, #tpu.memory_space<vmem>>
      %dma_start3A_91 = arith.constant 0 : i32
      %dma_start3A_92 = tpu.memref_slice %arg3[%squeeze3A, %dma_start3A_91] : memref<1000000x32xf32, #tpu.memory_space<hbm>> -> memref<1x32xf32, #tpu.memory_space<hbm>>
      tpu.enqueue_dma source(%dma_start3A_92 : memref<1x32xf32, #tpu.memory_space<hbm>>) target(%dma_start3A_90 : memref<1x32xf32, #tpu.memory_space<vmem>>) target_semaphore(%arg10 : memref<!tpu.dma_semaphore, #tpu.memory_space<semaphore_mem>>)
      %slice3A_93 = vector.extract_strided_slice %get3A_79 {offsets = [0], sizes = [1], strides = [1]} : vector<16xi32> to vector<1xi32>
      %squeeze3A_94 = vector.extract %slice3A_93[0] : i32 from vector<1xi32>
      %dma_start3A_95 = arith.constant 0 : i32
      %dma_start3A_96 = tpu.memref_slice %arg8[%add3A_85, %dma_start3A_95] : memref<256x32xf32, #tpu.memory_space<vmem>> -> memref<1x32xf32, #tpu.memory_space<vmem>>
      %dma_start3A_97 = arith.constant 0 : i32
      %dma_start3A_98 = tpu.memref_slice %arg4[%squeeze3A_94, %dma_start3A_97] : memref<1000000x32xf32, #tpu.memory_space<hbm>> -> memref<1x32xf32, #tpu.memory_space<hbm>>
      %dma_start3A_99 = arith.constant 0 : i32
      %dma_start3A_100 = tpu.memref_slice %arg8[%add3A_85, %dma_start3A_99] : memref<256x32xf32, #tpu.memory_space<vmem>> -> memref<1x32xf32, #tpu.memory_space<vmem>>
      %dma_start3A_101 = arith.constant 0 : i32
      %dma_start3A_102 = tpu.memref_slice %arg4[%squeeze3A_94, %dma_start3A_101] : memref<1000000x32xf32, #tpu.memory_space<hbm>> -> memref<1x32xf32, #tpu.memory_space<hbm>>
      tpu.enqueue_dma source(%dma_start3A_102 : memref<1x32xf32, #tpu.memory_space<hbm>>) target(%dma_start3A_100 : memref<1x32xf32, #tpu.memory_space<vmem>>) target_semaphore(%arg11 : memref<!tpu.dma_semaphore, #tpu.memory_space<semaphore_mem>>)
      %sub3A_103 = arith.constant 0 : i32
      %sub3A_104 = arith.subi %add3A_40, %sub3A_103 : i32
      %mul3A_105 = arith.constant 16 : i32
      %mul3A_106 = arith.muli %sub3A_104, %mul3A_105 : i32
      %add3A_107 = arith.constant 1 : i32
      %add3A_108 = arith.addi %mul3A_106, %add3A_107 : i32
      %slice3A_109 = vector.extract_strided_slice %get3A_74 {offsets = [1], sizes = [1], strides = [1]} : vector<16xi32> to vector<1xi32>
      %squeeze3A_110 = vector.extract %slice3A_109[0] : i32 from vector<1xi32>
      %dma_start3A_111 = arith.constant 0 : i32
      %dma_start3A_112 = tpu.memref_slice %arg7[%add3A_108, %dma_start3A_111] : memref<256x32xf32, #tpu.memory_space<vmem>> -> memref<1x32xf32, #tpu.memory_space<vmem>>
      %dma_start3A_113 = arith.constant 0 : i32
      %dma_start3A_114 = tpu.memref_slice %arg3[%squeeze3A_110, %dma_start3A_113] : memref<1000000x32xf32, #tpu.memory_space<hbm>> -> memref<1x32xf32, #tpu.memory_space<hbm>>
      %dma_start3A_115 = arith.constant 0 : i32
      %dma_start3A_116 = tpu.memref_slice %arg7[%add3A_108, %dma_start3A_115] : memref<256x32xf32, #tpu.memory_space<vmem>> -> memref<1x32xf32, #tpu.memory_space<vmem>>
      %dma_start3A_117 = arith.constant 0 : i32
      %dma_start3A_118 = tpu.memref_slice %arg3[%squeeze3A_110, %dma_start3A_117] : memref<1000000x32xf32, #tpu.memory_space<hbm>> -> memref<1x32xf32, #tpu.memory_space<hbm>>
      tpu.enqueue_dma source(%dma_start3A_118 : memref<1x32xf32, #tpu.memory_space<hbm>>) target(%dma_start3A_116 : memref<1x32xf32, #tpu.memory_space<vmem>>) target_semaphore(%arg10 : memref<!tpu.dma_semaphore, #tpu.memory_space<semaphore_mem>>)
      %slice3A_119 = vector.extract_strided_slice %get3A_79 {offsets = [1], sizes = [1], strides = [1]} : vector<16xi32> to vector<1xi32>
      %squeeze3A_120 = vector.extract %slice3A_119[0] : i32 from vector<1xi32>
      %dma_start3A_121 = arith.constant 0 : i32
      %dma_start3A_122 = tpu.memref_slice %arg8[%add3A_108, %dma_start3A_121] : memref<256x32xf32, #tpu.memory_space<vmem>> -> memref<1x32xf32, #tpu.memory_space<vmem>>
      %dma_start3A_123 = arith.constant 0 : i32
      %dma_start3A_124 = tpu.memref_slice %arg4[%squeeze3A_120, %dma_start3A_123] : memref<1000000x32xf32, #tpu.memory_space<hbm>> -> memref<1x32xf32, #tpu.memory_space<hbm>>
      %dma_start3A_125 = arith.constant 0 : i32
      %dma_start3A_126 = tpu.memref_slice %arg8[%add3A_108, %dma_start3A_125] : memref<256x32xf32, #tpu.memory_space<vmem>> -> memref<1x32xf32, #tpu.memory_space<vmem>>
      %dma_start3A_127 = arith.constant 0 : i32
      %dma_start3A_128 = tpu.memref_slice %arg4[%squeeze3A_120, %dma_start3A_127] : memref<1000000x32xf32, #tpu.memory_space<hbm>> -> memref<1x32xf32, #tpu.memory_space<hbm>>
      tpu.enqueue_dma source(%dma_start3A_128 : memref<1x32xf32, #tpu.memory_space<hbm>>) target(%dma_start3A_126 : memref<1x32xf32, #tpu.memory_space<vmem>>) target_semaphore(%arg11 : memref<!tpu.dma_semaphore, #tpu.memory_space<semaphore_mem>>)
      %sub3A_129 = arith.constant 0 : i32
      %sub3A_130 = arith.subi %add3A_40, %sub3A_129 : i32
      %mul3A_131 = arith.constant 16 : i32
      %mul3A_132 = arith.muli %sub3A_130, %mul3A_131 : i32
      %add3A_133 = arith.constant 2 : i32
      %add3A_134 = arith.addi %mul3A_132, %add3A_133 : i32
      %slice3A_135 = vector.extract_strided_slice %get3A_74 {offsets = [2], sizes = [1], strides = [1]} : vector<16xi32> to vector<1xi32>
      %squeeze3A_136 = vector.extract %slice3A_135[0] : i32 from vector<1xi32>
      %dma_start3A_137 = arith.constant 0 : i32
      %dma_start3A_138 = tpu.memref_slice %arg7[%add3A_134, %dma_start3A_137] : memref<256x32xf32, #tpu.memory_space<vmem>> -> memref<1x32xf32, #tpu.memory_space<vmem>>
      %dma_start3A_139 = arith.constant 0 : i32
      %dma_start3A_140 = tpu.memref_slice %arg3[%squeeze3A_136, %dma_start3A_139] : memref<1000000x32xf32, #tpu.memory_space<hbm>> -> memref<1x32xf32, #tpu.memory_space<hbm>>
      %dma_start3A_141 = arith.constant 0 : i32
      %dma_start3A_142 = tpu.memref_slice %arg7[%add3A_134, %dma_start3A_141] : memref<256x32xf32, #tpu.memory_space<vmem>> -> memref<1x32xf32, #tpu.memory_space<vmem>>
      %dma_start3A_143 = arith.constant 0 : i32
      %dma_start3A_144 = tpu.memref_slice %arg3[%squeeze3A_136, %dma_start3A_143] : memref<1000000x32xf32, #tpu.memory_space<hbm>> -> memref<1x32xf32, #tpu.memory_space<hbm>>
      tpu.enqueue_dma source(%dma_start3A_144 : memref<1x32xf32, #tpu.memory_space<hbm>>) target(%dma_start3A_142 : memref<1x32xf32, #tpu.memory_space<vmem>>) target_semaphore(%arg10 : memref<!tpu.dma_semaphore, #tpu.memory_space<semaphore_mem>>)
      %slice3A_145 = vector.extract_strided_slice %get3A_79 {offsets = [2], sizes = [1], strides = [1]} : vector<16xi32> to vector<1xi32>
      %squeeze3A_146 = vector.extract %slice3A_145[0] : i32 from vector<1xi32>
      %dma_start3A_147 = arith.constant 0 : i32
      %dma_start3A_148 = tpu.memref_slice %arg8[%add3A_134, %dma_start3A_147] : memref<256x32xf32, #tpu.memory_space<vmem>> -> memref<1x32xf32, #tpu.memory_space<vmem>>
      %dma_start3A_149 = arith.constant 0 : i32
      %dma_start3A_150 = tpu.memref_slice %arg4[%squeeze3A_146, %dma_start3A_149] : memref<1000000x32xf32, #tpu.memory_space<hbm>> -> memref<1x32xf32, #tpu.memory_space<hbm>>
      %dma_start3A_151 = arith.constant 0 : i32
      %dma_start3A_152 = tpu.memref_slice %arg8[%add3A_134, %dma_start3A_151] : memref<256x32xf32, #tpu.memory_space<vmem>> -> memref<1x32xf32, #tpu.memory_space<vmem>>
      %dma_start3A_153 = arith.constant 0 : i32
      %dma_start3A_154 = tpu.memref_slice %arg4[%squeeze3A_146, %dma_start3A_153] : memref<1000000x32xf32, #tpu.memory_space<hbm>> -> memref<1x32xf32, #tpu.memory_space<hbm>>
      tpu.enqueue_dma source(%dma_start3A_154 : memref<1x32xf32, #tpu.memory_space<hbm>>) target(%dma_start3A_152 : memref<1x32xf32, #tpu.memory_space<vmem>>) target_semaphore(%arg11 : memref<!tpu.dma_semaphore, #tpu.memory_space<semaphore_mem>>)
      %sub3A_155 = arith.constant 0 : i32
      %sub3A_156 = arith.subi %add3A_40, %sub3A_155 : i32
      %mul3A_157 = arith.constant 16 : i32
      %mul3A_158 = arith.muli %sub3A_156, %mul3A_157 : i32
      %add3A_159 = arith.constant 3 : i32
      %add3A_160 = arith.addi %mul3A_158, %add3A_159 : i32
      %slice3A_161 = vector.extract_strided_slice %get3A_74 {offsets = [3], sizes = [1], strides = [1]} : vector<16xi32> to vector<1xi32>
      %squeeze3A_162 = vector.extract %slice3A_161[0] : i32 from vector<1xi32>
      %dma_start3A_163 = arith.constant 0 : i32
      %dma_start3A_164 = tpu.memref_slice %arg7[%add3A_160, %dma_start3A_163] : memref<256x32xf32, #tpu.memory_space<vmem>> -> memref<1x32xf32, #tpu.memory_space<vmem>>
      %dma_start3A_165 = arith.constant 0 : i32
      %dma_start3A_166 = tpu.memref_slice %arg3[%squeeze3A_162, %dma_start3A_165] : memref<1000000x32xf32, #tpu.memory_space<hbm>> -> memref<1x32xf32, #tpu.memory_space<hbm>>
      %dma_start3A_167 = arith.constant 0 : i32
      %dma_start3A_168 = tpu.memref_slice %arg7[%add3A_160, %dma_start3A_167] : memref<256x32xf32, #tpu.memory_space<vmem>> -> memref<1x32xf32, #tpu.memory_space<vmem>>
      %dma_start3A_169 = arith.constant 0 : i32
      %dma_start3A_170 = tpu.memref_slice %arg3[%squeeze3A_162, %dma_start3A_169] : memref<1000000x32xf32, #tpu.memory_space<hbm>> -> memref<1x32xf32, #tpu.memory_space<hbm>>
      tpu.enqueue_dma source(%dma_start3A_170 : memref<1x32xf32, #tpu.memory_space<hbm>>) target(%dma_start3A_168 : memref<1x32xf32, #tpu.memory_space<vmem>>) target_semaphore(%arg10 : memref<!tpu.dma_semaphore, #tpu.memory_space<semaphore_mem>>)
      %slice3A_171 = vector.extract_strided_slice %get3A_79 {offsets = [3], sizes = [1], strides = [1]} : vector<16xi32> to vector<1xi32>
      %squeeze3A_172 = vector.extract %slice3A_171[0] : i32 from vector<1xi32>
      %dma_start3A_173 = arith.constant 0 : i32
      %dma_start3A_174 = tpu.memref_slice %arg8[%add3A_160, %dma_start3A_173] : memref<256x32xf32, #tpu.memory_space<vmem>> -> memref<1x32xf32, #tpu.memory_space<vmem>>
      %dma_start3A_175 = arith.constant 0 : i32
      %dma_start3A_176 = tpu.memref_slice %arg4[%squeeze3A_172, %dma_start3A_175] : memref<1000000x32xf32, #tpu.memory_space<hbm>> -> memref<1x32xf32, #tpu.memory_space<hbm>>
      %dma_start3A_177 = arith.constant 0 : i32
      %dma_start3A_178 = tpu.memref_slice %arg8[%add3A_160, %dma_start3A_177] : memref<256x32xf32, #tpu.memory_space<vmem>> -> memref<1x32xf32, #tpu.memory_space<vmem>>
      %dma_start3A_179 = arith.constant 0 : i32
      %dma_start3A_180 = tpu.memref_slice %arg4[%squeeze3A_172, %dma_start3A_179] : memref<1000000x32xf32, #tpu.memory_space<hbm>> -> memref<1x32xf32, #tpu.memory_space<hbm>>
      tpu.enqueue_dma source(%dma_start3A_180 : memref<1x32xf32, #tpu.memory_space<hbm>>) target(%dma_start3A_178 : memref<1x32xf32, #tpu.memory_space<vmem>>) target_semaphore(%arg11 : memref<!tpu.dma_semaphore, #tpu.memory_space<semaphore_mem>>)
      %sub3A_181 = arith.constant 0 : i32
      %sub3A_182 = arith.subi %add3A_40, %sub3A_181 : i32
      %mul3A_183 = arith.constant 16 : i32
      %mul3A_184 = arith.muli %sub3A_182, %mul3A_183 : i32
      %add3A_185 = arith.constant 4 : i32
      %add3A_186 = arith.addi %mul3A_184, %add3A_185 : i32
      %slice3A_187 = vector.extract_strided_slice %get3A_74 {offsets = [4], sizes = [1], strides = [1]} : vector<16xi32> to vector<1xi32>
      %squeeze3A_188 = vector.extract %slice3A_187[0] : i32 from vector<1xi32>
      %dma_start3A_189 = arith.constant 0 : i32
      %dma_start3A_190 = tpu.memref_slice %arg7[%add3A_186, %dma_start3A_189] : memref<256x32xf32, #tpu.memory_space<vmem>> -> memref<1x32xf32, #tpu.memory_space<vmem>>
      %dma_start3A_191 = arith.constant 0 : i32
      %dma_start3A_192 = tpu.memref_slice %arg3[%squeeze3A_188, %dma_start3A_191] : memref<1000000x32xf32, #tpu.memory_space<hbm>> -> memref<1x32xf32, #tpu.memory_space<hbm>>
      %dma_start3A_193 = arith.constant 0 : i32
      %dma_start3A_194 = tpu.memref_slice %arg7[%add3A_186, %dma_start3A_193] : memref<256x32xf32, #tpu.memory_space<vmem>> -> memref<1x32xf32, #tpu.memory_space<vmem>>
      %dma_start3A_195 = arith.constant 0 : i32
      %dma_start3A_196 = tpu.memref_slice %arg3[%squeeze3A_188, %dma_start3A_195] : memref<1000000x32xf32, #tpu.memory_space<hbm>> -> memref<1x32xf32, #tpu.memory_space<hbm>>
      tpu.enqueue_dma source(%dma_start3A_196 : memref<1x32xf32, #tpu.memory_space<hbm>>) target(%dma_start3A_194 : memref<1x32xf32, #tpu.memory_space<vmem>>) target_semaphore(%arg10 : memref<!tpu.dma_semaphore, #tpu.memory_space<semaphore_mem>>)
      %slice3A_197 = vector.extract_strided_slice %get3A_79 {offsets = [4], sizes = [1], strides = [1]} : vector<16xi32> to vector<1xi32>
      %squeeze3A_198 = vector.extract %slice3A_197[0] : i32 from vector<1xi32>
      %dma_start3A_199 = arith.constant 0 : i32
      %dma_start3A_200 = tpu.memref_slice %arg8[%add3A_186, %dma_start3A_199] : memref<256x32xf32, #tpu.memory_space<vmem>> -> memref<1x32xf32, #tpu.memory_space<vmem>>
      %dma_start3A_201 = arith.constant 0 : i32
      %dma_start3A_202 = tpu.memref_slice %arg4[%squeeze3A_198, %dma_start3A_201] : memref<1000000x32xf32, #tpu.memory_space<hbm>> -> memref<1x32xf32, #tpu.memory_space<hbm>>
      %dma_start3A_203 = arith.constant 0 : i32
      %dma_start3A_204 = tpu.memref_slice %arg8[%add3A_186, %dma_start3A_203] : memref<256x32xf32, #tpu.memory_space<vmem>> -> memref<1x32xf32, #tpu.memory_space<vmem>>
      %dma_start3A_205 = arith.constant 0 : i32
      %dma_start3A_206 = tpu.memref_slice %arg4[%squeeze3A_198, %dma_start3A_205] : memref<1000000x32xf32, #tpu.memory_space<hbm>> -> memref<1x32xf32, #tpu.memory_space<hbm>>
      tpu.enqueue_dma source(%dma_start3A_206 : memref<1x32xf32, #tpu.memory_space<hbm>>) target(%dma_start3A_204 : memref<1x32xf32, #tpu.memory_space<vmem>>) target_semaphore(%arg11 : memref<!tpu.dma_semaphore, #tpu.memory_space<semaphore_mem>>)
      %sub3A_207 = arith.constant 0 : i32
      %sub3A_208 = arith.subi %add3A_40, %sub3A_207 : i32
      %mul3A_209 = arith.constant 16 : i32
      %mul3A_210 = arith.muli %sub3A_208, %mul3A_209 : i32
      %add3A_211 = arith.constant 5 : i32
      %add3A_212 = arith.addi %mul3A_210, %add3A_211 : i32
      %slice3A_213 = vector.extract_strided_slice %get3A_74 {offsets = [5], sizes = [1], strides = [1]} : vector<16xi32> to vector<1xi32>
      %squeeze3A_214 = vector.extract %slice3A_213[0] : i32 from vector<1xi32>
      %dma_start3A_215 = arith.constant 0 : i32
      %dma_start3A_216 = tpu.memref_slice %arg7[%add3A_212, %dma_start3A_215] : memref<256x32xf32, #tpu.memory_space<vmem>> -> memref<1x32xf32, #tpu.memory_space<vmem>>
      %dma_start3A_217 = arith.constant 0 : i32
      %dma_start3A_218 = tpu.memref_slice %arg3[%squeeze3A_214, %dma_start3A_217] : memref<1000000x32xf32, #tpu.memory_space<hbm>> -> memref<1x32xf32, #tpu.memory_space<hbm>>
      %dma_start3A_219 = arith.constant 0 : i32
      %dma_start3A_220 = tpu.memref_slice %arg7[%add3A_212, %dma_start3A_219] : memref<256x32xf32, #tpu.memory_space<vmem>> -> memref<1x32xf32, #tpu.memory_space<vmem>>
      %dma_start3A_221 = arith.constant 0 : i32
      %dma_start3A_222 = tpu.memref_slice %arg3[%squeeze3A_214, %dma_start3A_221] : memref<1000000x32xf32, #tpu.memory_space<hbm>> -> memref<1x32xf32, #tpu.memory_space<hbm>>
      tpu.enqueue_dma source(%dma_start3A_222 : memref<1x32xf32, #tpu.memory_space<hbm>>) target(%dma_start3A_220 : memref<1x32xf32, #tpu.memory_space<vmem>>) target_semaphore(%arg10 : memref<!tpu.dma_semaphore, #tpu.memory_space<semaphore_mem>>)
      %slice3A_223 = vector.extract_strided_slice %get3A_79 {offsets = [5], sizes = [1], strides = [1]} : vector<16xi32> to vector<1xi32>
      %squeeze3A_224 = vector.extract %slice3A_223[0] : i32 from vector<1xi32>
      %dma_start3A_225 = arith.constant 0 : i32
      %dma_start3A_226 = tpu.memref_slice %arg8[%add3A_212, %dma_start3A_225] : memref<256x32xf32, #tpu.memory_space<vmem>> -> memref<1x32xf32, #tpu.memory_space<vmem>>
      %dma_start3A_227 = arith.constant 0 : i32
      %dma_start3A_228 = tpu.memref_slice %arg4[%squeeze3A_224, %dma_start3A_227] : memref<1000000x32xf32, #tpu.memory_space<hbm>> -> memref<1x32xf32, #tpu.memory_space<hbm>>
      %dma_start3A_229 = arith.constant 0 : i32
      %dma_start3A_230 = tpu.memref_slice %arg8[%add3A_212, %dma_start3A_229] : memref<256x32xf32, #tpu.memory_space<vmem>> -> memref<1x32xf32, #tpu.memory_space<vmem>>
      %dma_start3A_231 = arith.constant 0 : i32
      %dma_start3A_232 = tpu.memref_slice %arg4[%squeeze3A_224, %dma_start3A_231] : memref<1000000x32xf32, #tpu.memory_space<hbm>> -> memref<1x32xf32, #tpu.memory_space<hbm>>
      tpu.enqueue_dma source(%dma_start3A_232 : memref<1x32xf32, #tpu.memory_space<hbm>>) target(%dma_start3A_230 : memref<1x32xf32, #tpu.memory_space<vmem>>) target_semaphore(%arg11 : memref<!tpu.dma_semaphore, #tpu.memory_space<semaphore_mem>>)
      %sub3A_233 = arith.constant 0 : i32
      %sub3A_234 = arith.subi %add3A_40, %sub3A_233 : i32
      %mul3A_235 = arith.constant 16 : i32
      %mul3A_236 = arith.muli %sub3A_234, %mul3A_235 : i32
      %add3A_237 = arith.constant 6 : i32
      %add3A_238 = arith.addi %mul3A_236, %add3A_237 : i32
      %slice3A_239 = vector.extract_strided_slice %get3A_74 {offsets = [6], sizes = [1], strides = [1]} : vector<16xi32> to vector<1xi32>
      %squeeze3A_240 = vector.extract %slice3A_239[0] : i32 from vector<1xi32>
      %dma_start3A_241 = arith.constant 0 : i32
      %dma_start3A_242 = tpu.memref_slice %arg7[%add3A_238, %dma_start3A_241] : memref<256x32xf32, #tpu.memory_space<vmem>> -> memref<1x32xf32, #tpu.memory_space<vmem>>
      %dma_start3A_243 = arith.constant 0 : i32
      %dma_start3A_244 = tpu.memref_slice %arg3[%squeeze3A_240, %dma_start3A_243] : memref<1000000x32xf32, #tpu.memory_space<hbm>> -> memref<1x32xf32, #tpu.memory_space<hbm>>
      %dma_start3A_245 = arith.constant 0 : i32
      %dma_start3A_246 = tpu.memref_slice %arg7[%add3A_238, %dma_start3A_245] : memref<256x32xf32, #tpu.memory_space<vmem>> -> memref<1x32xf32, #tpu.memory_space<vmem>>
      %dma_start3A_247 = arith.constant 0 : i32
      %dma_start3A_248 = tpu.memref_slice %arg3[%squeeze3A_240, %dma_start3A_247] : memref<1000000x32xf32, #tpu.memory_space<hbm>> -> memref<1x32xf32, #tpu.memory_space<hbm>>
      tpu.enqueue_dma source(%dma_start3A_248 : memref<1x32xf32, #tpu.memory_space<hbm>>) target(%dma_start3A_246 : memref<1x32xf32, #tpu.memory_space<vmem>>) target_semaphore(%arg10 : memref<!tpu.dma_semaphore, #tpu.memory_space<semaphore_mem>>)
      %slice3A_249 = vector.extract_strided_slice %get3A_79 {offsets = [6], sizes = [1], strides = [1]} : vector<16xi32> to vector<1xi32>
      %squeeze3A_250 = vector.extract %slice3A_249[0] : i32 from vector<1xi32>
      %dma_start3A_251 = arith.constant 0 : i32
      %dma_start3A_252 = tpu.memref_slice %arg8[%add3A_238, %dma_start3A_251] : memref<256x32xf32, #tpu.memory_space<vmem>> -> memref<1x32xf32, #tpu.memory_space<vmem>>
      %dma_start3A_253 = arith.constant 0 : i32
      %dma_start3A_254 = tpu.memref_slice %arg4[%squeeze3A_250, %dma_start3A_253] : memref<1000000x32xf32, #tpu.memory_space<hbm>> -> memref<1x32xf32, #tpu.memory_space<hbm>>
      %dma_start3A_255 = arith.constant 0 : i32
      %dma_start3A_256 = tpu.memref_slice %arg8[%add3A_238, %dma_start3A_255] : memref<256x32xf32, #tpu.memory_space<vmem>> -> memref<1x32xf32, #tpu.memory_space<vmem>>
      %dma_start3A_257 = arith.constant 0 : i32
      %dma_start3A_258 = tpu.memref_slice %arg4[%squeeze3A_250, %dma_start3A_257] : memref<1000000x32xf32, #tpu.memory_space<hbm>> -> memref<1x32xf32, #tpu.memory_space<hbm>>
      tpu.enqueue_dma source(%dma_start3A_258 : memref<1x32xf32, #tpu.memory_space<hbm>>) target(%dma_start3A_256 : memref<1x32xf32, #tpu.memory_space<vmem>>) target_semaphore(%arg11 : memref<!tpu.dma_semaphore, #tpu.memory_space<semaphore_mem>>)
      %sub3A_259 = arith.constant 0 : i32
      %sub3A_260 = arith.subi %add3A_40, %sub3A_259 : i32
      %mul3A_261 = arith.constant 16 : i32
      %mul3A_262 = arith.muli %sub3A_260, %mul3A_261 : i32
      %add3A_263 = arith.constant 7 : i32
      %add3A_264 = arith.addi %mul3A_262, %add3A_263 : i32
      %slice3A_265 = vector.extract_strided_slice %get3A_74 {offsets = [7], sizes = [1], strides = [1]} : vector<16xi32> to vector<1xi32>
      %squeeze3A_266 = vector.extract %slice3A_265[0] : i32 from vector<1xi32>
      %dma_start3A_267 = arith.constant 0 : i32
      %dma_start3A_268 = tpu.memref_slice %arg7[%add3A_264, %dma_start3A_267] : memref<256x32xf32, #tpu.memory_space<vmem>> -> memref<1x32xf32, #tpu.memory_space<vmem>>
      %dma_start3A_269 = arith.constant 0 : i32
      %dma_start3A_270 = tpu.memref_slice %arg3[%squeeze3A_266, %dma_start3A_269] : memref<1000000x32xf32, #tpu.memory_space<hbm>> -> memref<1x32xf32, #tpu.memory_space<hbm>>
      %dma_start3A_271 = arith.constant 0 : i32
      %dma_start3A_272 = tpu.memref_slice %arg7[%add3A_264, %dma_start3A_271] : memref<256x32xf32, #tpu.memory_space<vmem>> -> memref<1x32xf32, #tpu.memory_space<vmem>>
      %dma_start3A_273 = arith.constant 0 : i32
      %dma_start3A_274 = tpu.memref_slice %arg3[%squeeze3A_266, %dma_start3A_273] : memref<1000000x32xf32, #tpu.memory_space<hbm>> -> memref<1x32xf32, #tpu.memory_space<hbm>>
      tpu.enqueue_dma source(%dma_start3A_274 : memref<1x32xf32, #tpu.memory_space<hbm>>) target(%dma_start3A_272 : memref<1x32xf32, #tpu.memory_space<vmem>>) target_semaphore(%arg10 : memref<!tpu.dma_semaphore, #tpu.memory_space<semaphore_mem>>)
      %slice3A_275 = vector.extract_strided_slice %get3A_79 {offsets = [7], sizes = [1], strides = [1]} : vector<16xi32> to vector<1xi32>
      %squeeze3A_276 = vector.extract %slice3A_275[0] : i32 from vector<1xi32>
      %dma_start3A_277 = arith.constant 0 : i32
      %dma_start3A_278 = tpu.memref_slice %arg8[%add3A_264, %dma_start3A_277] : memref<256x32xf32, #tpu.memory_space<vmem>> -> memref<1x32xf32, #tpu.memory_space<vmem>>
      %dma_start3A_279 = arith.constant 0 : i32
      %dma_start3A_280 = tpu.memref_slice %arg4[%squeeze3A_276, %dma_start3A_279] : memref<1000000x32xf32, #tpu.memory_space<hbm>> -> memref<1x32xf32, #tpu.memory_space<hbm>>
      %dma_start3A_281 = arith.constant 0 : i32
      %dma_start3A_282 = tpu.memref_slice %arg8[%add3A_264, %dma_start3A_281] : memref<256x32xf32, #tpu.memory_space<vmem>> -> memref<1x32xf32, #tpu.memory_space<vmem>>
      %dma_start3A_283 = arith.constant 0 : i32
      %dma_start3A_284 = tpu.memref_slice %arg4[%squeeze3A_276, %dma_start3A_283] : memref<1000000x32xf32, #tpu.memory_space<hbm>> -> memref<1x32xf32, #tpu.memory_space<hbm>>
      tpu.enqueue_dma source(%dma_start3A_284 : memref<1x32xf32, #tpu.memory_space<hbm>>) target(%dma_start3A_282 : memref<1x32xf32, #tpu.memory_space<vmem>>) target_semaphore(%arg11 : memref<!tpu.dma_semaphore, #tpu.memory_space<semaphore_mem>>)
      %sub3A_285 = arith.constant 0 : i32
      %sub3A_286 = arith.subi %add3A_40, %sub3A_285 : i32
      %mul3A_287 = arith.constant 16 : i32
      %mul3A_288 = arith.muli %sub3A_286, %mul3A_287 : i32
      %add3A_289 = arith.constant 8 : i32
      %add3A_290 = arith.addi %mul3A_288, %add3A_289 : i32
      %slice3A_291 = vector.extract_strided_slice %get3A_74 {offsets = [8], sizes = [1], strides = [1]} : vector<16xi32> to vector<1xi32>
      %squeeze3A_292 = vector.extract %slice3A_291[0] : i32 from vector<1xi32>
      %dma_start3A_293 = arith.constant 0 : i32
      %dma_start3A_294 = tpu.memref_slice %arg7[%add3A_290, %dma_start3A_293] : memref<256x32xf32, #tpu.memory_space<vmem>> -> memref<1x32xf32, #tpu.memory_space<vmem>>
      %dma_start3A_295 = arith.constant 0 : i32
      %dma_start3A_296 = tpu.memref_slice %arg3[%squeeze3A_292, %dma_start3A_295] : memref<1000000x32xf32, #tpu.memory_space<hbm>> -> memref<1x32xf32, #tpu.memory_space<hbm>>
      %dma_start3A_297 = arith.constant 0 : i32
      %dma_start3A_298 = tpu.memref_slice %arg7[%add3A_290, %dma_start3A_297] : memref<256x32xf32, #tpu.memory_space<vmem>> -> memref<1x32xf32, #tpu.memory_space<vmem>>
      %dma_start3A_299 = arith.constant 0 : i32
      %dma_start3A_300 = tpu.memref_slice %arg3[%squeeze3A_292, %dma_start3A_299] : memref<1000000x32xf32, #tpu.memory_space<hbm>> -> memref<1x32xf32, #tpu.memory_space<hbm>>
      tpu.enqueue_dma source(%dma_start3A_300 : memref<1x32xf32, #tpu.memory_space<hbm>>) target(%dma_start3A_298 : memref<1x32xf32, #tpu.memory_space<vmem>>) target_semaphore(%arg10 : memref<!tpu.dma_semaphore, #tpu.memory_space<semaphore_mem>>)
      %slice3A_301 = vector.extract_strided_slice %get3A_79 {offsets = [8], sizes = [1], strides = [1]} : vector<16xi32> to vector<1xi32>
      %squeeze3A_302 = vector.extract %slice3A_301[0] : i32 from vector<1xi32>
      %dma_start3A_303 = arith.constant 0 : i32
      %dma_start3A_304 = tpu.memref_slice %arg8[%add3A_290, %dma_start3A_303] : memref<256x32xf32, #tpu.memory_space<vmem>> -> memref<1x32xf32, #tpu.memory_space<vmem>>
      %dma_start3A_305 = arith.constant 0 : i32
      %dma_start3A_306 = tpu.memref_slice %arg4[%squeeze3A_302, %dma_start3A_305] : memref<1000000x32xf32, #tpu.memory_space<hbm>> -> memref<1x32xf32, #tpu.memory_space<hbm>>
      %dma_start3A_307 = arith.constant 0 : i32
      %dma_start3A_308 = tpu.memref_slice %arg8[%add3A_290, %dma_start3A_307] : memref<256x32xf32, #tpu.memory_space<vmem>> -> memref<1x32xf32, #tpu.memory_space<vmem>>
      %dma_start3A_309 = arith.constant 0 : i32
      %dma_start3A_310 = tpu.memref_slice %arg4[%squeeze3A_302, %dma_start3A_309] : memref<1000000x32xf32, #tpu.memory_space<hbm>> -> memref<1x32xf32, #tpu.memory_space<hbm>>
      tpu.enqueue_dma source(%dma_start3A_310 : memref<1x32xf32, #tpu.memory_space<hbm>>) target(%dma_start3A_308 : memref<1x32xf32, #tpu.memory_space<vmem>>) target_semaphore(%arg11 : memref<!tpu.dma_semaphore, #tpu.memory_space<semaphore_mem>>)
      %sub3A_311 = arith.constant 0 : i32
      %sub3A_312 = arith.subi %add3A_40, %sub3A_311 : i32
      %mul3A_313 = arith.constant 16 : i32
      %mul3A_314 = arith.muli %sub3A_312, %mul3A_313 : i32
      %add3A_315 = arith.constant 9 : i32
      %add3A_316 = arith.addi %mul3A_314, %add3A_315 : i32
      %slice3A_317 = vector.extract_strided_slice %get3A_74 {offsets = [9], sizes = [1], strides = [1]} : vector<16xi32> to vector<1xi32>
      %squeeze3A_318 = vector.extract %slice3A_317[0] : i32 from vector<1xi32>
      %dma_start3A_319 = arith.constant 0 : i32
      %dma_start3A_320 = tpu.memref_slice %arg7[%add3A_316, %dma_start3A_319] : memref<256x32xf32, #tpu.memory_space<vmem>> -> memref<1x32xf32, #tpu.memory_space<vmem>>
      %dma_start3A_321 = arith.constant 0 : i32
      %dma_start3A_322 = tpu.memref_slice %arg3[%squeeze3A_318, %dma_start3A_321] : memref<1000000x32xf32, #tpu.memory_space<hbm>> -> memref<1x32xf32, #tpu.memory_space<hbm>>
      %dma_start3A_323 = arith.constant 0 : i32
      %dma_start3A_324 = tpu.memref_slice %arg7[%add3A_316, %dma_start3A_323] : memref<256x32xf32, #tpu.memory_space<vmem>> -> memref<1x32xf32, #tpu.memory_space<vmem>>
      %dma_start3A_325 = arith.constant 0 : i32
      %dma_start3A_326 = tpu.memref_slice %arg3[%squeeze3A_318, %dma_start3A_325] : memref<1000000x32xf32, #tpu.memory_space<hbm>> -> memref<1x32xf32, #tpu.memory_space<hbm>>
      tpu.enqueue_dma source(%dma_start3A_326 : memref<1x32xf32, #tpu.memory_space<hbm>>) target(%dma_start3A_324 : memref<1x32xf32, #tpu.memory_space<vmem>>) target_semaphore(%arg10 : memref<!tpu.dma_semaphore, #tpu.memory_space<semaphore_mem>>)
      %slice3A_327 = vector.extract_strided_slice %get3A_79 {offsets = [9], sizes = [1], strides = [1]} : vector<16xi32> to vector<1xi32>
      %squeeze3A_328 = vector.extract %slice3A_327[0] : i32 from vector<1xi32>
      %dma_start3A_329 = arith.constant 0 : i32
      %dma_start3A_330 = tpu.memref_slice %arg8[%add3A_316, %dma_start3A_329] : memref<256x32xf32, #tpu.memory_space<vmem>> -> memref<1x32xf32, #tpu.memory_space<vmem>>
      %dma_start3A_331 = arith.constant 0 : i32
      %dma_start3A_332 = tpu.memref_slice %arg4[%squeeze3A_328, %dma_start3A_331] : memref<1000000x32xf32, #tpu.memory_space<hbm>> -> memref<1x32xf32, #tpu.memory_space<hbm>>
      %dma_start3A_333 = arith.constant 0 : i32
      %dma_start3A_334 = tpu.memref_slice %arg8[%add3A_316, %dma_start3A_333] : memref<256x32xf32, #tpu.memory_space<vmem>> -> memref<1x32xf32, #tpu.memory_space<vmem>>
      %dma_start3A_335 = arith.constant 0 : i32
      %dma_start3A_336 = tpu.memref_slice %arg4[%squeeze3A_328, %dma_start3A_335] : memref<1000000x32xf32, #tpu.memory_space<hbm>> -> memref<1x32xf32, #tpu.memory_space<hbm>>
      tpu.enqueue_dma source(%dma_start3A_336 : memref<1x32xf32, #tpu.memory_space<hbm>>) target(%dma_start3A_334 : memref<1x32xf32, #tpu.memory_space<vmem>>) target_semaphore(%arg11 : memref<!tpu.dma_semaphore, #tpu.memory_space<semaphore_mem>>)
      %sub3A_337 = arith.constant 0 : i32
      %sub3A_338 = arith.subi %add3A_40, %sub3A_337 : i32
      %mul3A_339 = arith.constant 16 : i32
      %mul3A_340 = arith.muli %sub3A_338, %mul3A_339 : i32
      %add3A_341 = arith.constant 10 : i32
      %add3A_342 = arith.addi %mul3A_340, %add3A_341 : i32
      %slice3A_343 = vector.extract_strided_slice %get3A_74 {offsets = [10], sizes = [1], strides = [1]} : vector<16xi32> to vector<1xi32>
      %squeeze3A_344 = vector.extract %slice3A_343[0] : i32 from vector<1xi32>
      %dma_start3A_345 = arith.constant 0 : i32
      %dma_start3A_346 = tpu.memref_slice %arg7[%add3A_342, %dma_start3A_345] : memref<256x32xf32, #tpu.memory_space<vmem>> -> memref<1x32xf32, #tpu.memory_space<vmem>>
      %dma_start3A_347 = arith.constant 0 : i32
      %dma_start3A_348 = tpu.memref_slice %arg3[%squeeze3A_344, %dma_start3A_347] : memref<1000000x32xf32, #tpu.memory_space<hbm>> -> memref<1x32xf32, #tpu.memory_space<hbm>>
      %dma_start3A_349 = arith.constant 0 : i32
      %dma_start3A_350 = tpu.memref_slice %arg7[%add3A_342, %dma_start3A_349] : memref<256x32xf32, #tpu.memory_space<vmem>> -> memref<1x32xf32, #tpu.memory_space<vmem>>
      %dma_start3A_351 = arith.constant 0 : i32
      %dma_start3A_352 = tpu.memref_slice %arg3[%squeeze3A_344, %dma_start3A_351] : memref<1000000x32xf32, #tpu.memory_space<hbm>> -> memref<1x32xf32, #tpu.memory_space<hbm>>
      tpu.enqueue_dma source(%dma_start3A_352 : memref<1x32xf32, #tpu.memory_space<hbm>>) target(%dma_start3A_350 : memref<1x32xf32, #tpu.memory_space<vmem>>) target_semaphore(%arg10 : memref<!tpu.dma_semaphore, #tpu.memory_space<semaphore_mem>>)
      %slice3A_353 = vector.extract_strided_slice %get3A_79 {offsets = [10], sizes = [1], strides = [1]} : vector<16xi32> to vector<1xi32>
      %squeeze3A_354 = vector.extract %slice3A_353[0] : i32 from vector<1xi32>
      %dma_start3A_355 = arith.constant 0 : i32
      %dma_start3A_356 = tpu.memref_slice %arg8[%add3A_342, %dma_start3A_355] : memref<256x32xf32, #tpu.memory_space<vmem>> -> memref<1x32xf32, #tpu.memory_space<vmem>>
      %dma_start3A_357 = arith.constant 0 : i32
      %dma_start3A_358 = tpu.memref_slice %arg4[%squeeze3A_354, %dma_start3A_357] : memref<1000000x32xf32, #tpu.memory_space<hbm>> -> memref<1x32xf32, #tpu.memory_space<hbm>>
      %dma_start3A_359 = arith.constant 0 : i32
      %dma_start3A_360 = tpu.memref_slice %arg8[%add3A_342, %dma_start3A_359] : memref<256x32xf32, #tpu.memory_space<vmem>> -> memref<1x32xf32, #tpu.memory_space<vmem>>
      %dma_start3A_361 = arith.constant 0 : i32
      %dma_start3A_362 = tpu.memref_slice %arg4[%squeeze3A_354, %dma_start3A_361] : memref<1000000x32xf32, #tpu.memory_space<hbm>> -> memref<1x32xf32, #tpu.memory_space<hbm>>
      tpu.enqueue_dma source(%dma_start3A_362 : memref<1x32xf32, #tpu.memory_space<hbm>>) target(%dma_start3A_360 : memref<1x32xf32, #tpu.memory_space<vmem>>) target_semaphore(%arg11 : memref<!tpu.dma_semaphore, #tpu.memory_space<semaphore_mem>>)
      %sub3A_363 = arith.constant 0 : i32
      %sub3A_364 = arith.subi %add3A_40, %sub3A_363 : i32
      %mul3A_365 = arith.constant 16 : i32
      %mul3A_366 = arith.muli %sub3A_364, %mul3A_365 : i32
      %add3A_367 = arith.constant 11 : i32
      %add3A_368 = arith.addi %mul3A_366, %add3A_367 : i32
      %slice3A_369 = vector.extract_strided_slice %get3A_74 {offsets = [11], sizes = [1], strides = [1]} : vector<16xi32> to vector<1xi32>
      %squeeze3A_370 = vector.extract %slice3A_369[0] : i32 from vector<1xi32>
      %dma_start3A_371 = arith.constant 0 : i32
      %dma_start3A_372 = tpu.memref_slice %arg7[%add3A_368, %dma_start3A_371] : memref<256x32xf32, #tpu.memory_space<vmem>> -> memref<1x32xf32, #tpu.memory_space<vmem>>
      %dma_start3A_373 = arith.constant 0 : i32
      %dma_start3A_374 = tpu.memref_slice %arg3[%squeeze3A_370, %dma_start3A_373] : memref<1000000x32xf32, #tpu.memory_space<hbm>> -> memref<1x32xf32, #tpu.memory_space<hbm>>
      %dma_start3A_375 = arith.constant 0 : i32
      %dma_start3A_376 = tpu.memref_slice %arg7[%add3A_368, %dma_start3A_375] : memref<256x32xf32, #tpu.memory_space<vmem>> -> memref<1x32xf32, #tpu.memory_space<vmem>>
      %dma_start3A_377 = arith.constant 0 : i32
      %dma_start3A_378 = tpu.memref_slice %arg3[%squeeze3A_370, %dma_start3A_377] : memref<1000000x32xf32, #tpu.memory_space<hbm>> -> memref<1x32xf32, #tpu.memory_space<hbm>>
      tpu.enqueue_dma source(%dma_start3A_378 : memref<1x32xf32, #tpu.memory_space<hbm>>) target(%dma_start3A_376 : memref<1x32xf32, #tpu.memory_space<vmem>>) target_semaphore(%arg10 : memref<!tpu.dma_semaphore, #tpu.memory_space<semaphore_mem>>)
      %slice3A_379 = vector.extract_strided_slice %get3A_79 {offsets = [11], sizes = [1], strides = [1]} : vector<16xi32> to vector<1xi32>
      %squeeze3A_380 = vector.extract %slice3A_379[0] : i32 from vector<1xi32>
      %dma_start3A_381 = arith.constant 0 : i32
      %dma_start3A_382 = tpu.memref_slice %arg8[%add3A_368, %dma_start3A_381] : memref<256x32xf32, #tpu.memory_space<vmem>> -> memref<1x32xf32, #tpu.memory_space<vmem>>
      %dma_start3A_383 = arith.constant 0 : i32
      %dma_start3A_384 = tpu.memref_slice %arg4[%squeeze3A_380, %dma_start3A_383] : memref<1000000x32xf32, #tpu.memory_space<hbm>> -> memref<1x32xf32, #tpu.memory_space<hbm>>
      %dma_start3A_385 = arith.constant 0 : i32
      %dma_start3A_386 = tpu.memref_slice %arg8[%add3A_368, %dma_start3A_385] : memref<256x32xf32, #tpu.memory_space<vmem>> -> memref<1x32xf32, #tpu.memory_space<vmem>>
      %dma_start3A_387 = arith.constant 0 : i32
      %dma_start3A_388 = tpu.memref_slice %arg4[%squeeze3A_380, %dma_start3A_387] : memref<1000000x32xf32, #tpu.memory_space<hbm>> -> memref<1x32xf32, #tpu.memory_space<hbm>>
      tpu.enqueue_dma source(%dma_start3A_388 : memref<1x32xf32, #tpu.memory_space<hbm>>) target(%dma_start3A_386 : memref<1x32xf32, #tpu.memory_space<vmem>>) target_semaphore(%arg11 : memref<!tpu.dma_semaphore, #tpu.memory_space<semaphore_mem>>)
      %sub3A_389 = arith.constant 0 : i32
      %sub3A_390 = arith.subi %add3A_40, %sub3A_389 : i32
      %mul3A_391 = arith.constant 16 : i32
      %mul3A_392 = arith.muli %sub3A_390, %mul3A_391 : i32
      %add3A_393 = arith.constant 12 : i32
      %add3A_394 = arith.addi %mul3A_392, %add3A_393 : i32
      %slice3A_395 = vector.extract_strided_slice %get3A_74 {offsets = [12], sizes = [1], strides = [1]} : vector<16xi32> to vector<1xi32>
      %squeeze3A_396 = vector.extract %slice3A_395[0] : i32 from vector<1xi32>
      %dma_start3A_397 = arith.constant 0 : i32
      %dma_start3A_398 = tpu.memref_slice %arg7[%add3A_394, %dma_start3A_397] : memref<256x32xf32, #tpu.memory_space<vmem>> -> memref<1x32xf32, #tpu.memory_space<vmem>>
      %dma_start3A_399 = arith.constant 0 : i32
      %dma_start3A_400 = tpu.memref_slice %arg3[%squeeze3A_396, %dma_start3A_399] : memref<1000000x32xf32, #tpu.memory_space<hbm>> -> memref<1x32xf32, #tpu.memory_space<hbm>>
      %dma_start3A_401 = arith.constant 0 : i32
      %dma_start3A_402 = tpu.memref_slice %arg7[%add3A_394, %dma_start3A_401] : memref<256x32xf32, #tpu.memory_space<vmem>> -> memref<1x32xf32, #tpu.memory_space<vmem>>
      %dma_start3A_403 = arith.constant 0 : i32
      %dma_start3A_404 = tpu.memref_slice %arg3[%squeeze3A_396, %dma_start3A_403] : memref<1000000x32xf32, #tpu.memory_space<hbm>> -> memref<1x32xf32, #tpu.memory_space<hbm>>
      tpu.enqueue_dma source(%dma_start3A_404 : memref<1x32xf32, #tpu.memory_space<hbm>>) target(%dma_start3A_402 : memref<1x32xf32, #tpu.memory_space<vmem>>) target_semaphore(%arg10 : memref<!tpu.dma_semaphore, #tpu.memory_space<semaphore_mem>>)
      %slice3A_405 = vector.extract_strided_slice %get3A_79 {offsets = [12], sizes = [1], strides = [1]} : vector<16xi32> to vector<1xi32>
      %squeeze3A_406 = vector.extract %slice3A_405[0] : i32 from vector<1xi32>
      %dma_start3A_407 = arith.constant 0 : i32
      %dma_start3A_408 = tpu.memref_slice %arg8[%add3A_394, %dma_start3A_407] : memref<256x32xf32, #tpu.memory_space<vmem>> -> memref<1x32xf32, #tpu.memory_space<vmem>>
      %dma_start3A_409 = arith.constant 0 : i32
      %dma_start3A_410 = tpu.memref_slice %arg4[%squeeze3A_406, %dma_start3A_409] : memref<1000000x32xf32, #tpu.memory_space<hbm>> -> memref<1x32xf32, #tpu.memory_space<hbm>>
      %dma_start3A_411 = arith.constant 0 : i32
      %dma_start3A_412 = tpu.memref_slice %arg8[%add3A_394, %dma_start3A_411] : memref<256x32xf32, #tpu.memory_space<vmem>> -> memref<1x32xf32, #tpu.memory_space<vmem>>
      %dma_start3A_413 = arith.constant 0 : i32
      %dma_start3A_414 = tpu.memref_slice %arg4[%squeeze3A_406, %dma_start3A_413] : memref<1000000x32xf32, #tpu.memory_space<hbm>> -> memref<1x32xf32, #tpu.memory_space<hbm>>
      tpu.enqueue_dma source(%dma_start3A_414 : memref<1x32xf32, #tpu.memory_space<hbm>>) target(%dma_start3A_412 : memref<1x32xf32, #tpu.memory_space<vmem>>) target_semaphore(%arg11 : memref<!tpu.dma_semaphore, #tpu.memory_space<semaphore_mem>>)
      %sub3A_415 = arith.constant 0 : i32
      %sub3A_416 = arith.subi %add3A_40, %sub3A_415 : i32
      %mul3A_417 = arith.constant 16 : i32
      %mul3A_418 = arith.muli %sub3A_416, %mul3A_417 : i32
      %add3A_419 = arith.constant 13 : i32
      %add3A_420 = arith.addi %mul3A_418, %add3A_419 : i32
      %slice3A_421 = vector.extract_strided_slice %get3A_74 {offsets = [13], sizes = [1], strides = [1]} : vector<16xi32> to vector<1xi32>
      %squeeze3A_422 = vector.extract %slice3A_421[0] : i32 from vector<1xi32>
      %dma_start3A_423 = arith.constant 0 : i32
      %dma_start3A_424 = tpu.memref_slice %arg7[%add3A_420, %dma_start3A_423] : memref<256x32xf32, #tpu.memory_space<vmem>> -> memref<1x32xf32, #tpu.memory_space<vmem>>
      %dma_start3A_425 = arith.constant 0 : i32
      %dma_start3A_426 = tpu.memref_slice %arg3[%squeeze3A_422, %dma_start3A_425] : memref<1000000x32xf32, #tpu.memory_space<hbm>> -> memref<1x32xf32, #tpu.memory_space<hbm>>
      %dma_start3A_427 = arith.constant 0 : i32
      %dma_start3A_428 = tpu.memref_slice %arg7[%add3A_420, %dma_start3A_427] : memref<256x32xf32, #tpu.memory_space<vmem>> -> memref<1x32xf32, #tpu.memory_space<vmem>>
      %dma_start3A_429 = arith.constant 0 : i32
      %dma_start3A_430 = tpu.memref_slice %arg3[%squeeze3A_422, %dma_start3A_429] : memref<1000000x32xf32, #tpu.memory_space<hbm>> -> memref<1x32xf32, #tpu.memory_space<hbm>>
      tpu.enqueue_dma source(%dma_start3A_430 : memref<1x32xf32, #tpu.memory_space<hbm>>) target(%dma_start3A_428 : memref<1x32xf32, #tpu.memory_space<vmem>>) target_semaphore(%arg10 : memref<!tpu.dma_semaphore, #tpu.memory_space<semaphore_mem>>)
      %slice3A_431 = vector.extract_strided_slice %get3A_79 {offsets = [13], sizes = [1], strides = [1]} : vector<16xi32> to vector<1xi32>
      %squeeze3A_432 = vector.extract %slice3A_431[0] : i32 from vector<1xi32>
      %dma_start3A_433 = arith.constant 0 : i32
      %dma_start3A_434 = tpu.memref_slice %arg8[%add3A_420, %dma_start3A_433] : memref<256x32xf32, #tpu.memory_space<vmem>> -> memref<1x32xf32, #tpu.memory_space<vmem>>
      %dma_start3A_435 = arith.constant 0 : i32
      %dma_start3A_436 = tpu.memref_slice %arg4[%squeeze3A_432, %dma_start3A_435] : memref<1000000x32xf32, #tpu.memory_space<hbm>> -> memref<1x32xf32, #tpu.memory_space<hbm>>
      %dma_start3A_437 = arith.constant 0 : i32
      %dma_start3A_438 = tpu.memref_slice %arg8[%add3A_420, %dma_start3A_437] : memref<256x32xf32, #tpu.memory_space<vmem>> -> memref<1x32xf32, #tpu.memory_space<vmem>>
      %dma_start3A_439 = arith.constant 0 : i32
      %dma_start3A_440 = tpu.memref_slice %arg4[%squeeze3A_432, %dma_start3A_439] : memref<1000000x32xf32, #tpu.memory_space<hbm>> -> memref<1x32xf32, #tpu.memory_space<hbm>>
      tpu.enqueue_dma source(%dma_start3A_440 : memref<1x32xf32, #tpu.memory_space<hbm>>) target(%dma_start3A_438 : memref<1x32xf32, #tpu.memory_space<vmem>>) target_semaphore(%arg11 : memref<!tpu.dma_semaphore, #tpu.memory_space<semaphore_mem>>)
      %sub3A_441 = arith.constant 0 : i32
      %sub3A_442 = arith.subi %add3A_40, %sub3A_441 : i32
      %mul3A_443 = arith.constant 16 : i32
      %mul3A_444 = arith.muli %sub3A_442, %mul3A_443 : i32
      %add3A_445 = arith.constant 14 : i32
      %add3A_446 = arith.addi %mul3A_444, %add3A_445 : i32
      %slice3A_447 = vector.extract_strided_slice %get3A_74 {offsets = [14], sizes = [1], strides = [1]} : vector<16xi32> to vector<1xi32>
      %squeeze3A_448 = vector.extract %slice3A_447[0] : i32 from vector<1xi32>
      %dma_start3A_449 = arith.constant 0 : i32
      %dma_start3A_450 = tpu.memref_slice %arg7[%add3A_446, %dma_start3A_449] : memref<256x32xf32, #tpu.memory_space<vmem>> -> memref<1x32xf32, #tpu.memory_space<vmem>>
      %dma_start3A_451 = arith.constant 0 : i32
      %dma_start3A_452 = tpu.memref_slice %arg3[%squeeze3A_448, %dma_start3A_451] : memref<1000000x32xf32, #tpu.memory_space<hbm>> -> memref<1x32xf32, #tpu.memory_space<hbm>>
      %dma_start3A_453 = arith.constant 0 : i32
      %dma_start3A_454 = tpu.memref_slice %arg7[%add3A_446, %dma_start3A_453] : memref<256x32xf32, #tpu.memory_space<vmem>> -> memref<1x32xf32, #tpu.memory_space<vmem>>
      %dma_start3A_455 = arith.constant 0 : i32
      %dma_start3A_456 = tpu.memref_slice %arg3[%squeeze3A_448, %dma_start3A_455] : memref<1000000x32xf32, #tpu.memory_space<hbm>> -> memref<1x32xf32, #tpu.memory_space<hbm>>
      tpu.enqueue_dma source(%dma_start3A_456 : memref<1x32xf32, #tpu.memory_space<hbm>>) target(%dma_start3A_454 : memref<1x32xf32, #tpu.memory_space<vmem>>) target_semaphore(%arg10 : memref<!tpu.dma_semaphore, #tpu.memory_space<semaphore_mem>>)
      %slice3A_457 = vector.extract_strided_slice %get3A_79 {offsets = [14], sizes = [1], strides = [1]} : vector<16xi32> to vector<1xi32>
      %squeeze3A_458 = vector.extract %slice3A_457[0] : i32 from vector<1xi32>
      %dma_start3A_459 = arith.constant 0 : i32
      %dma_start3A_460 = tpu.memref_slice %arg8[%add3A_446, %dma_start3A_459] : memref<256x32xf32, #tpu.memory_space<vmem>> -> memref<1x32xf32, #tpu.memory_space<vmem>>
      %dma_start3A_461 = arith.constant 0 : i32
      %dma_start3A_462 = tpu.memref_slice %arg4[%squeeze3A_458, %dma_start3A_461] : memref<1000000x32xf32, #tpu.memory_space<hbm>> -> memref<1x32xf32, #tpu.memory_space<hbm>>
      %dma_start3A_463 = arith.constant 0 : i32
      %dma_start3A_464 = tpu.memref_slice %arg8[%add3A_446, %dma_start3A_463] : memref<256x32xf32, #tpu.memory_space<vmem>> -> memref<1x32xf32, #tpu.memory_space<vmem>>
      %dma_start3A_465 = arith.constant 0 : i32
      %dma_start3A_466 = tpu.memref_slice %arg4[%squeeze3A_458, %dma_start3A_465] : memref<1000000x32xf32, #tpu.memory_space<hbm>> -> memref<1x32xf32, #tpu.memory_space<hbm>>
      tpu.enqueue_dma source(%dma_start3A_466 : memref<1x32xf32, #tpu.memory_space<hbm>>) target(%dma_start3A_464 : memref<1x32xf32, #tpu.memory_space<vmem>>) target_semaphore(%arg11 : memref<!tpu.dma_semaphore, #tpu.memory_space<semaphore_mem>>)
      %sub3A_467 = arith.constant 0 : i32
      %sub3A_468 = arith.subi %add3A_40, %sub3A_467 : i32
      %mul3A_469 = arith.constant 16 : i32
      %mul3A_470 = arith.muli %sub3A_468, %mul3A_469 : i32
      %add3A_471 = arith.constant 15 : i32
      %add3A_472 = arith.addi %mul3A_470, %add3A_471 : i32
      %slice3A_473 = vector.extract_strided_slice %get3A_74 {offsets = [15], sizes = [1], strides = [1]} : vector<16xi32> to vector<1xi32>
      %squeeze3A_474 = vector.extract %slice3A_473[0] : i32 from vector<1xi32>
      %dma_start3A_475 = arith.constant 0 : i32
      %dma_start3A_476 = tpu.memref_slice %arg7[%add3A_472, %dma_start3A_475] : memref<256x32xf32, #tpu.memory_space<vmem>> -> memref<1x32xf32, #tpu.memory_space<vmem>>
      %dma_start3A_477 = arith.constant 0 : i32
      %dma_start3A_478 = tpu.memref_slice %arg3[%squeeze3A_474, %dma_start3A_477] : memref<1000000x32xf32, #tpu.memory_space<hbm>> -> memref<1x32xf32, #tpu.memory_space<hbm>>
      %dma_start3A_479 = arith.constant 0 : i32
      %dma_start3A_480 = tpu.memref_slice %arg7[%add3A_472, %dma_start3A_479] : memref<256x32xf32, #tpu.memory_space<vmem>> -> memref<1x32xf32, #tpu.memory_space<vmem>>
      %dma_start3A_481 = arith.constant 0 : i32
      %dma_start3A_482 = tpu.memref_slice %arg3[%squeeze3A_474, %dma_start3A_481] : memref<1000000x32xf32, #tpu.memory_space<hbm>> -> memref<1x32xf32, #tpu.memory_space<hbm>>
      tpu.enqueue_dma source(%dma_start3A_482 : memref<1x32xf32, #tpu.memory_space<hbm>>) target(%dma_start3A_480 : memref<1x32xf32, #tpu.memory_space<vmem>>) target_semaphore(%arg10 : memref<!tpu.dma_semaphore, #tpu.memory_space<semaphore_mem>>)
      %slice3A_483 = vector.extract_strided_slice %get3A_79 {offsets = [15], sizes = [1], strides = [1]} : vector<16xi32> to vector<1xi32>
      %squeeze3A_484 = vector.extract %slice3A_483[0] : i32 from vector<1xi32>
      %dma_start3A_485 = arith.constant 0 : i32
      %dma_start3A_486 = tpu.memref_slice %arg8[%add3A_472, %dma_start3A_485] : memref<256x32xf32, #tpu.memory_space<vmem>> -> memref<1x32xf32, #tpu.memory_space<vmem>>
      %dma_start3A_487 = arith.constant 0 : i32
      %dma_start3A_488 = tpu.memref_slice %arg4[%squeeze3A_484, %dma_start3A_487] : memref<1000000x32xf32, #tpu.memory_space<hbm>> -> memref<1x32xf32, #tpu.memory_space<hbm>>
      %dma_start3A_489 = arith.constant 0 : i32
      %dma_start3A_490 = tpu.memref_slice %arg8[%add3A_472, %dma_start3A_489] : memref<256x32xf32, #tpu.memory_space<vmem>> -> memref<1x32xf32, #tpu.memory_space<vmem>>
      %dma_start3A_491 = arith.constant 0 : i32
      %dma_start3A_492 = tpu.memref_slice %arg4[%squeeze3A_484, %dma_start3A_491] : memref<1000000x32xf32, #tpu.memory_space<hbm>> -> memref<1x32xf32, #tpu.memory_space<hbm>>
      tpu.enqueue_dma source(%dma_start3A_492 : memref<1x32xf32, #tpu.memory_space<hbm>>) target(%dma_start3A_490 : memref<1x32xf32, #tpu.memory_space<vmem>>) target_semaphore(%arg11 : memref<!tpu.dma_semaphore, #tpu.memory_space<semaphore_mem>>)
    }
    %scan3A_7 = arith.constant 16 : i32
    %scan3A_8 = arith.constant 0 : i32
    %scan3A_9 = arith.constant 0 : i32
    %scan3A_10 = arith.constant 256 : i32
    %scan3A_11 = arith.addi %scan3A_9, %scan3A_10 : i32
    %scan3A_12 = arith.constant 1 : i32
    scf.for %scan3A_38 = %scan3A_9 to %scan3A_11 step %scan3A_12  : i32 {
      %dma_wait3A = arith.constant 0 : i32
      %dma_wait3A_39 = arith.constant 0 : i32
      %dma_wait3A_40 = tpu.memref_slice %arg7[%dma_wait3A, %dma_wait3A_39] : memref<256x32xf32, #tpu.memory_space<vmem>> -> memref<1x32xf32, #tpu.memory_space<vmem>>
      %dma_wait3A_41 = arith.constant 0 : i32
      %dma_wait3A_42 = arith.constant 0 : i32
      %dma_wait3A_43 = tpu.memref_slice %arg3[%dma_wait3A_41, %dma_wait3A_42] : memref<1000000x32xf32, #tpu.memory_space<hbm>> -> memref<1x32xf32, #tpu.memory_space<hbm>>
      %dma_wait3A_44 = arith.constant 0 : i32
      %dma_wait3A_45 = arith.constant 0 : i32
      %dma_wait3A_46 = tpu.memref_slice %arg7[%dma_wait3A_44, %dma_wait3A_45] : memref<256x32xf32, #tpu.memory_space<vmem>> -> memref<1x32xf32, #tpu.memory_space<vmem>>
      %dma_wait3A_47 = arith.constant 0 : i32
      %dma_wait3A_48 = arith.constant 0 : i32
      %dma_wait3A_49 = tpu.memref_slice %arg3[%dma_wait3A_47, %dma_wait3A_48] : memref<1000000x32xf32, #tpu.memory_space<hbm>> -> memref<1x32xf32, #tpu.memory_space<hbm>>
      tpu.wait_dma2 semaphore(%arg10 : memref<!tpu.dma_semaphore, #tpu.memory_space<semaphore_mem>>) src(%dma_wait3A_49 : memref<1x32xf32, #tpu.memory_space<hbm>>) dst(%dma_wait3A_46 : memref<1x32xf32, #tpu.memory_space<vmem>>)
      %dma_wait3A_50 = arith.constant 0 : i32
      %dma_wait3A_51 = arith.constant 0 : i32
      %dma_wait3A_52 = tpu.memref_slice %arg8[%dma_wait3A_50, %dma_wait3A_51] : memref<256x32xf32, #tpu.memory_space<vmem>> -> memref<1x32xf32, #tpu.memory_space<vmem>>
      %dma_wait3A_53 = arith.constant 0 : i32
      %dma_wait3A_54 = arith.constant 0 : i32
      %dma_wait3A_55 = tpu.memref_slice %arg4[%dma_wait3A_53, %dma_wait3A_54] : memref<1000000x32xf32, #tpu.memory_space<hbm>> -> memref<1x32xf32, #tpu.memory_space<hbm>>
      %dma_wait3A_56 = arith.constant 0 : i32
      %dma_wait3A_57 = arith.constant 0 : i32
      %dma_wait3A_58 = tpu.memref_slice %arg8[%dma_wait3A_56, %dma_wait3A_57] : memref<256x32xf32, #tpu.memory_space<vmem>> -> memref<1x32xf32, #tpu.memory_space<vmem>>
      %dma_wait3A_59 = arith.constant 0 : i32
      %dma_wait3A_60 = arith.constant 0 : i32
      %dma_wait3A_61 = tpu.memref_slice %arg4[%dma_wait3A_59, %dma_wait3A_60] : memref<1000000x32xf32, #tpu.memory_space<hbm>> -> memref<1x32xf32, #tpu.memory_space<hbm>>
      tpu.wait_dma2 semaphore(%arg11 : memref<!tpu.dma_semaphore, #tpu.memory_space<semaphore_mem>>) src(%dma_wait3A_61 : memref<1x32xf32, #tpu.memory_space<hbm>>) dst(%dma_wait3A_58 : memref<1x32xf32, #tpu.memory_space<vmem>>)
    }
    %scan3A_13 = arith.constant 256 : i32
    %scan3A_14 = arith.constant 0 : i32
    %scan3A_15 = arith.constant 0 : i32
    %scan3A_16 = arith.constant 16 : i32
    %scan3A_17 = arith.addi %scan3A_15, %scan3A_16 : i32
    %scan3A_18 = arith.constant 1 : i32
    scf.for %scan3A_38 = %scan3A_15 to %scan3A_17 step %scan3A_18  : i32 {
      %mul3A_39 = arith.constant 16 : i32
      %mul3A_40 = arith.muli %scan3A_38, %mul3A_39 : i32
      %iota3A = tpu.iota {dimensions = array<i32: 0>} : vector<16xi32>
      %add3A_41 = vector.broadcast %mul3A_40 : i32 to vector<16xi32>
      %add3A_42 = arith.addi %add3A_41, %iota3A : vector<16xi32>
      %broadcast_in_dim3A = arith.constant 0.000000e+00 : f32
      %broadcast_in_dim3A_43 = vector.broadcast %broadcast_in_dim3A : f32 to vector<16xf32>
      %broadcast_in_dim3A_44 = arith.constant 0 : i32
      %broadcast_in_dim3A_45 = vector.broadcast %broadcast_in_dim3A_44 : i32 to vector<16xi32>
      %gather3A = tpu.vector_load_idx %arg7[%add3A_42, %broadcast_in_dim3A_45] : memref<256x32xf32, #tpu.memory_space<vmem>>[vector<16xi32>, vector<16xi32>], vector<16xf32>,
      %gather3A_46 = tpu.vector_load_idx %arg8[%add3A_42, %broadcast_in_dim3A_45] : memref<256x32xf32, #tpu.memory_space<vmem>>[vector<16xi32>, vector<16xi32>], vector<16xf32>,
      %mul3A_47 = arith.mulf %gather3A, %gather3A_46 : vector<16xf32>
      %add3A_48 = arith.addf %broadcast_in_dim3A_43, %mul3A_47 : vector<16xf32>
      %broadcast_in_dim3A_49 = arith.constant 1 : i32
      %broadcast_in_dim3A_50 = vector.broadcast %broadcast_in_dim3A_49 : i32 to vector<16xi32>
      %gather3A_51 = tpu.vector_load_idx %arg7[%add3A_42, %broadcast_in_dim3A_50] : memref<256x32xf32, #tpu.memory_space<vmem>>[vector<16xi32>, vector<16xi32>], vector<16xf32>,
      %gather3A_52 = tpu.vector_load_idx %arg8[%add3A_42, %broadcast_in_dim3A_50] : memref<256x32xf32, #tpu.memory_space<vmem>>[vector<16xi32>, vector<16xi32>], vector<16xf32>,
      %mul3A_53 = arith.mulf %gather3A_51, %gather3A_52 : vector<16xf32>
      %add3A_54 = arith.addf %add3A_48, %mul3A_53 : vector<16xf32>
      %broadcast_in_dim3A_55 = arith.constant 2 : i32
      %broadcast_in_dim3A_56 = vector.broadcast %broadcast_in_dim3A_55 : i32 to vector<16xi32>
      %gather3A_57 = tpu.vector_load_idx %arg7[%add3A_42, %broadcast_in_dim3A_56] : memref<256x32xf32, #tpu.memory_space<vmem>>[vector<16xi32>, vector<16xi32>], vector<16xf32>,
      %gather3A_58 = tpu.vector_load_idx %arg8[%add3A_42, %broadcast_in_dim3A_56] : memref<256x32xf32, #tpu.memory_space<vmem>>[vector<16xi32>, vector<16xi32>], vector<16xf32>,
      %mul3A_59 = arith.mulf %gather3A_57, %gather3A_58 : vector<16xf32>
      %add3A_60 = arith.addf %add3A_54, %mul3A_59 : vector<16xf32>
      %broadcast_in_dim3A_61 = arith.constant 3 : i32
      %broadcast_in_dim3A_62 = vector.broadcast %broadcast_in_dim3A_61 : i32 to vector<16xi32>
      %gather3A_63 = tpu.vector_load_idx %arg7[%add3A_42, %broadcast_in_dim3A_62] : memref<256x32xf32, #tpu.memory_space<vmem>>[vector<16xi32>, vector<16xi32>], vector<16xf32>,
      %gather3A_64 = tpu.vector_load_idx %arg8[%add3A_42, %broadcast_in_dim3A_62] : memref<256x32xf32, #tpu.memory_space<vmem>>[vector<16xi32>, vector<16xi32>], vector<16xf32>,
      %mul3A_65 = arith.mulf %gather3A_63, %gather3A_64 : vector<16xf32>
      %add3A_66 = arith.addf %add3A_60, %mul3A_65 : vector<16xf32>
      %broadcast_in_dim3A_67 = arith.constant 4 : i32
      %broadcast_in_dim3A_68 = vector.broadcast %broadcast_in_dim3A_67 : i32 to vector<16xi32>
      %gather3A_69 = tpu.vector_load_idx %arg7[%add3A_42, %broadcast_in_dim3A_68] : memref<256x32xf32, #tpu.memory_space<vmem>>[vector<16xi32>, vector<16xi32>], vector<16xf32>,
      %gather3A_70 = tpu.vector_load_idx %arg8[%add3A_42, %broadcast_in_dim3A_68] : memref<256x32xf32, #tpu.memory_space<vmem>>[vector<16xi32>, vector<16xi32>], vector<16xf32>,
      %mul3A_71 = arith.mulf %gather3A_69, %gather3A_70 : vector<16xf32>
      %add3A_72 = arith.addf %add3A_66, %mul3A_71 : vector<16xf32>
      %broadcast_in_dim3A_73 = arith.constant 5 : i32
      %broadcast_in_dim3A_74 = vector.broadcast %broadcast_in_dim3A_73 : i32 to vector<16xi32>
      %gather3A_75 = tpu.vector_load_idx %arg7[%add3A_42, %broadcast_in_dim3A_74] : memref<256x32xf32, #tpu.memory_space<vmem>>[vector<16xi32>, vector<16xi32>], vector<16xf32>,
      %gather3A_76 = tpu.vector_load_idx %arg8[%add3A_42, %broadcast_in_dim3A_74] : memref<256x32xf32, #tpu.memory_space<vmem>>[vector<16xi32>, vector<16xi32>], vector<16xf32>,
      %mul3A_77 = arith.mulf %gather3A_75, %gather3A_76 : vector<16xf32>
      %add3A_78 = arith.addf %add3A_72, %mul3A_77 : vector<16xf32>
      %broadcast_in_dim3A_79 = arith.constant 6 : i32
      %broadcast_in_dim3A_80 = vector.broadcast %broadcast_in_dim3A_79 : i32 to vector<16xi32>
      %gather3A_81 = tpu.vector_load_idx %arg7[%add3A_42, %broadcast_in_dim3A_80] : memref<256x32xf32, #tpu.memory_space<vmem>>[vector<16xi32>, vector<16xi32>], vector<16xf32>,
      %gather3A_82 = tpu.vector_load_idx %arg8[%add3A_42, %broadcast_in_dim3A_80] : memref<256x32xf32, #tpu.memory_space<vmem>>[vector<16xi32>, vector<16xi32>], vector<16xf32>,
      %mul3A_83 = arith.mulf %gather3A_81, %gather3A_82 : vector<16xf32>
      %add3A_84 = arith.addf %add3A_78, %mul3A_83 : vector<16xf32>
      %broadcast_in_dim3A_85 = arith.constant 7 : i32
      %broadcast_in_dim3A_86 = vector.broadcast %broadcast_in_dim3A_85 : i32 to vector<16xi32>
      %gather3A_87 = tpu.vector_load_idx %arg7[%add3A_42, %broadcast_in_dim3A_86] : memref<256x32xf32, #tpu.memory_space<vmem>>[vector<16xi32>, vector<16xi32>], vector<16xf32>,
      %gather3A_88 = tpu.vector_load_idx %arg8[%add3A_42, %broadcast_in_dim3A_86] : memref<256x32xf32, #tpu.memory_space<vmem>>[vector<16xi32>, vector<16xi32>], vector<16xf32>,
      %mul3A_89 = arith.mulf %gather3A_87, %gather3A_88 : vector<16xf32>
      %add3A_90 = arith.addf %add3A_84, %mul3A_89 : vector<16xf32>
      %broadcast_in_dim3A_91 = arith.constant 8 : i32
      %broadcast_in_dim3A_92 = vector.broadcast %broadcast_in_dim3A_91 : i32 to vector<16xi32>
      %gather3A_93 = tpu.vector_load_idx %arg7[%add3A_42, %broadcast_in_dim3A_92] : memref<256x32xf32, #tpu.memory_space<vmem>>[vector<16xi32>, vector<16xi32>], vector<16xf32>,
      %gather3A_94 = tpu.vector_load_idx %arg8[%add3A_42, %broadcast_in_dim3A_92] : memref<256x32xf32, #tpu.memory_space<vmem>>[vector<16xi32>, vector<16xi32>], vector<16xf32>,
      %mul3A_95 = arith.mulf %gather3A_93, %gather3A_94 : vector<16xf32>
      %add3A_96 = arith.addf %add3A_90, %mul3A_95 : vector<16xf32>
      %broadcast_in_dim3A_97 = arith.constant 9 : i32
      %broadcast_in_dim3A_98 = vector.broadcast %broadcast_in_dim3A_97 : i32 to vector<16xi32>
      %gather3A_99 = tpu.vector_load_idx %arg7[%add3A_42, %broadcast_in_dim3A_98] : memref<256x32xf32, #tpu.memory_space<vmem>>[vector<16xi32>, vector<16xi32>], vector<16xf32>,
      %gather3A_100 = tpu.vector_load_idx %arg8[%add3A_42, %broadcast_in_dim3A_98] : memref<256x32xf32, #tpu.memory_space<vmem>>[vector<16xi32>, vector<16xi32>], vector<16xf32>,
      %mul3A_101 = arith.mulf %gather3A_99, %gather3A_100 : vector<16xf32>
      %add3A_102 = arith.addf %add3A_96, %mul3A_101 : vector<16xf32>
      %broadcast_in_dim3A_103 = arith.constant 10 : i32
      %broadcast_in_dim3A_104 = vector.broadcast %broadcast_in_dim3A_103 : i32 to vector<16xi32>
      %gather3A_105 = tpu.vector_load_idx %arg7[%add3A_42, %broadcast_in_dim3A_104] : memref<256x32xf32, #tpu.memory_space<vmem>>[vector<16xi32>, vector<16xi32>], vector<16xf32>,
      %gather3A_106 = tpu.vector_load_idx %arg8[%add3A_42, %broadcast_in_dim3A_104] : memref<256x32xf32, #tpu.memory_space<vmem>>[vector<16xi32>, vector<16xi32>], vector<16xf32>,
      %mul3A_107 = arith.mulf %gather3A_105, %gather3A_106 : vector<16xf32>
      %add3A_108 = arith.addf %add3A_102, %mul3A_107 : vector<16xf32>
      %broadcast_in_dim3A_109 = arith.constant 11 : i32
      %broadcast_in_dim3A_110 = vector.broadcast %broadcast_in_dim3A_109 : i32 to vector<16xi32>
      %gather3A_111 = tpu.vector_load_idx %arg7[%add3A_42, %broadcast_in_dim3A_110] : memref<256x32xf32, #tpu.memory_space<vmem>>[vector<16xi32>, vector<16xi32>], vector<16xf32>,
      %gather3A_112 = tpu.vector_load_idx %arg8[%add3A_42, %broadcast_in_dim3A_110] : memref<256x32xf32, #tpu.memory_space<vmem>>[vector<16xi32>, vector<16xi32>], vector<16xf32>,
      %mul3A_113 = arith.mulf %gather3A_111, %gather3A_112 : vector<16xf32>
      %add3A_114 = arith.addf %add3A_108, %mul3A_113 : vector<16xf32>
      %broadcast_in_dim3A_115 = arith.constant 12 : i32
      %broadcast_in_dim3A_116 = vector.broadcast %broadcast_in_dim3A_115 : i32 to vector<16xi32>
      %gather3A_117 = tpu.vector_load_idx %arg7[%add3A_42, %broadcast_in_dim3A_116] : memref<256x32xf32, #tpu.memory_space<vmem>>[vector<16xi32>, vector<16xi32>], vector<16xf32>,
      %gather3A_118 = tpu.vector_load_idx %arg8[%add3A_42, %broadcast_in_dim3A_116] : memref<256x32xf32, #tpu.memory_space<vmem>>[vector<16xi32>, vector<16xi32>], vector<16xf32>,
      %mul3A_119 = arith.mulf %gather3A_117, %gather3A_118 : vector<16xf32>
      %add3A_120 = arith.addf %add3A_114, %mul3A_119 : vector<16xf32>
      %broadcast_in_dim3A_121 = arith.constant 13 : i32
      %broadcast_in_dim3A_122 = vector.broadcast %broadcast_in_dim3A_121 : i32 to vector<16xi32>
      %gather3A_123 = tpu.vector_load_idx %arg7[%add3A_42, %broadcast_in_dim3A_122] : memref<256x32xf32, #tpu.memory_space<vmem>>[vector<16xi32>, vector<16xi32>], vector<16xf32>,
      %gather3A_124 = tpu.vector_load_idx %arg8[%add3A_42, %broadcast_in_dim3A_122] : memref<256x32xf32, #tpu.memory_space<vmem>>[vector<16xi32>, vector<16xi32>], vector<16xf32>,
      %mul3A_125 = arith.mulf %gather3A_123, %gather3A_124 : vector<16xf32>
      %add3A_126 = arith.addf %add3A_120, %mul3A_125 : vector<16xf32>
      %broadcast_in_dim3A_127 = arith.constant 14 : i32
      %broadcast_in_dim3A_128 = vector.broadcast %broadcast_in_dim3A_127 : i32 to vector<16xi32>
      %gather3A_129 = tpu.vector_load_idx %arg7[%add3A_42, %broadcast_in_dim3A_128] : memref<256x32xf32, #tpu.memory_space<vmem>>[vector<16xi32>, vector<16xi32>], vector<16xf32>,
      %gather3A_130 = tpu.vector_load_idx %arg8[%add3A_42, %broadcast_in_dim3A_128] : memref<256x32xf32, #tpu.memory_space<vmem>>[vector<16xi32>, vector<16xi32>], vector<16xf32>,
      %mul3A_131 = arith.mulf %gather3A_129, %gather3A_130 : vector<16xf32>
      %add3A_132 = arith.addf %add3A_126, %mul3A_131 : vector<16xf32>
      %broadcast_in_dim3A_133 = arith.constant 15 : i32
      %broadcast_in_dim3A_134 = vector.broadcast %broadcast_in_dim3A_133 : i32 to vector<16xi32>
      %gather3A_135 = tpu.vector_load_idx %arg7[%add3A_42, %broadcast_in_dim3A_134] : memref<256x32xf32, #tpu.memory_space<vmem>>[vector<16xi32>, vector<16xi32>], vector<16xf32>,
      %gather3A_136 = tpu.vector_load_idx %arg8[%add3A_42, %broadcast_in_dim3A_134] : memref<256x32xf32, #tpu.memory_space<vmem>>[vector<16xi32>, vector<16xi32>], vector<16xf32>,
      %mul3A_137 = arith.mulf %gather3A_135, %gather3A_136 : vector<16xf32>
      %add3A_138 = arith.addf %add3A_132, %mul3A_137 : vector<16xf32>
      %broadcast_in_dim3A_139 = arith.constant 16 : i32
      %broadcast_in_dim3A_140 = vector.broadcast %broadcast_in_dim3A_139 : i32 to vector<16xi32>
      %gather3A_141 = tpu.vector_load_idx %arg7[%add3A_42, %broadcast_in_dim3A_140] : memref<256x32xf32, #tpu.memory_space<vmem>>[vector<16xi32>, vector<16xi32>], vector<16xf32>,
      %gather3A_142 = tpu.vector_load_idx %arg8[%add3A_42, %broadcast_in_dim3A_140] : memref<256x32xf32, #tpu.memory_space<vmem>>[vector<16xi32>, vector<16xi32>], vector<16xf32>,
      %mul3A_143 = arith.mulf %gather3A_141, %gather3A_142 : vector<16xf32>
      %add3A_144 = arith.addf %add3A_138, %mul3A_143 : vector<16xf32>
      %broadcast_in_dim3A_145 = arith.constant 17 : i32
      %broadcast_in_dim3A_146 = vector.broadcast %broadcast_in_dim3A_145 : i32 to vector<16xi32>
      %gather3A_147 = tpu.vector_load_idx %arg7[%add3A_42, %broadcast_in_dim3A_146] : memref<256x32xf32, #tpu.memory_space<vmem>>[vector<16xi32>, vector<16xi32>], vector<16xf32>,
      %gather3A_148 = tpu.vector_load_idx %arg8[%add3A_42, %broadcast_in_dim3A_146] : memref<256x32xf32, #tpu.memory_space<vmem>>[vector<16xi32>, vector<16xi32>], vector<16xf32>,
      %mul3A_149 = arith.mulf %gather3A_147, %gather3A_148 : vector<16xf32>
      %add3A_150 = arith.addf %add3A_144, %mul3A_149 : vector<16xf32>
      %broadcast_in_dim3A_151 = arith.constant 18 : i32
      %broadcast_in_dim3A_152 = vector.broadcast %broadcast_in_dim3A_151 : i32 to vector<16xi32>
      %gather3A_153 = tpu.vector_load_idx %arg7[%add3A_42, %broadcast_in_dim3A_152] : memref<256x32xf32, #tpu.memory_space<vmem>>[vector<16xi32>, vector<16xi32>], vector<16xf32>,
      %gather3A_154 = tpu.vector_load_idx %arg8[%add3A_42, %broadcast_in_dim3A_152] : memref<256x32xf32, #tpu.memory_space<vmem>>[vector<16xi32>, vector<16xi32>], vector<16xf32>,
      %mul3A_155 = arith.mulf %gather3A_153, %gather3A_154 : vector<16xf32>
      %add3A_156 = arith.addf %add3A_150, %mul3A_155 : vector<16xf32>
      %broadcast_in_dim3A_157 = arith.constant 19 : i32
      %broadcast_in_dim3A_158 = vector.broadcast %broadcast_in_dim3A_157 : i32 to vector<16xi32>
      %gather3A_159 = tpu.vector_load_idx %arg7[%add3A_42, %broadcast_in_dim3A_158] : memref<256x32xf32, #tpu.memory_space<vmem>>[vector<16xi32>, vector<16xi32>], vector<16xf32>,
      %gather3A_160 = tpu.vector_load_idx %arg8[%add3A_42, %broadcast_in_dim3A_158] : memref<256x32xf32, #tpu.memory_space<vmem>>[vector<16xi32>, vector<16xi32>], vector<16xf32>,
      %mul3A_161 = arith.mulf %gather3A_159, %gather3A_160 : vector<16xf32>
      %add3A_162 = arith.addf %add3A_156, %mul3A_161 : vector<16xf32>
      %broadcast_in_dim3A_163 = arith.constant 20 : i32
      %broadcast_in_dim3A_164 = vector.broadcast %broadcast_in_dim3A_163 : i32 to vector<16xi32>
      %gather3A_165 = tpu.vector_load_idx %arg7[%add3A_42, %broadcast_in_dim3A_164] : memref<256x32xf32, #tpu.memory_space<vmem>>[vector<16xi32>, vector<16xi32>], vector<16xf32>,
      %gather3A_166 = tpu.vector_load_idx %arg8[%add3A_42, %broadcast_in_dim3A_164] : memref<256x32xf32, #tpu.memory_space<vmem>>[vector<16xi32>, vector<16xi32>], vector<16xf32>,
      %mul3A_167 = arith.mulf %gather3A_165, %gather3A_166 : vector<16xf32>
      %add3A_168 = arith.addf %add3A_162, %mul3A_167 : vector<16xf32>
      %broadcast_in_dim3A_169 = arith.constant 21 : i32
      %broadcast_in_dim3A_170 = vector.broadcast %broadcast_in_dim3A_169 : i32 to vector<16xi32>
      %gather3A_171 = tpu.vector_load_idx %arg7[%add3A_42, %broadcast_in_dim3A_170] : memref<256x32xf32, #tpu.memory_space<vmem>>[vector<16xi32>, vector<16xi32>], vector<16xf32>,
      %gather3A_172 = tpu.vector_load_idx %arg8[%add3A_42, %broadcast_in_dim3A_170] : memref<256x32xf32, #tpu.memory_space<vmem>>[vector<16xi32>, vector<16xi32>], vector<16xf32>,
      %mul3A_173 = arith.mulf %gather3A_171, %gather3A_172 : vector<16xf32>
      %add3A_174 = arith.addf %add3A_168, %mul3A_173 : vector<16xf32>
      %broadcast_in_dim3A_175 = arith.constant 22 : i32
      %broadcast_in_dim3A_176 = vector.broadcast %broadcast_in_dim3A_175 : i32 to vector<16xi32>
      %gather3A_177 = tpu.vector_load_idx %arg7[%add3A_42, %broadcast_in_dim3A_176] : memref<256x32xf32, #tpu.memory_space<vmem>>[vector<16xi32>, vector<16xi32>], vector<16xf32>,
      %gather3A_178 = tpu.vector_load_idx %arg8[%add3A_42, %broadcast_in_dim3A_176] : memref<256x32xf32, #tpu.memory_space<vmem>>[vector<16xi32>, vector<16xi32>], vector<16xf32>,
      %mul3A_179 = arith.mulf %gather3A_177, %gather3A_178 : vector<16xf32>
      %add3A_180 = arith.addf %add3A_174, %mul3A_179 : vector<16xf32>
      %broadcast_in_dim3A_181 = arith.constant 23 : i32
      %broadcast_in_dim3A_182 = vector.broadcast %broadcast_in_dim3A_181 : i32 to vector<16xi32>
      %gather3A_183 = tpu.vector_load_idx %arg7[%add3A_42, %broadcast_in_dim3A_182] : memref<256x32xf32, #tpu.memory_space<vmem>>[vector<16xi32>, vector<16xi32>], vector<16xf32>,
      %gather3A_184 = tpu.vector_load_idx %arg8[%add3A_42, %broadcast_in_dim3A_182] : memref<256x32xf32, #tpu.memory_space<vmem>>[vector<16xi32>, vector<16xi32>], vector<16xf32>,
      %mul3A_185 = arith.mulf %gather3A_183, %gather3A_184 : vector<16xf32>
      %add3A_186 = arith.addf %add3A_180, %mul3A_185 : vector<16xf32>
      %broadcast_in_dim3A_187 = arith.constant 24 : i32
      %broadcast_in_dim3A_188 = vector.broadcast %broadcast_in_dim3A_187 : i32 to vector<16xi32>
      %gather3A_189 = tpu.vector_load_idx %arg7[%add3A_42, %broadcast_in_dim3A_188] : memref<256x32xf32, #tpu.memory_space<vmem>>[vector<16xi32>, vector<16xi32>], vector<16xf32>,
      %gather3A_190 = tpu.vector_load_idx %arg8[%add3A_42, %broadcast_in_dim3A_188] : memref<256x32xf32, #tpu.memory_space<vmem>>[vector<16xi32>, vector<16xi32>], vector<16xf32>,
      %mul3A_191 = arith.mulf %gather3A_189, %gather3A_190 : vector<16xf32>
      %add3A_192 = arith.addf %add3A_186, %mul3A_191 : vector<16xf32>
      %broadcast_in_dim3A_193 = arith.constant 25 : i32
      %broadcast_in_dim3A_194 = vector.broadcast %broadcast_in_dim3A_193 : i32 to vector<16xi32>
      %gather3A_195 = tpu.vector_load_idx %arg7[%add3A_42, %broadcast_in_dim3A_194] : memref<256x32xf32, #tpu.memory_space<vmem>>[vector<16xi32>, vector<16xi32>], vector<16xf32>,
      %gather3A_196 = tpu.vector_load_idx %arg8[%add3A_42, %broadcast_in_dim3A_194] : memref<256x32xf32, #tpu.memory_space<vmem>>[vector<16xi32>, vector<16xi32>], vector<16xf32>,
      %mul3A_197 = arith.mulf %gather3A_195, %gather3A_196 : vector<16xf32>
      %add3A_198 = arith.addf %add3A_192, %mul3A_197 : vector<16xf32>
      %broadcast_in_dim3A_199 = arith.constant 26 : i32
      %broadcast_in_dim3A_200 = vector.broadcast %broadcast_in_dim3A_199 : i32 to vector<16xi32>
      %gather3A_201 = tpu.vector_load_idx %arg7[%add3A_42, %broadcast_in_dim3A_200] : memref<256x32xf32, #tpu.memory_space<vmem>>[vector<16xi32>, vector<16xi32>], vector<16xf32>,
      %gather3A_202 = tpu.vector_load_idx %arg8[%add3A_42, %broadcast_in_dim3A_200] : memref<256x32xf32, #tpu.memory_space<vmem>>[vector<16xi32>, vector<16xi32>], vector<16xf32>,
      %mul3A_203 = arith.mulf %gather3A_201, %gather3A_202 : vector<16xf32>
      %add3A_204 = arith.addf %add3A_198, %mul3A_203 : vector<16xf32>
      %broadcast_in_dim3A_205 = arith.constant 27 : i32
      %broadcast_in_dim3A_206 = vector.broadcast %broadcast_in_dim3A_205 : i32 to vector<16xi32>
      %gather3A_207 = tpu.vector_load_idx %arg7[%add3A_42, %broadcast_in_dim3A_206] : memref<256x32xf32, #tpu.memory_space<vmem>>[vector<16xi32>, vector<16xi32>], vector<16xf32>,
      %gather3A_208 = tpu.vector_load_idx %arg8[%add3A_42, %broadcast_in_dim3A_206] : memref<256x32xf32, #tpu.memory_space<vmem>>[vector<16xi32>, vector<16xi32>], vector<16xf32>,
      %mul3A_209 = arith.mulf %gather3A_207, %gather3A_208 : vector<16xf32>
      %add3A_210 = arith.addf %add3A_204, %mul3A_209 : vector<16xf32>
      %broadcast_in_dim3A_211 = arith.constant 28 : i32
      %broadcast_in_dim3A_212 = vector.broadcast %broadcast_in_dim3A_211 : i32 to vector<16xi32>
      %gather3A_213 = tpu.vector_load_idx %arg7[%add3A_42, %broadcast_in_dim3A_212] : memref<256x32xf32, #tpu.memory_space<vmem>>[vector<16xi32>, vector<16xi32>], vector<16xf32>,
      %gather3A_214 = tpu.vector_load_idx %arg8[%add3A_42, %broadcast_in_dim3A_212] : memref<256x32xf32, #tpu.memory_space<vmem>>[vector<16xi32>, vector<16xi32>], vector<16xf32>,
      %mul3A_215 = arith.mulf %gather3A_213, %gather3A_214 : vector<16xf32>
      %add3A_216 = arith.addf %add3A_210, %mul3A_215 : vector<16xf32>
      %broadcast_in_dim3A_217 = arith.constant 29 : i32
      %broadcast_in_dim3A_218 = vector.broadcast %broadcast_in_dim3A_217 : i32 to vector<16xi32>
      %gather3A_219 = tpu.vector_load_idx %arg7[%add3A_42, %broadcast_in_dim3A_218] : memref<256x32xf32, #tpu.memory_space<vmem>>[vector<16xi32>, vector<16xi32>], vector<16xf32>,
      %gather3A_220 = tpu.vector_load_idx %arg8[%add3A_42, %broadcast_in_dim3A_218] : memref<256x32xf32, #tpu.memory_space<vmem>>[vector<16xi32>, vector<16xi32>], vector<16xf32>,
      %mul3A_221 = arith.mulf %gather3A_219, %gather3A_220 : vector<16xf32>
      %add3A_222 = arith.addf %add3A_216, %mul3A_221 : vector<16xf32>
      %broadcast_in_dim3A_223 = arith.constant 30 : i32
      %broadcast_in_dim3A_224 = vector.broadcast %broadcast_in_dim3A_223 : i32 to vector<16xi32>
      %gather3A_225 = tpu.vector_load_idx %arg7[%add3A_42, %broadcast_in_dim3A_224] : memref<256x32xf32, #tpu.memory_space<vmem>>[vector<16xi32>, vector<16xi32>], vector<16xf32>,
      %gather3A_226 = tpu.vector_load_idx %arg8[%add3A_42, %broadcast_in_dim3A_224] : memref<256x32xf32, #tpu.memory_space<vmem>>[vector<16xi32>, vector<16xi32>], vector<16xf32>,
      %mul3A_227 = arith.mulf %gather3A_225, %gather3A_226 : vector<16xf32>
      %add3A_228 = arith.addf %add3A_222, %mul3A_227 : vector<16xf32>
      %broadcast_in_dim3A_229 = arith.constant 31 : i32
      %broadcast_in_dim3A_230 = vector.broadcast %broadcast_in_dim3A_229 : i32 to vector<16xi32>
      %gather3A_231 = tpu.vector_load_idx %arg7[%add3A_42, %broadcast_in_dim3A_230] : memref<256x32xf32, #tpu.memory_space<vmem>>[vector<16xi32>, vector<16xi32>], vector<16xf32>,
      %gather3A_232 = tpu.vector_load_idx %arg8[%add3A_42, %broadcast_in_dim3A_230] : memref<256x32xf32, #tpu.memory_space<vmem>>[vector<16xi32>, vector<16xi32>], vector<16xf32>,
      %mul3A_233 = arith.mulf %gather3A_231, %gather3A_232 : vector<16xf32>
      %add3A_234 = arith.addf %add3A_228, %mul3A_233 : vector<16xf32>
      %mul3A_235 = arith.constant 16 : i32
      %mul3A_236 = arith.muli %scan3A_38, %mul3A_235 : i32
      %add3A_237 = arith.constant 0 : i32
      %add3A_238 = arith.addi %add3A_237, %mul3A_236 : i32
      %swap3A = arith.index_cast %add3A_238 : i32 to index
      %swap3A_239 = tpu.vector_load %arg9[%swap3A] {strides = array<i32>} : memref<512xf32, #tpu.memory_space<vmem>>, vector<16xf32>,
      tpu.vector_store %arg9[%swap3A], %add3A_234 {strides = array<i32>} : memref<512xf32, #tpu.memory_space<vmem>>, vector<16xf32>,
    }
    %scan3A_19 = arith.constant 16 : i32
    %scan3A_20 = arith.constant 0 : i32
    %scan3A_21 = arith.constant 0 : i32
    %scan3A_22 = arith.constant 16 : i32
    %scan3A_23 = arith.addi %scan3A_21, %scan3A_22 : i32
    %scan3A_24 = arith.constant 1 : i32
    scf.for %scan3A_38 = %scan3A_21 to %scan3A_23 step %scan3A_24  : i32 {
      %add3A_39 = arith.constant 16 : i32
      %add3A_40 = arith.addi %scan3A_38, %add3A_39 : i32
      %jit3A = arith.constant 8 : i32
      %div3A = arith.divsi %add3A_40, %jit3A : i32
      %sign3A = arith.constant 0 : i32
      %sign3A_41 = arith.cmpi sgt, %add3A_40, %sign3A : i32
      %sign3A_42 = arith.extui %sign3A_41 : i1 to i32
      %sign3A_43 = arith.constant 0 : i32
      %sign3A_44 = arith.cmpi slt, %add3A_40, %sign3A_43 : i32
      %sign3A_45 = arith.extui %sign3A_44 : i1 to i32
      %sign3A_46 = arith.subi %sign3A_42, %sign3A_45 : i32
      %sign3A_47 = arith.constant 0 : i32
      %sign3A_48 = arith.cmpi sgt, %jit3A, %sign3A_47 : i32
      %sign3A_49 = arith.extui %sign3A_48 : i1 to i32
      %sign3A_50 = arith.constant 0 : i32
      %sign3A_51 = arith.cmpi slt, %jit3A, %sign3A_50 : i32
      %sign3A_52 = arith.extui %sign3A_51 : i1 to i32
      %sign3A_53 = arith.subi %sign3A_49, %sign3A_52 : i32
      %ne3A = arith.cmpi ne, %sign3A_46, %sign3A_53 : i32
      %rem3A = arith.remsi %add3A_40, %jit3A : i32
      %ne3A_54 = arith.constant 0 : i32
      %ne3A_55 = arith.cmpi ne, %rem3A, %ne3A_54 : i32
      %and3A = arith.andi %ne3A, %ne3A_55 : i1
      %sub3A = arith.constant 1 : i32
      %sub3A_56 = arith.subi %div3A, %sub3A : i32
      %select_n3A = arith.select %and3A, %sub3A_56, %div3A : i32
      %jit3A_57 = arith.constant 8 : i32
      %eq3A = arith.constant 0 : i32
      %eq3A_58 = arith.cmpi eq, %jit3A_57, %eq3A : i32
      %jit3A_59 = arith.constant 1 : i32
      %select_n3A_60 = arith.select %eq3A_58, %jit3A_59, %jit3A_57 : i32
      %rem3A_61 = arith.remsi %add3A_40, %select_n3A_60 : i32
      %ne3A_62 = arith.constant 0 : i32
      %ne3A_63 = arith.cmpi ne, %rem3A_61, %ne3A_62 : i32
      %lt3A = arith.constant 0 : i32
      %lt3A_64 = arith.cmpi slt, %rem3A_61, %lt3A : i32
      %lt3A_65 = arith.constant 0 : i32
      %lt3A_66 = arith.cmpi slt, %select_n3A_60, %lt3A_65 : i32
      %ne3A_67 = arith.xori %lt3A_64, %lt3A_66 : i1
      %and3A_68 = arith.andi %ne3A_67, %ne3A_63 : i1
      %add3A_69 = arith.addi %rem3A_61, %select_n3A_60 : i32
      %select_n3A_70 = arith.select %and3A_68, %add3A_69, %rem3A_61 : i32
      %mul3A_71 = arith.constant 16 : i32
      %mul3A_72 = arith.muli %select_n3A_70, %mul3A_71 : i32
      %get3A = arith.index_cast %select_n3A : i32 to index
      %get3A_73 = arith.index_cast %mul3A_72 : i32 to index
      %get3A_74 = tpu.vector_load %arg6[%get3A, %get3A_73] {strides = array<i32>} : memref<8x128xi32, #tpu.memory_space<vmem>>, vector<16xi32>,
      %add3A_75 = arith.constant 4 : i32
      %add3A_76 = arith.addi %add3A_75, %select_n3A : i32
      %get3A_77 = arith.index_cast %add3A_76 : i32 to index
      %get3A_78 = arith.index_cast %mul3A_72 : i32 to index
      %get3A_79 = tpu.vector_load %arg6[%get3A_77, %get3A_78] {strides = array<i32>} : memref<8x128xi32, #tpu.memory_space<vmem>>, vector<16xi32>,
      %sub3A_80 = arith.constant 16 : i32
      %sub3A_81 = arith.subi %add3A_40, %sub3A_80 : i32
      %mul3A_82 = arith.constant 16 : i32
      %mul3A_83 = arith.muli %sub3A_81, %mul3A_82 : i32
      %add3A_84 = arith.constant 0 : i32
      %add3A_85 = arith.addi %mul3A_83, %add3A_84 : i32
      %slice3A = vector.extract_strided_slice %get3A_74 {offsets = [0], sizes = [1], strides = [1]} : vector<16xi32> to vector<1xi32>
      %squeeze3A = vector.extract %slice3A[0] : i32 from vector<1xi32>
      %dma_start3A = arith.constant 0 : i32
      %dma_start3A_86 = tpu.memref_slice %arg7[%add3A_85, %dma_start3A] : memref<256x32xf32, #tpu.memory_space<vmem>> -> memref<1x32xf32, #tpu.memory_space<vmem>>
      %dma_start3A_87 = arith.constant 0 : i32
      %dma_start3A_88 = tpu.memref_slice %arg3[%squeeze3A, %dma_start3A_87] : memref<1000000x32xf32, #tpu.memory_space<hbm>> -> memref<1x32xf32, #tpu.memory_space<hbm>>
      %dma_start3A_89 = arith.constant 0 : i32
      %dma_start3A_90 = tpu.memref_slice %arg7[%add3A_85, %dma_start3A_89] : memref<256x32xf32, #tpu.memory_space<vmem>> -> memref<1x32xf32, #tpu.memory_space<vmem>>
      %dma_start3A_91 = arith.constant 0 : i32
      %dma_start3A_92 = tpu.memref_slice %arg3[%squeeze3A, %dma_start3A_91] : memref<1000000x32xf32, #tpu.memory_space<hbm>> -> memref<1x32xf32, #tpu.memory_space<hbm>>
      tpu.enqueue_dma source(%dma_start3A_92 : memref<1x32xf32, #tpu.memory_space<hbm>>) target(%dma_start3A_90 : memref<1x32xf32, #tpu.memory_space<vmem>>) target_semaphore(%arg10 : memref<!tpu.dma_semaphore, #tpu.memory_space<semaphore_mem>>)
      %slice3A_93 = vector.extract_strided_slice %get3A_79 {offsets = [0], sizes = [1], strides = [1]} : vector<16xi32> to vector<1xi32>
      %squeeze3A_94 = vector.extract %slice3A_93[0] : i32 from vector<1xi32>
      %dma_start3A_95 = arith.constant 0 : i32
      %dma_start3A_96 = tpu.memref_slice %arg8[%add3A_85, %dma_start3A_95] : memref<256x32xf32, #tpu.memory_space<vmem>> -> memref<1x32xf32, #tpu.memory_space<vmem>>
      %dma_start3A_97 = arith.constant 0 : i32
      %dma_start3A_98 = tpu.memref_slice %arg4[%squeeze3A_94, %dma_start3A_97] : memref<1000000x32xf32, #tpu.memory_space<hbm>> -> memref<1x32xf32, #tpu.memory_space<hbm>>
      %dma_start3A_99 = arith.constant 0 : i32
      %dma_start3A_100 = tpu.memref_slice %arg8[%add3A_85, %dma_start3A_99] : memref<256x32xf32, #tpu.memory_space<vmem>> -> memref<1x32xf32, #tpu.memory_space<vmem>>
      %dma_start3A_101 = arith.constant 0 : i32
      %dma_start3A_102 = tpu.memref_slice %arg4[%squeeze3A_94, %dma_start3A_101] : memref<1000000x32xf32, #tpu.memory_space<hbm>> -> memref<1x32xf32, #tpu.memory_space<hbm>>
      tpu.enqueue_dma source(%dma_start3A_102 : memref<1x32xf32, #tpu.memory_space<hbm>>) target(%dma_start3A_100 : memref<1x32xf32, #tpu.memory_space<vmem>>) target_semaphore(%arg11 : memref<!tpu.dma_semaphore, #tpu.memory_space<semaphore_mem>>)
      %sub3A_103 = arith.constant 16 : i32
      %sub3A_104 = arith.subi %add3A_40, %sub3A_103 : i32
      %mul3A_105 = arith.constant 16 : i32
      %mul3A_106 = arith.muli %sub3A_104, %mul3A_105 : i32
      %add3A_107 = arith.constant 1 : i32
      %add3A_108 = arith.addi %mul3A_106, %add3A_107 : i32
      %slice3A_109 = vector.extract_strided_slice %get3A_74 {offsets = [1], sizes = [1], strides = [1]} : vector<16xi32> to vector<1xi32>
      %squeeze3A_110 = vector.extract %slice3A_109[0] : i32 from vector<1xi32>
      %dma_start3A_111 = arith.constant 0 : i32
      %dma_start3A_112 = tpu.memref_slice %arg7[%add3A_108, %dma_start3A_111] : memref<256x32xf32, #tpu.memory_space<vmem>> -> memref<1x32xf32, #tpu.memory_space<vmem>>
      %dma_start3A_113 = arith.constant 0 : i32
      %dma_start3A_114 = tpu.memref_slice %arg3[%squeeze3A_110, %dma_start3A_113] : memref<1000000x32xf32, #tpu.memory_space<hbm>> -> memref<1x32xf32, #tpu.memory_space<hbm>>
      %dma_start3A_115 = arith.constant 0 : i32
      %dma_start3A_116 = tpu.memref_slice %arg7[%add3A_108, %dma_start3A_115] : memref<256x32xf32, #tpu.memory_space<vmem>> -> memref<1x32xf32, #tpu.memory_space<vmem>>
      %dma_start3A_117 = arith.constant 0 : i32
      %dma_start3A_118 = tpu.memref_slice %arg3[%squeeze3A_110, %dma_start3A_117] : memref<1000000x32xf32, #tpu.memory_space<hbm>> -> memref<1x32xf32, #tpu.memory_space<hbm>>
      tpu.enqueue_dma source(%dma_start3A_118 : memref<1x32xf32, #tpu.memory_space<hbm>>) target(%dma_start3A_116 : memref<1x32xf32, #tpu.memory_space<vmem>>) target_semaphore(%arg10 : memref<!tpu.dma_semaphore, #tpu.memory_space<semaphore_mem>>)
      %slice3A_119 = vector.extract_strided_slice %get3A_79 {offsets = [1], sizes = [1], strides = [1]} : vector<16xi32> to vector<1xi32>
      %squeeze3A_120 = vector.extract %slice3A_119[0] : i32 from vector<1xi32>
      %dma_start3A_121 = arith.constant 0 : i32
      %dma_start3A_122 = tpu.memref_slice %arg8[%add3A_108, %dma_start3A_121] : memref<256x32xf32, #tpu.memory_space<vmem>> -> memref<1x32xf32, #tpu.memory_space<vmem>>
      %dma_start3A_123 = arith.constant 0 : i32
      %dma_start3A_124 = tpu.memref_slice %arg4[%squeeze3A_120, %dma_start3A_123] : memref<1000000x32xf32, #tpu.memory_space<hbm>> -> memref<1x32xf32, #tpu.memory_space<hbm>>
      %dma_start3A_125 = arith.constant 0 : i32
      %dma_start3A_126 = tpu.memref_slice %arg8[%add3A_108, %dma_start3A_125] : memref<256x32xf32, #tpu.memory_space<vmem>> -> memref<1x32xf32, #tpu.memory_space<vmem>>
      %dma_start3A_127 = arith.constant 0 : i32
      %dma_start3A_128 = tpu.memref_slice %arg4[%squeeze3A_120, %dma_start3A_127] : memref<1000000x32xf32, #tpu.memory_space<hbm>> -> memref<1x32xf32, #tpu.memory_space<hbm>>
      tpu.enqueue_dma source(%dma_start3A_128 : memref<1x32xf32, #tpu.memory_space<hbm>>) target(%dma_start3A_126 : memref<1x32xf32, #tpu.memory_space<vmem>>) target_semaphore(%arg11 : memref<!tpu.dma_semaphore, #tpu.memory_space<semaphore_mem>>)
      %sub3A_129 = arith.constant 16 : i32
      %sub3A_130 = arith.subi %add3A_40, %sub3A_129 : i32
      %mul3A_131 = arith.constant 16 : i32
      %mul3A_132 = arith.muli %sub3A_130, %mul3A_131 : i32
      %add3A_133 = arith.constant 2 : i32
      %add3A_134 = arith.addi %mul3A_132, %add3A_133 : i32
      %slice3A_135 = vector.extract_strided_slice %get3A_74 {offsets = [2], sizes = [1], strides = [1]} : vector<16xi32> to vector<1xi32>
      %squeeze3A_136 = vector.extract %slice3A_135[0] : i32 from vector<1xi32>
      %dma_start3A_137 = arith.constant 0 : i32
      %dma_start3A_138 = tpu.memref_slice %arg7[%add3A_134, %dma_start3A_137] : memref<256x32xf32, #tpu.memory_space<vmem>> -> memref<1x32xf32, #tpu.memory_space<vmem>>
      %dma_start3A_139 = arith.constant 0 : i32
      %dma_start3A_140 = tpu.memref_slice %arg3[%squeeze3A_136, %dma_start3A_139] : memref<1000000x32xf32, #tpu.memory_space<hbm>> -> memref<1x32xf32, #tpu.memory_space<hbm>>
      %dma_start3A_141 = arith.constant 0 : i32
      %dma_start3A_142 = tpu.memref_slice %arg7[%add3A_134, %dma_start3A_141] : memref<256x32xf32, #tpu.memory_space<vmem>> -> memref<1x32xf32, #tpu.memory_space<vmem>>
      %dma_start3A_143 = arith.constant 0 : i32
      %dma_start3A_144 = tpu.memref_slice %arg3[%squeeze3A_136, %dma_start3A_143] : memref<1000000x32xf32, #tpu.memory_space<hbm>> -> memref<1x32xf32, #tpu.memory_space<hbm>>
      tpu.enqueue_dma source(%dma_start3A_144 : memref<1x32xf32, #tpu.memory_space<hbm>>) target(%dma_start3A_142 : memref<1x32xf32, #tpu.memory_space<vmem>>) target_semaphore(%arg10 : memref<!tpu.dma_semaphore, #tpu.memory_space<semaphore_mem>>)
      %slice3A_145 = vector.extract_strided_slice %get3A_79 {offsets = [2], sizes = [1], strides = [1]} : vector<16xi32> to vector<1xi32>
      %squeeze3A_146 = vector.extract %slice3A_145[0] : i32 from vector<1xi32>
      %dma_start3A_147 = arith.constant 0 : i32
      %dma_start3A_148 = tpu.memref_slice %arg8[%add3A_134, %dma_start3A_147] : memref<256x32xf32, #tpu.memory_space<vmem>> -> memref<1x32xf32, #tpu.memory_space<vmem>>
      %dma_start3A_149 = arith.constant 0 : i32
      %dma_start3A_150 = tpu.memref_slice %arg4[%squeeze3A_146, %dma_start3A_149] : memref<1000000x32xf32, #tpu.memory_space<hbm>> -> memref<1x32xf32, #tpu.memory_space<hbm>>
      %dma_start3A_151 = arith.constant 0 : i32
      %dma_start3A_152 = tpu.memref_slice %arg8[%add3A_134, %dma_start3A_151] : memref<256x32xf32, #tpu.memory_space<vmem>> -> memref<1x32xf32, #tpu.memory_space<vmem>>
      %dma_start3A_153 = arith.constant 0 : i32
      %dma_start3A_154 = tpu.memref_slice %arg4[%squeeze3A_146, %dma_start3A_153] : memref<1000000x32xf32, #tpu.memory_space<hbm>> -> memref<1x32xf32, #tpu.memory_space<hbm>>
      tpu.enqueue_dma source(%dma_start3A_154 : memref<1x32xf32, #tpu.memory_space<hbm>>) target(%dma_start3A_152 : memref<1x32xf32, #tpu.memory_space<vmem>>) target_semaphore(%arg11 : memref<!tpu.dma_semaphore, #tpu.memory_space<semaphore_mem>>)
      %sub3A_155 = arith.constant 16 : i32
      %sub3A_156 = arith.subi %add3A_40, %sub3A_155 : i32
      %mul3A_157 = arith.constant 16 : i32
      %mul3A_158 = arith.muli %sub3A_156, %mul3A_157 : i32
      %add3A_159 = arith.constant 3 : i32
      %add3A_160 = arith.addi %mul3A_158, %add3A_159 : i32
      %slice3A_161 = vector.extract_strided_slice %get3A_74 {offsets = [3], sizes = [1], strides = [1]} : vector<16xi32> to vector<1xi32>
      %squeeze3A_162 = vector.extract %slice3A_161[0] : i32 from vector<1xi32>
      %dma_start3A_163 = arith.constant 0 : i32
      %dma_start3A_164 = tpu.memref_slice %arg7[%add3A_160, %dma_start3A_163] : memref<256x32xf32, #tpu.memory_space<vmem>> -> memref<1x32xf32, #tpu.memory_space<vmem>>
      %dma_start3A_165 = arith.constant 0 : i32
      %dma_start3A_166 = tpu.memref_slice %arg3[%squeeze3A_162, %dma_start3A_165] : memref<1000000x32xf32, #tpu.memory_space<hbm>> -> memref<1x32xf32, #tpu.memory_space<hbm>>
      %dma_start3A_167 = arith.constant 0 : i32
      %dma_start3A_168 = tpu.memref_slice %arg7[%add3A_160, %dma_start3A_167] : memref<256x32xf32, #tpu.memory_space<vmem>> -> memref<1x32xf32, #tpu.memory_space<vmem>>
      %dma_start3A_169 = arith.constant 0 : i32
      %dma_start3A_170 = tpu.memref_slice %arg3[%squeeze3A_162, %dma_start3A_169] : memref<1000000x32xf32, #tpu.memory_space<hbm>> -> memref<1x32xf32, #tpu.memory_space<hbm>>
      tpu.enqueue_dma source(%dma_start3A_170 : memref<1x32xf32, #tpu.memory_space<hbm>>) target(%dma_start3A_168 : memref<1x32xf32, #tpu.memory_space<vmem>>) target_semaphore(%arg10 : memref<!tpu.dma_semaphore, #tpu.memory_space<semaphore_mem>>)
      %slice3A_171 = vector.extract_strided_slice %get3A_79 {offsets = [3], sizes = [1], strides = [1]} : vector<16xi32> to vector<1xi32>
      %squeeze3A_172 = vector.extract %slice3A_171[0] : i32 from vector<1xi32>
      %dma_start3A_173 = arith.constant 0 : i32
      %dma_start3A_174 = tpu.memref_slice %arg8[%add3A_160, %dma_start3A_173] : memref<256x32xf32, #tpu.memory_space<vmem>> -> memref<1x32xf32, #tpu.memory_space<vmem>>
      %dma_start3A_175 = arith.constant 0 : i32
      %dma_start3A_176 = tpu.memref_slice %arg4[%squeeze3A_172, %dma_start3A_175] : memref<1000000x32xf32, #tpu.memory_space<hbm>> -> memref<1x32xf32, #tpu.memory_space<hbm>>
      %dma_start3A_177 = arith.constant 0 : i32
      %dma_start3A_178 = tpu.memref_slice %arg8[%add3A_160, %dma_start3A_177] : memref<256x32xf32, #tpu.memory_space<vmem>> -> memref<1x32xf32, #tpu.memory_space<vmem>>
      %dma_start3A_179 = arith.constant 0 : i32
      %dma_start3A_180 = tpu.memref_slice %arg4[%squeeze3A_172, %dma_start3A_179] : memref<1000000x32xf32, #tpu.memory_space<hbm>> -> memref<1x32xf32, #tpu.memory_space<hbm>>
      tpu.enqueue_dma source(%dma_start3A_180 : memref<1x32xf32, #tpu.memory_space<hbm>>) target(%dma_start3A_178 : memref<1x32xf32, #tpu.memory_space<vmem>>) target_semaphore(%arg11 : memref<!tpu.dma_semaphore, #tpu.memory_space<semaphore_mem>>)
      %sub3A_181 = arith.constant 16 : i32
      %sub3A_182 = arith.subi %add3A_40, %sub3A_181 : i32
      %mul3A_183 = arith.constant 16 : i32
      %mul3A_184 = arith.muli %sub3A_182, %mul3A_183 : i32
      %add3A_185 = arith.constant 4 : i32
      %add3A_186 = arith.addi %mul3A_184, %add3A_185 : i32
      %slice3A_187 = vector.extract_strided_slice %get3A_74 {offsets = [4], sizes = [1], strides = [1]} : vector<16xi32> to vector<1xi32>
      %squeeze3A_188 = vector.extract %slice3A_187[0] : i32 from vector<1xi32>
      %dma_start3A_189 = arith.constant 0 : i32
      %dma_start3A_190 = tpu.memref_slice %arg7[%add3A_186, %dma_start3A_189] : memref<256x32xf32, #tpu.memory_space<vmem>> -> memref<1x32xf32, #tpu.memory_space<vmem>>
      %dma_start3A_191 = arith.constant 0 : i32
      %dma_start3A_192 = tpu.memref_slice %arg3[%squeeze3A_188, %dma_start3A_191] : memref<1000000x32xf32, #tpu.memory_space<hbm>> -> memref<1x32xf32, #tpu.memory_space<hbm>>
      %dma_start3A_193 = arith.constant 0 : i32
      %dma_start3A_194 = tpu.memref_slice %arg7[%add3A_186, %dma_start3A_193] : memref<256x32xf32, #tpu.memory_space<vmem>> -> memref<1x32xf32, #tpu.memory_space<vmem>>
      %dma_start3A_195 = arith.constant 0 : i32
      %dma_start3A_196 = tpu.memref_slice %arg3[%squeeze3A_188, %dma_start3A_195] : memref<1000000x32xf32, #tpu.memory_space<hbm>> -> memref<1x32xf32, #tpu.memory_space<hbm>>
      tpu.enqueue_dma source(%dma_start3A_196 : memref<1x32xf32, #tpu.memory_space<hbm>>) target(%dma_start3A_194 : memref<1x32xf32, #tpu.memory_space<vmem>>) target_semaphore(%arg10 : memref<!tpu.dma_semaphore, #tpu.memory_space<semaphore_mem>>)
      %slice3A_197 = vector.extract_strided_slice %get3A_79 {offsets = [4], sizes = [1], strides = [1]} : vector<16xi32> to vector<1xi32>
      %squeeze3A_198 = vector.extract %slice3A_197[0] : i32 from vector<1xi32>
      %dma_start3A_199 = arith.constant 0 : i32
      %dma_start3A_200 = tpu.memref_slice %arg8[%add3A_186, %dma_start3A_199] : memref<256x32xf32, #tpu.memory_space<vmem>> -> memref<1x32xf32, #tpu.memory_space<vmem>>
      %dma_start3A_201 = arith.constant 0 : i32
      %dma_start3A_202 = tpu.memref_slice %arg4[%squeeze3A_198, %dma_start3A_201] : memref<1000000x32xf32, #tpu.memory_space<hbm>> -> memref<1x32xf32, #tpu.memory_space<hbm>>
      %dma_start3A_203 = arith.constant 0 : i32
      %dma_start3A_204 = tpu.memref_slice %arg8[%add3A_186, %dma_start3A_203] : memref<256x32xf32, #tpu.memory_space<vmem>> -> memref<1x32xf32, #tpu.memory_space<vmem>>
      %dma_start3A_205 = arith.constant 0 : i32
      %dma_start3A_206 = tpu.memref_slice %arg4[%squeeze3A_198, %dma_start3A_205] : memref<1000000x32xf32, #tpu.memory_space<hbm>> -> memref<1x32xf32, #tpu.memory_space<hbm>>
      tpu.enqueue_dma source(%dma_start3A_206 : memref<1x32xf32, #tpu.memory_space<hbm>>) target(%dma_start3A_204 : memref<1x32xf32, #tpu.memory_space<vmem>>) target_semaphore(%arg11 : memref<!tpu.dma_semaphore, #tpu.memory_space<semaphore_mem>>)
      %sub3A_207 = arith.constant 16 : i32
      %sub3A_208 = arith.subi %add3A_40, %sub3A_207 : i32
      %mul3A_209 = arith.constant 16 : i32
      %mul3A_210 = arith.muli %sub3A_208, %mul3A_209 : i32
      %add3A_211 = arith.constant 5 : i32
      %add3A_212 = arith.addi %mul3A_210, %add3A_211 : i32
      %slice3A_213 = vector.extract_strided_slice %get3A_74 {offsets = [5], sizes = [1], strides = [1]} : vector<16xi32> to vector<1xi32>
      %squeeze3A_214 = vector.extract %slice3A_213[0] : i32 from vector<1xi32>
      %dma_start3A_215 = arith.constant 0 : i32
      %dma_start3A_216 = tpu.memref_slice %arg7[%add3A_212, %dma_start3A_215] : memref<256x32xf32, #tpu.memory_space<vmem>> -> memref<1x32xf32, #tpu.memory_space<vmem>>
      %dma_start3A_217 = arith.constant 0 : i32
      %dma_start3A_218 = tpu.memref_slice %arg3[%squeeze3A_214, %dma_start3A_217] : memref<1000000x32xf32, #tpu.memory_space<hbm>> -> memref<1x32xf32, #tpu.memory_space<hbm>>
      %dma_start3A_219 = arith.constant 0 : i32
      %dma_start3A_220 = tpu.memref_slice %arg7[%add3A_212, %dma_start3A_219] : memref<256x32xf32, #tpu.memory_space<vmem>> -> memref<1x32xf32, #tpu.memory_space<vmem>>
      %dma_start3A_221 = arith.constant 0 : i32
      %dma_start3A_222 = tpu.memref_slice %arg3[%squeeze3A_214, %dma_start3A_221] : memref<1000000x32xf32, #tpu.memory_space<hbm>> -> memref<1x32xf32, #tpu.memory_space<hbm>>
      tpu.enqueue_dma source(%dma_start3A_222 : memref<1x32xf32, #tpu.memory_space<hbm>>) target(%dma_start3A_220 : memref<1x32xf32, #tpu.memory_space<vmem>>) target_semaphore(%arg10 : memref<!tpu.dma_semaphore, #tpu.memory_space<semaphore_mem>>)
      %slice3A_223 = vector.extract_strided_slice %get3A_79 {offsets = [5], sizes = [1], strides = [1]} : vector<16xi32> to vector<1xi32>
      %squeeze3A_224 = vector.extract %slice3A_223[0] : i32 from vector<1xi32>
      %dma_start3A_225 = arith.constant 0 : i32
      %dma_start3A_226 = tpu.memref_slice %arg8[%add3A_212, %dma_start3A_225] : memref<256x32xf32, #tpu.memory_space<vmem>> -> memref<1x32xf32, #tpu.memory_space<vmem>>
      %dma_start3A_227 = arith.constant 0 : i32
      %dma_start3A_228 = tpu.memref_slice %arg4[%squeeze3A_224, %dma_start3A_227] : memref<1000000x32xf32, #tpu.memory_space<hbm>> -> memref<1x32xf32, #tpu.memory_space<hbm>>
      %dma_start3A_229 = arith.constant 0 : i32
      %dma_start3A_230 = tpu.memref_slice %arg8[%add3A_212, %dma_start3A_229] : memref<256x32xf32, #tpu.memory_space<vmem>> -> memref<1x32xf32, #tpu.memory_space<vmem>>
      %dma_start3A_231 = arith.constant 0 : i32
      %dma_start3A_232 = tpu.memref_slice %arg4[%squeeze3A_224, %dma_start3A_231] : memref<1000000x32xf32, #tpu.memory_space<hbm>> -> memref<1x32xf32, #tpu.memory_space<hbm>>
      tpu.enqueue_dma source(%dma_start3A_232 : memref<1x32xf32, #tpu.memory_space<hbm>>) target(%dma_start3A_230 : memref<1x32xf32, #tpu.memory_space<vmem>>) target_semaphore(%arg11 : memref<!tpu.dma_semaphore, #tpu.memory_space<semaphore_mem>>)
      %sub3A_233 = arith.constant 16 : i32
      %sub3A_234 = arith.subi %add3A_40, %sub3A_233 : i32
      %mul3A_235 = arith.constant 16 : i32
      %mul3A_236 = arith.muli %sub3A_234, %mul3A_235 : i32
      %add3A_237 = arith.constant 6 : i32
      %add3A_238 = arith.addi %mul3A_236, %add3A_237 : i32
      %slice3A_239 = vector.extract_strided_slice %get3A_74 {offsets = [6], sizes = [1], strides = [1]} : vector<16xi32> to vector<1xi32>
      %squeeze3A_240 = vector.extract %slice3A_239[0] : i32 from vector<1xi32>
      %dma_start3A_241 = arith.constant 0 : i32
      %dma_start3A_242 = tpu.memref_slice %arg7[%add3A_238, %dma_start3A_241] : memref<256x32xf32, #tpu.memory_space<vmem>> -> memref<1x32xf32, #tpu.memory_space<vmem>>
      %dma_start3A_243 = arith.constant 0 : i32
      %dma_start3A_244 = tpu.memref_slice %arg3[%squeeze3A_240, %dma_start3A_243] : memref<1000000x32xf32, #tpu.memory_space<hbm>> -> memref<1x32xf32, #tpu.memory_space<hbm>>
      %dma_start3A_245 = arith.constant 0 : i32
      %dma_start3A_246 = tpu.memref_slice %arg7[%add3A_238, %dma_start3A_245] : memref<256x32xf32, #tpu.memory_space<vmem>> -> memref<1x32xf32, #tpu.memory_space<vmem>>
      %dma_start3A_247 = arith.constant 0 : i32
      %dma_start3A_248 = tpu.memref_slice %arg3[%squeeze3A_240, %dma_start3A_247] : memref<1000000x32xf32, #tpu.memory_space<hbm>> -> memref<1x32xf32, #tpu.memory_space<hbm>>
      tpu.enqueue_dma source(%dma_start3A_248 : memref<1x32xf32, #tpu.memory_space<hbm>>) target(%dma_start3A_246 : memref<1x32xf32, #tpu.memory_space<vmem>>) target_semaphore(%arg10 : memref<!tpu.dma_semaphore, #tpu.memory_space<semaphore_mem>>)
      %slice3A_249 = vector.extract_strided_slice %get3A_79 {offsets = [6], sizes = [1], strides = [1]} : vector<16xi32> to vector<1xi32>
      %squeeze3A_250 = vector.extract %slice3A_249[0] : i32 from vector<1xi32>
      %dma_start3A_251 = arith.constant 0 : i32
      %dma_start3A_252 = tpu.memref_slice %arg8[%add3A_238, %dma_start3A_251] : memref<256x32xf32, #tpu.memory_space<vmem>> -> memref<1x32xf32, #tpu.memory_space<vmem>>
      %dma_start3A_253 = arith.constant 0 : i32
      %dma_start3A_254 = tpu.memref_slice %arg4[%squeeze3A_250, %dma_start3A_253] : memref<1000000x32xf32, #tpu.memory_space<hbm>> -> memref<1x32xf32, #tpu.memory_space<hbm>>
      %dma_start3A_255 = arith.constant 0 : i32
      %dma_start3A_256 = tpu.memref_slice %arg8[%add3A_238, %dma_start3A_255] : memref<256x32xf32, #tpu.memory_space<vmem>> -> memref<1x32xf32, #tpu.memory_space<vmem>>
      %dma_start3A_257 = arith.constant 0 : i32
      %dma_start3A_258 = tpu.memref_slice %arg4[%squeeze3A_250, %dma_start3A_257] : memref<1000000x32xf32, #tpu.memory_space<hbm>> -> memref<1x32xf32, #tpu.memory_space<hbm>>
      tpu.enqueue_dma source(%dma_start3A_258 : memref<1x32xf32, #tpu.memory_space<hbm>>) target(%dma_start3A_256 : memref<1x32xf32, #tpu.memory_space<vmem>>) target_semaphore(%arg11 : memref<!tpu.dma_semaphore, #tpu.memory_space<semaphore_mem>>)
      %sub3A_259 = arith.constant 16 : i32
      %sub3A_260 = arith.subi %add3A_40, %sub3A_259 : i32
      %mul3A_261 = arith.constant 16 : i32
      %mul3A_262 = arith.muli %sub3A_260, %mul3A_261 : i32
      %add3A_263 = arith.constant 7 : i32
      %add3A_264 = arith.addi %mul3A_262, %add3A_263 : i32
      %slice3A_265 = vector.extract_strided_slice %get3A_74 {offsets = [7], sizes = [1], strides = [1]} : vector<16xi32> to vector<1xi32>
      %squeeze3A_266 = vector.extract %slice3A_265[0] : i32 from vector<1xi32>
      %dma_start3A_267 = arith.constant 0 : i32
      %dma_start3A_268 = tpu.memref_slice %arg7[%add3A_264, %dma_start3A_267] : memref<256x32xf32, #tpu.memory_space<vmem>> -> memref<1x32xf32, #tpu.memory_space<vmem>>
      %dma_start3A_269 = arith.constant 0 : i32
      %dma_start3A_270 = tpu.memref_slice %arg3[%squeeze3A_266, %dma_start3A_269] : memref<1000000x32xf32, #tpu.memory_space<hbm>> -> memref<1x32xf32, #tpu.memory_space<hbm>>
      %dma_start3A_271 = arith.constant 0 : i32
      %dma_start3A_272 = tpu.memref_slice %arg7[%add3A_264, %dma_start3A_271] : memref<256x32xf32, #tpu.memory_space<vmem>> -> memref<1x32xf32, #tpu.memory_space<vmem>>
      %dma_start3A_273 = arith.constant 0 : i32
      %dma_start3A_274 = tpu.memref_slice %arg3[%squeeze3A_266, %dma_start3A_273] : memref<1000000x32xf32, #tpu.memory_space<hbm>> -> memref<1x32xf32, #tpu.memory_space<hbm>>
      tpu.enqueue_dma source(%dma_start3A_274 : memref<1x32xf32, #tpu.memory_space<hbm>>) target(%dma_start3A_272 : memref<1x32xf32, #tpu.memory_space<vmem>>) target_semaphore(%arg10 : memref<!tpu.dma_semaphore, #tpu.memory_space<semaphore_mem>>)
      %slice3A_275 = vector.extract_strided_slice %get3A_79 {offsets = [7], sizes = [1], strides = [1]} : vector<16xi32> to vector<1xi32>
      %squeeze3A_276 = vector.extract %slice3A_275[0] : i32 from vector<1xi32>
      %dma_start3A_277 = arith.constant 0 : i32
      %dma_start3A_278 = tpu.memref_slice %arg8[%add3A_264, %dma_start3A_277] : memref<256x32xf32, #tpu.memory_space<vmem>> -> memref<1x32xf32, #tpu.memory_space<vmem>>
      %dma_start3A_279 = arith.constant 0 : i32
      %dma_start3A_280 = tpu.memref_slice %arg4[%squeeze3A_276, %dma_start3A_279] : memref<1000000x32xf32, #tpu.memory_space<hbm>> -> memref<1x32xf32, #tpu.memory_space<hbm>>
      %dma_start3A_281 = arith.constant 0 : i32
      %dma_start3A_282 = tpu.memref_slice %arg8[%add3A_264, %dma_start3A_281] : memref<256x32xf32, #tpu.memory_space<vmem>> -> memref<1x32xf32, #tpu.memory_space<vmem>>
      %dma_start3A_283 = arith.constant 0 : i32
      %dma_start3A_284 = tpu.memref_slice %arg4[%squeeze3A_276, %dma_start3A_283] : memref<1000000x32xf32, #tpu.memory_space<hbm>> -> memref<1x32xf32, #tpu.memory_space<hbm>>
      tpu.enqueue_dma source(%dma_start3A_284 : memref<1x32xf32, #tpu.memory_space<hbm>>) target(%dma_start3A_282 : memref<1x32xf32, #tpu.memory_space<vmem>>) target_semaphore(%arg11 : memref<!tpu.dma_semaphore, #tpu.memory_space<semaphore_mem>>)
      %sub3A_285 = arith.constant 16 : i32
      %sub3A_286 = arith.subi %add3A_40, %sub3A_285 : i32
      %mul3A_287 = arith.constant 16 : i32
      %mul3A_288 = arith.muli %sub3A_286, %mul3A_287 : i32
      %add3A_289 = arith.constant 8 : i32
      %add3A_290 = arith.addi %mul3A_288, %add3A_289 : i32
      %slice3A_291 = vector.extract_strided_slice %get3A_74 {offsets = [8], sizes = [1], strides = [1]} : vector<16xi32> to vector<1xi32>
      %squeeze3A_292 = vector.extract %slice3A_291[0] : i32 from vector<1xi32>
      %dma_start3A_293 = arith.constant 0 : i32
      %dma_start3A_294 = tpu.memref_slice %arg7[%add3A_290, %dma_start3A_293] : memref<256x32xf32, #tpu.memory_space<vmem>> -> memref<1x32xf32, #tpu.memory_space<vmem>>
      %dma_start3A_295 = arith.constant 0 : i32
      %dma_start3A_296 = tpu.memref_slice %arg3[%squeeze3A_292, %dma_start3A_295] : memref<1000000x32xf32, #tpu.memory_space<hbm>> -> memref<1x32xf32, #tpu.memory_space<hbm>>
      %dma_start3A_297 = arith.constant 0 : i32
      %dma_start3A_298 = tpu.memref_slice %arg7[%add3A_290, %dma_start3A_297] : memref<256x32xf32, #tpu.memory_space<vmem>> -> memref<1x32xf32, #tpu.memory_space<vmem>>
      %dma_start3A_299 = arith.constant 0 : i32
      %dma_start3A_300 = tpu.memref_slice %arg3[%squeeze3A_292, %dma_start3A_299] : memref<1000000x32xf32, #tpu.memory_space<hbm>> -> memref<1x32xf32, #tpu.memory_space<hbm>>
      tpu.enqueue_dma source(%dma_start3A_300 : memref<1x32xf32, #tpu.memory_space<hbm>>) target(%dma_start3A_298 : memref<1x32xf32, #tpu.memory_space<vmem>>) target_semaphore(%arg10 : memref<!tpu.dma_semaphore, #tpu.memory_space<semaphore_mem>>)
      %slice3A_301 = vector.extract_strided_slice %get3A_79 {offsets = [8], sizes = [1], strides = [1]} : vector<16xi32> to vector<1xi32>
      %squeeze3A_302 = vector.extract %slice3A_301[0] : i32 from vector<1xi32>
      %dma_start3A_303 = arith.constant 0 : i32
      %dma_start3A_304 = tpu.memref_slice %arg8[%add3A_290, %dma_start3A_303] : memref<256x32xf32, #tpu.memory_space<vmem>> -> memref<1x32xf32, #tpu.memory_space<vmem>>
      %dma_start3A_305 = arith.constant 0 : i32
      %dma_start3A_306 = tpu.memref_slice %arg4[%squeeze3A_302, %dma_start3A_305] : memref<1000000x32xf32, #tpu.memory_space<hbm>> -> memref<1x32xf32, #tpu.memory_space<hbm>>
      %dma_start3A_307 = arith.constant 0 : i32
      %dma_start3A_308 = tpu.memref_slice %arg8[%add3A_290, %dma_start3A_307] : memref<256x32xf32, #tpu.memory_space<vmem>> -> memref<1x32xf32, #tpu.memory_space<vmem>>
      %dma_start3A_309 = arith.constant 0 : i32
      %dma_start3A_310 = tpu.memref_slice %arg4[%squeeze3A_302, %dma_start3A_309] : memref<1000000x32xf32, #tpu.memory_space<hbm>> -> memref<1x32xf32, #tpu.memory_space<hbm>>
      tpu.enqueue_dma source(%dma_start3A_310 : memref<1x32xf32, #tpu.memory_space<hbm>>) target(%dma_start3A_308 : memref<1x32xf32, #tpu.memory_space<vmem>>) target_semaphore(%arg11 : memref<!tpu.dma_semaphore, #tpu.memory_space<semaphore_mem>>)
      %sub3A_311 = arith.constant 16 : i32
      %sub3A_312 = arith.subi %add3A_40, %sub3A_311 : i32
      %mul3A_313 = arith.constant 16 : i32
      %mul3A_314 = arith.muli %sub3A_312, %mul3A_313 : i32
      %add3A_315 = arith.constant 9 : i32
      %add3A_316 = arith.addi %mul3A_314, %add3A_315 : i32
      %slice3A_317 = vector.extract_strided_slice %get3A_74 {offsets = [9], sizes = [1], strides = [1]} : vector<16xi32> to vector<1xi32>
      %squeeze3A_318 = vector.extract %slice3A_317[0] : i32 from vector<1xi32>
      %dma_start3A_319 = arith.constant 0 : i32
      %dma_start3A_320 = tpu.memref_slice %arg7[%add3A_316, %dma_start3A_319] : memref<256x32xf32, #tpu.memory_space<vmem>> -> memref<1x32xf32, #tpu.memory_space<vmem>>
      %dma_start3A_321 = arith.constant 0 : i32
      %dma_start3A_322 = tpu.memref_slice %arg3[%squeeze3A_318, %dma_start3A_321] : memref<1000000x32xf32, #tpu.memory_space<hbm>> -> memref<1x32xf32, #tpu.memory_space<hbm>>
      %dma_start3A_323 = arith.constant 0 : i32
      %dma_start3A_324 = tpu.memref_slice %arg7[%add3A_316, %dma_start3A_323] : memref<256x32xf32, #tpu.memory_space<vmem>> -> memref<1x32xf32, #tpu.memory_space<vmem>>
      %dma_start3A_325 = arith.constant 0 : i32
      %dma_start3A_326 = tpu.memref_slice %arg3[%squeeze3A_318, %dma_start3A_325] : memref<1000000x32xf32, #tpu.memory_space<hbm>> -> memref<1x32xf32, #tpu.memory_space<hbm>>
      tpu.enqueue_dma source(%dma_start3A_326 : memref<1x32xf32, #tpu.memory_space<hbm>>) target(%dma_start3A_324 : memref<1x32xf32, #tpu.memory_space<vmem>>) target_semaphore(%arg10 : memref<!tpu.dma_semaphore, #tpu.memory_space<semaphore_mem>>)
      %slice3A_327 = vector.extract_strided_slice %get3A_79 {offsets = [9], sizes = [1], strides = [1]} : vector<16xi32> to vector<1xi32>
      %squeeze3A_328 = vector.extract %slice3A_327[0] : i32 from vector<1xi32>
      %dma_start3A_329 = arith.constant 0 : i32
      %dma_start3A_330 = tpu.memref_slice %arg8[%add3A_316, %dma_start3A_329] : memref<256x32xf32, #tpu.memory_space<vmem>> -> memref<1x32xf32, #tpu.memory_space<vmem>>
      %dma_start3A_331 = arith.constant 0 : i32
      %dma_start3A_332 = tpu.memref_slice %arg4[%squeeze3A_328, %dma_start3A_331] : memref<1000000x32xf32, #tpu.memory_space<hbm>> -> memref<1x32xf32, #tpu.memory_space<hbm>>
      %dma_start3A_333 = arith.constant 0 : i32
      %dma_start3A_334 = tpu.memref_slice %arg8[%add3A_316, %dma_start3A_333] : memref<256x32xf32, #tpu.memory_space<vmem>> -> memref<1x32xf32, #tpu.memory_space<vmem>>
      %dma_start3A_335 = arith.constant 0 : i32
      %dma_start3A_336 = tpu.memref_slice %arg4[%squeeze3A_328, %dma_start3A_335] : memref<1000000x32xf32, #tpu.memory_space<hbm>> -> memref<1x32xf32, #tpu.memory_space<hbm>>
      tpu.enqueue_dma source(%dma_start3A_336 : memref<1x32xf32, #tpu.memory_space<hbm>>) target(%dma_start3A_334 : memref<1x32xf32, #tpu.memory_space<vmem>>) target_semaphore(%arg11 : memref<!tpu.dma_semaphore, #tpu.memory_space<semaphore_mem>>)
      %sub3A_337 = arith.constant 16 : i32
      %sub3A_338 = arith.subi %add3A_40, %sub3A_337 : i32
      %mul3A_339 = arith.constant 16 : i32
      %mul3A_340 = arith.muli %sub3A_338, %mul3A_339 : i32
      %add3A_341 = arith.constant 10 : i32
      %add3A_342 = arith.addi %mul3A_340, %add3A_341 : i32
      %slice3A_343 = vector.extract_strided_slice %get3A_74 {offsets = [10], sizes = [1], strides = [1]} : vector<16xi32> to vector<1xi32>
      %squeeze3A_344 = vector.extract %slice3A_343[0] : i32 from vector<1xi32>
      %dma_start3A_345 = arith.constant 0 : i32
      %dma_start3A_346 = tpu.memref_slice %arg7[%add3A_342, %dma_start3A_345] : memref<256x32xf32, #tpu.memory_space<vmem>> -> memref<1x32xf32, #tpu.memory_space<vmem>>
      %dma_start3A_347 = arith.constant 0 : i32
      %dma_start3A_348 = tpu.memref_slice %arg3[%squeeze3A_344, %dma_start3A_347] : memref<1000000x32xf32, #tpu.memory_space<hbm>> -> memref<1x32xf32, #tpu.memory_space<hbm>>
      %dma_start3A_349 = arith.constant 0 : i32
      %dma_start3A_350 = tpu.memref_slice %arg7[%add3A_342, %dma_start3A_349] : memref<256x32xf32, #tpu.memory_space<vmem>> -> memref<1x32xf32, #tpu.memory_space<vmem>>
      %dma_start3A_351 = arith.constant 0 : i32
      %dma_start3A_352 = tpu.memref_slice %arg3[%squeeze3A_344, %dma_start3A_351] : memref<1000000x32xf32, #tpu.memory_space<hbm>> -> memref<1x32xf32, #tpu.memory_space<hbm>>
      tpu.enqueue_dma source(%dma_start3A_352 : memref<1x32xf32, #tpu.memory_space<hbm>>) target(%dma_start3A_350 : memref<1x32xf32, #tpu.memory_space<vmem>>) target_semaphore(%arg10 : memref<!tpu.dma_semaphore, #tpu.memory_space<semaphore_mem>>)
      %slice3A_353 = vector.extract_strided_slice %get3A_79 {offsets = [10], sizes = [1], strides = [1]} : vector<16xi32> to vector<1xi32>
      %squeeze3A_354 = vector.extract %slice3A_353[0] : i32 from vector<1xi32>
      %dma_start3A_355 = arith.constant 0 : i32
      %dma_start3A_356 = tpu.memref_slice %arg8[%add3A_342, %dma_start3A_355] : memref<256x32xf32, #tpu.memory_space<vmem>> -> memref<1x32xf32, #tpu.memory_space<vmem>>
      %dma_start3A_357 = arith.constant 0 : i32
      %dma_start3A_358 = tpu.memref_slice %arg4[%squeeze3A_354, %dma_start3A_357] : memref<1000000x32xf32, #tpu.memory_space<hbm>> -> memref<1x32xf32, #tpu.memory_space<hbm>>
      %dma_start3A_359 = arith.constant 0 : i32
      %dma_start3A_360 = tpu.memref_slice %arg8[%add3A_342, %dma_start3A_359] : memref<256x32xf32, #tpu.memory_space<vmem>> -> memref<1x32xf32, #tpu.memory_space<vmem>>
      %dma_start3A_361 = arith.constant 0 : i32
      %dma_start3A_362 = tpu.memref_slice %arg4[%squeeze3A_354, %dma_start3A_361] : memref<1000000x32xf32, #tpu.memory_space<hbm>> -> memref<1x32xf32, #tpu.memory_space<hbm>>
      tpu.enqueue_dma source(%dma_start3A_362 : memref<1x32xf32, #tpu.memory_space<hbm>>) target(%dma_start3A_360 : memref<1x32xf32, #tpu.memory_space<vmem>>) target_semaphore(%arg11 : memref<!tpu.dma_semaphore, #tpu.memory_space<semaphore_mem>>)
      %sub3A_363 = arith.constant 16 : i32
      %sub3A_364 = arith.subi %add3A_40, %sub3A_363 : i32
      %mul3A_365 = arith.constant 16 : i32
      %mul3A_366 = arith.muli %sub3A_364, %mul3A_365 : i32
      %add3A_367 = arith.constant 11 : i32
      %add3A_368 = arith.addi %mul3A_366, %add3A_367 : i32
      %slice3A_369 = vector.extract_strided_slice %get3A_74 {offsets = [11], sizes = [1], strides = [1]} : vector<16xi32> to vector<1xi32>
      %squeeze3A_370 = vector.extract %slice3A_369[0] : i32 from vector<1xi32>
      %dma_start3A_371 = arith.constant 0 : i32
      %dma_start3A_372 = tpu.memref_slice %arg7[%add3A_368, %dma_start3A_371] : memref<256x32xf32, #tpu.memory_space<vmem>> -> memref<1x32xf32, #tpu.memory_space<vmem>>
      %dma_start3A_373 = arith.constant 0 : i32
      %dma_start3A_374 = tpu.memref_slice %arg3[%squeeze3A_370, %dma_start3A_373] : memref<1000000x32xf32, #tpu.memory_space<hbm>> -> memref<1x32xf32, #tpu.memory_space<hbm>>
      %dma_start3A_375 = arith.constant 0 : i32
      %dma_start3A_376 = tpu.memref_slice %arg7[%add3A_368, %dma_start3A_375] : memref<256x32xf32, #tpu.memory_space<vmem>> -> memref<1x32xf32, #tpu.memory_space<vmem>>
      %dma_start3A_377 = arith.constant 0 : i32
      %dma_start3A_378 = tpu.memref_slice %arg3[%squeeze3A_370, %dma_start3A_377] : memref<1000000x32xf32, #tpu.memory_space<hbm>> -> memref<1x32xf32, #tpu.memory_space<hbm>>
      tpu.enqueue_dma source(%dma_start3A_378 : memref<1x32xf32, #tpu.memory_space<hbm>>) target(%dma_start3A_376 : memref<1x32xf32, #tpu.memory_space<vmem>>) target_semaphore(%arg10 : memref<!tpu.dma_semaphore, #tpu.memory_space<semaphore_mem>>)
      %slice3A_379 = vector.extract_strided_slice %get3A_79 {offsets = [11], sizes = [1], strides = [1]} : vector<16xi32> to vector<1xi32>
      %squeeze3A_380 = vector.extract %slice3A_379[0] : i32 from vector<1xi32>
      %dma_start3A_381 = arith.constant 0 : i32
      %dma_start3A_382 = tpu.memref_slice %arg8[%add3A_368, %dma_start3A_381] : memref<256x32xf32, #tpu.memory_space<vmem>> -> memref<1x32xf32, #tpu.memory_space<vmem>>
      %dma_start3A_383 = arith.constant 0 : i32
      %dma_start3A_384 = tpu.memref_slice %arg4[%squeeze3A_380, %dma_start3A_383] : memref<1000000x32xf32, #tpu.memory_space<hbm>> -> memref<1x32xf32, #tpu.memory_space<hbm>>
      %dma_start3A_385 = arith.constant 0 : i32
      %dma_start3A_386 = tpu.memref_slice %arg8[%add3A_368, %dma_start3A_385] : memref<256x32xf32, #tpu.memory_space<vmem>> -> memref<1x32xf32, #tpu.memory_space<vmem>>
      %dma_start3A_387 = arith.constant 0 : i32
      %dma_start3A_388 = tpu.memref_slice %arg4[%squeeze3A_380, %dma_start3A_387] : memref<1000000x32xf32, #tpu.memory_space<hbm>> -> memref<1x32xf32, #tpu.memory_space<hbm>>
      tpu.enqueue_dma source(%dma_start3A_388 : memref<1x32xf32, #tpu.memory_space<hbm>>) target(%dma_start3A_386 : memref<1x32xf32, #tpu.memory_space<vmem>>) target_semaphore(%arg11 : memref<!tpu.dma_semaphore, #tpu.memory_space<semaphore_mem>>)
      %sub3A_389 = arith.constant 16 : i32
      %sub3A_390 = arith.subi %add3A_40, %sub3A_389 : i32
      %mul3A_391 = arith.constant 16 : i32
      %mul3A_392 = arith.muli %sub3A_390, %mul3A_391 : i32
      %add3A_393 = arith.constant 12 : i32
      %add3A_394 = arith.addi %mul3A_392, %add3A_393 : i32
      %slice3A_395 = vector.extract_strided_slice %get3A_74 {offsets = [12], sizes = [1], strides = [1]} : vector<16xi32> to vector<1xi32>
      %squeeze3A_396 = vector.extract %slice3A_395[0] : i32 from vector<1xi32>
      %dma_start3A_397 = arith.constant 0 : i32
      %dma_start3A_398 = tpu.memref_slice %arg7[%add3A_394, %dma_start3A_397] : memref<256x32xf32, #tpu.memory_space<vmem>> -> memref<1x32xf32, #tpu.memory_space<vmem>>
      %dma_start3A_399 = arith.constant 0 : i32
      %dma_start3A_400 = tpu.memref_slice %arg3[%squeeze3A_396, %dma_start3A_399] : memref<1000000x32xf32, #tpu.memory_space<hbm>> -> memref<1x32xf32, #tpu.memory_space<hbm>>
      %dma_start3A_401 = arith.constant 0 : i32
      %dma_start3A_402 = tpu.memref_slice %arg7[%add3A_394, %dma_start3A_401] : memref<256x32xf32, #tpu.memory_space<vmem>> -> memref<1x32xf32, #tpu.memory_space<vmem>>
      %dma_start3A_403 = arith.constant 0 : i32
      %dma_start3A_404 = tpu.memref_slice %arg3[%squeeze3A_396, %dma_start3A_403] : memref<1000000x32xf32, #tpu.memory_space<hbm>> -> memref<1x32xf32, #tpu.memory_space<hbm>>
      tpu.enqueue_dma source(%dma_start3A_404 : memref<1x32xf32, #tpu.memory_space<hbm>>) target(%dma_start3A_402 : memref<1x32xf32, #tpu.memory_space<vmem>>) target_semaphore(%arg10 : memref<!tpu.dma_semaphore, #tpu.memory_space<semaphore_mem>>)
      %slice3A_405 = vector.extract_strided_slice %get3A_79 {offsets = [12], sizes = [1], strides = [1]} : vector<16xi32> to vector<1xi32>
      %squeeze3A_406 = vector.extract %slice3A_405[0] : i32 from vector<1xi32>
      %dma_start3A_407 = arith.constant 0 : i32
      %dma_start3A_408 = tpu.memref_slice %arg8[%add3A_394, %dma_start3A_407] : memref<256x32xf32, #tpu.memory_space<vmem>> -> memref<1x32xf32, #tpu.memory_space<vmem>>
      %dma_start3A_409 = arith.constant 0 : i32
      %dma_start3A_410 = tpu.memref_slice %arg4[%squeeze3A_406, %dma_start3A_409] : memref<1000000x32xf32, #tpu.memory_space<hbm>> -> memref<1x32xf32, #tpu.memory_space<hbm>>
      %dma_start3A_411 = arith.constant 0 : i32
      %dma_start3A_412 = tpu.memref_slice %arg8[%add3A_394, %dma_start3A_411] : memref<256x32xf32, #tpu.memory_space<vmem>> -> memref<1x32xf32, #tpu.memory_space<vmem>>
      %dma_start3A_413 = arith.constant 0 : i32
      %dma_start3A_414 = tpu.memref_slice %arg4[%squeeze3A_406, %dma_start3A_413] : memref<1000000x32xf32, #tpu.memory_space<hbm>> -> memref<1x32xf32, #tpu.memory_space<hbm>>
      tpu.enqueue_dma source(%dma_start3A_414 : memref<1x32xf32, #tpu.memory_space<hbm>>) target(%dma_start3A_412 : memref<1x32xf32, #tpu.memory_space<vmem>>) target_semaphore(%arg11 : memref<!tpu.dma_semaphore, #tpu.memory_space<semaphore_mem>>)
      %sub3A_415 = arith.constant 16 : i32
      %sub3A_416 = arith.subi %add3A_40, %sub3A_415 : i32
      %mul3A_417 = arith.constant 16 : i32
      %mul3A_418 = arith.muli %sub3A_416, %mul3A_417 : i32
      %add3A_419 = arith.constant 13 : i32
      %add3A_420 = arith.addi %mul3A_418, %add3A_419 : i32
      %slice3A_421 = vector.extract_strided_slice %get3A_74 {offsets = [13], sizes = [1], strides = [1]} : vector<16xi32> to vector<1xi32>
      %squeeze3A_422 = vector.extract %slice3A_421[0] : i32 from vector<1xi32>
      %dma_start3A_423 = arith.constant 0 : i32
      %dma_start3A_424 = tpu.memref_slice %arg7[%add3A_420, %dma_start3A_423] : memref<256x32xf32, #tpu.memory_space<vmem>> -> memref<1x32xf32, #tpu.memory_space<vmem>>
      %dma_start3A_425 = arith.constant 0 : i32
      %dma_start3A_426 = tpu.memref_slice %arg3[%squeeze3A_422, %dma_start3A_425] : memref<1000000x32xf32, #tpu.memory_space<hbm>> -> memref<1x32xf32, #tpu.memory_space<hbm>>
      %dma_start3A_427 = arith.constant 0 : i32
      %dma_start3A_428 = tpu.memref_slice %arg7[%add3A_420, %dma_start3A_427] : memref<256x32xf32, #tpu.memory_space<vmem>> -> memref<1x32xf32, #tpu.memory_space<vmem>>
      %dma_start3A_429 = arith.constant 0 : i32
      %dma_start3A_430 = tpu.memref_slice %arg3[%squeeze3A_422, %dma_start3A_429] : memref<1000000x32xf32, #tpu.memory_space<hbm>> -> memref<1x32xf32, #tpu.memory_space<hbm>>
      tpu.enqueue_dma source(%dma_start3A_430 : memref<1x32xf32, #tpu.memory_space<hbm>>) target(%dma_start3A_428 : memref<1x32xf32, #tpu.memory_space<vmem>>) target_semaphore(%arg10 : memref<!tpu.dma_semaphore, #tpu.memory_space<semaphore_mem>>)
      %slice3A_431 = vector.extract_strided_slice %get3A_79 {offsets = [13], sizes = [1], strides = [1]} : vector<16xi32> to vector<1xi32>
      %squeeze3A_432 = vector.extract %slice3A_431[0] : i32 from vector<1xi32>
      %dma_start3A_433 = arith.constant 0 : i32
      %dma_start3A_434 = tpu.memref_slice %arg8[%add3A_420, %dma_start3A_433] : memref<256x32xf32, #tpu.memory_space<vmem>> -> memref<1x32xf32, #tpu.memory_space<vmem>>
      %dma_start3A_435 = arith.constant 0 : i32
      %dma_start3A_436 = tpu.memref_slice %arg4[%squeeze3A_432, %dma_start3A_435] : memref<1000000x32xf32, #tpu.memory_space<hbm>> -> memref<1x32xf32, #tpu.memory_space<hbm>>
      %dma_start3A_437 = arith.constant 0 : i32
      %dma_start3A_438 = tpu.memref_slice %arg8[%add3A_420, %dma_start3A_437] : memref<256x32xf32, #tpu.memory_space<vmem>> -> memref<1x32xf32, #tpu.memory_space<vmem>>
      %dma_start3A_439 = arith.constant 0 : i32
      %dma_start3A_440 = tpu.memref_slice %arg4[%squeeze3A_432, %dma_start3A_439] : memref<1000000x32xf32, #tpu.memory_space<hbm>> -> memref<1x32xf32, #tpu.memory_space<hbm>>
      tpu.enqueue_dma source(%dma_start3A_440 : memref<1x32xf32, #tpu.memory_space<hbm>>) target(%dma_start3A_438 : memref<1x32xf32, #tpu.memory_space<vmem>>) target_semaphore(%arg11 : memref<!tpu.dma_semaphore, #tpu.memory_space<semaphore_mem>>)
      %sub3A_441 = arith.constant 16 : i32
      %sub3A_442 = arith.subi %add3A_40, %sub3A_441 : i32
      %mul3A_443 = arith.constant 16 : i32
      %mul3A_444 = arith.muli %sub3A_442, %mul3A_443 : i32
      %add3A_445 = arith.constant 14 : i32
      %add3A_446 = arith.addi %mul3A_444, %add3A_445 : i32
      %slice3A_447 = vector.extract_strided_slice %get3A_74 {offsets = [14], sizes = [1], strides = [1]} : vector<16xi32> to vector<1xi32>
      %squeeze3A_448 = vector.extract %slice3A_447[0] : i32 from vector<1xi32>
      %dma_start3A_449 = arith.constant 0 : i32
      %dma_start3A_450 = tpu.memref_slice %arg7[%add3A_446, %dma_start3A_449] : memref<256x32xf32, #tpu.memory_space<vmem>> -> memref<1x32xf32, #tpu.memory_space<vmem>>
      %dma_start3A_451 = arith.constant 0 : i32
      %dma_start3A_452 = tpu.memref_slice %arg3[%squeeze3A_448, %dma_start3A_451] : memref<1000000x32xf32, #tpu.memory_space<hbm>> -> memref<1x32xf32, #tpu.memory_space<hbm>>
      %dma_start3A_453 = arith.constant 0 : i32
      %dma_start3A_454 = tpu.memref_slice %arg7[%add3A_446, %dma_start3A_453] : memref<256x32xf32, #tpu.memory_space<vmem>> -> memref<1x32xf32, #tpu.memory_space<vmem>>
      %dma_start3A_455 = arith.constant 0 : i32
      %dma_start3A_456 = tpu.memref_slice %arg3[%squeeze3A_448, %dma_start3A_455] : memref<1000000x32xf32, #tpu.memory_space<hbm>> -> memref<1x32xf32, #tpu.memory_space<hbm>>
      tpu.enqueue_dma source(%dma_start3A_456 : memref<1x32xf32, #tpu.memory_space<hbm>>) target(%dma_start3A_454 : memref<1x32xf32, #tpu.memory_space<vmem>>) target_semaphore(%arg10 : memref<!tpu.dma_semaphore, #tpu.memory_space<semaphore_mem>>)
      %slice3A_457 = vector.extract_strided_slice %get3A_79 {offsets = [14], sizes = [1], strides = [1]} : vector<16xi32> to vector<1xi32>
      %squeeze3A_458 = vector.extract %slice3A_457[0] : i32 from vector<1xi32>
      %dma_start3A_459 = arith.constant 0 : i32
      %dma_start3A_460 = tpu.memref_slice %arg8[%add3A_446, %dma_start3A_459] : memref<256x32xf32, #tpu.memory_space<vmem>> -> memref<1x32xf32, #tpu.memory_space<vmem>>
      %dma_start3A_461 = arith.constant 0 : i32
      %dma_start3A_462 = tpu.memref_slice %arg4[%squeeze3A_458, %dma_start3A_461] : memref<1000000x32xf32, #tpu.memory_space<hbm>> -> memref<1x32xf32, #tpu.memory_space<hbm>>
      %dma_start3A_463 = arith.constant 0 : i32
      %dma_start3A_464 = tpu.memref_slice %arg8[%add3A_446, %dma_start3A_463] : memref<256x32xf32, #tpu.memory_space<vmem>> -> memref<1x32xf32, #tpu.memory_space<vmem>>
      %dma_start3A_465 = arith.constant 0 : i32
      %dma_start3A_466 = tpu.memref_slice %arg4[%squeeze3A_458, %dma_start3A_465] : memref<1000000x32xf32, #tpu.memory_space<hbm>> -> memref<1x32xf32, #tpu.memory_space<hbm>>
      tpu.enqueue_dma source(%dma_start3A_466 : memref<1x32xf32, #tpu.memory_space<hbm>>) target(%dma_start3A_464 : memref<1x32xf32, #tpu.memory_space<vmem>>) target_semaphore(%arg11 : memref<!tpu.dma_semaphore, #tpu.memory_space<semaphore_mem>>)
      %sub3A_467 = arith.constant 16 : i32
      %sub3A_468 = arith.subi %add3A_40, %sub3A_467 : i32
      %mul3A_469 = arith.constant 16 : i32
      %mul3A_470 = arith.muli %sub3A_468, %mul3A_469 : i32
      %add3A_471 = arith.constant 15 : i32
      %add3A_472 = arith.addi %mul3A_470, %add3A_471 : i32
      %slice3A_473 = vector.extract_strided_slice %get3A_74 {offsets = [15], sizes = [1], strides = [1]} : vector<16xi32> to vector<1xi32>
      %squeeze3A_474 = vector.extract %slice3A_473[0] : i32 from vector<1xi32>
      %dma_start3A_475 = arith.constant 0 : i32
      %dma_start3A_476 = tpu.memref_slice %arg7[%add3A_472, %dma_start3A_475] : memref<256x32xf32, #tpu.memory_space<vmem>> -> memref<1x32xf32, #tpu.memory_space<vmem>>
      %dma_start3A_477 = arith.constant 0 : i32
      %dma_start3A_478 = tpu.memref_slice %arg3[%squeeze3A_474, %dma_start3A_477] : memref<1000000x32xf32, #tpu.memory_space<hbm>> -> memref<1x32xf32, #tpu.memory_space<hbm>>
      %dma_start3A_479 = arith.constant 0 : i32
      %dma_start3A_480 = tpu.memref_slice %arg7[%add3A_472, %dma_start3A_479] : memref<256x32xf32, #tpu.memory_space<vmem>> -> memref<1x32xf32, #tpu.memory_space<vmem>>
      %dma_start3A_481 = arith.constant 0 : i32
      %dma_start3A_482 = tpu.memref_slice %arg3[%squeeze3A_474, %dma_start3A_481] : memref<1000000x32xf32, #tpu.memory_space<hbm>> -> memref<1x32xf32, #tpu.memory_space<hbm>>
      tpu.enqueue_dma source(%dma_start3A_482 : memref<1x32xf32, #tpu.memory_space<hbm>>) target(%dma_start3A_480 : memref<1x32xf32, #tpu.memory_space<vmem>>) target_semaphore(%arg10 : memref<!tpu.dma_semaphore, #tpu.memory_space<semaphore_mem>>)
      %slice3A_483 = vector.extract_strided_slice %get3A_79 {offsets = [15], sizes = [1], strides = [1]} : vector<16xi32> to vector<1xi32>
      %squeeze3A_484 = vector.extract %slice3A_483[0] : i32 from vector<1xi32>
      %dma_start3A_485 = arith.constant 0 : i32
      %dma_start3A_486 = tpu.memref_slice %arg8[%add3A_472, %dma_start3A_485] : memref<256x32xf32, #tpu.memory_space<vmem>> -> memref<1x32xf32, #tpu.memory_space<vmem>>
      %dma_start3A_487 = arith.constant 0 : i32
      %dma_start3A_488 = tpu.memref_slice %arg4[%squeeze3A_484, %dma_start3A_487] : memref<1000000x32xf32, #tpu.memory_space<hbm>> -> memref<1x32xf32, #tpu.memory_space<hbm>>
      %dma_start3A_489 = arith.constant 0 : i32
      %dma_start3A_490 = tpu.memref_slice %arg8[%add3A_472, %dma_start3A_489] : memref<256x32xf32, #tpu.memory_space<vmem>> -> memref<1x32xf32, #tpu.memory_space<vmem>>
      %dma_start3A_491 = arith.constant 0 : i32
      %dma_start3A_492 = tpu.memref_slice %arg4[%squeeze3A_484, %dma_start3A_491] : memref<1000000x32xf32, #tpu.memory_space<hbm>> -> memref<1x32xf32, #tpu.memory_space<hbm>>
      tpu.enqueue_dma source(%dma_start3A_492 : memref<1x32xf32, #tpu.memory_space<hbm>>) target(%dma_start3A_490 : memref<1x32xf32, #tpu.memory_space<vmem>>) target_semaphore(%arg11 : memref<!tpu.dma_semaphore, #tpu.memory_space<semaphore_mem>>)
    }
    %scan3A_25 = arith.constant 16 : i32
    %scan3A_26 = arith.constant 0 : i32
    %scan3A_27 = arith.constant 0 : i32
    %scan3A_28 = arith.constant 256 : i32
    %scan3A_29 = arith.addi %scan3A_27, %scan3A_28 : i32
    %scan3A_30 = arith.constant 1 : i32
    scf.for %scan3A_38 = %scan3A_27 to %scan3A_29 step %scan3A_30  : i32 {
      %dma_wait3A = arith.constant 0 : i32
      %dma_wait3A_39 = arith.constant 0 : i32
      %dma_wait3A_40 = tpu.memref_slice %arg7[%dma_wait3A, %dma_wait3A_39] : memref<256x32xf32, #tpu.memory_space<vmem>> -> memref<1x32xf32, #tpu.memory_space<vmem>>
      %dma_wait3A_41 = arith.constant 0 : i32
      %dma_wait3A_42 = arith.constant 0 : i32
      %dma_wait3A_43 = tpu.memref_slice %arg3[%dma_wait3A_41, %dma_wait3A_42] : memref<1000000x32xf32, #tpu.memory_space<hbm>> -> memref<1x32xf32, #tpu.memory_space<hbm>>
      %dma_wait3A_44 = arith.constant 0 : i32
      %dma_wait3A_45 = arith.constant 0 : i32
      %dma_wait3A_46 = tpu.memref_slice %arg7[%dma_wait3A_44, %dma_wait3A_45] : memref<256x32xf32, #tpu.memory_space<vmem>> -> memref<1x32xf32, #tpu.memory_space<vmem>>
      %dma_wait3A_47 = arith.constant 0 : i32
      %dma_wait3A_48 = arith.constant 0 : i32
      %dma_wait3A_49 = tpu.memref_slice %arg3[%dma_wait3A_47, %dma_wait3A_48] : memref<1000000x32xf32, #tpu.memory_space<hbm>> -> memref<1x32xf32, #tpu.memory_space<hbm>>
      tpu.wait_dma2 semaphore(%arg10 : memref<!tpu.dma_semaphore, #tpu.memory_space<semaphore_mem>>) src(%dma_wait3A_49 : memref<1x32xf32, #tpu.memory_space<hbm>>) dst(%dma_wait3A_46 : memref<1x32xf32, #tpu.memory_space<vmem>>)
      %dma_wait3A_50 = arith.constant 0 : i32
      %dma_wait3A_51 = arith.constant 0 : i32
      %dma_wait3A_52 = tpu.memref_slice %arg8[%dma_wait3A_50, %dma_wait3A_51] : memref<256x32xf32, #tpu.memory_space<vmem>> -> memref<1x32xf32, #tpu.memory_space<vmem>>
      %dma_wait3A_53 = arith.constant 0 : i32
      %dma_wait3A_54 = arith.constant 0 : i32
      %dma_wait3A_55 = tpu.memref_slice %arg4[%dma_wait3A_53, %dma_wait3A_54] : memref<1000000x32xf32, #tpu.memory_space<hbm>> -> memref<1x32xf32, #tpu.memory_space<hbm>>
      %dma_wait3A_56 = arith.constant 0 : i32
      %dma_wait3A_57 = arith.constant 0 : i32
      %dma_wait3A_58 = tpu.memref_slice %arg8[%dma_wait3A_56, %dma_wait3A_57] : memref<256x32xf32, #tpu.memory_space<vmem>> -> memref<1x32xf32, #tpu.memory_space<vmem>>
      %dma_wait3A_59 = arith.constant 0 : i32
      %dma_wait3A_60 = arith.constant 0 : i32
      %dma_wait3A_61 = tpu.memref_slice %arg4[%dma_wait3A_59, %dma_wait3A_60] : memref<1000000x32xf32, #tpu.memory_space<hbm>> -> memref<1x32xf32, #tpu.memory_space<hbm>>
      tpu.wait_dma2 semaphore(%arg11 : memref<!tpu.dma_semaphore, #tpu.memory_space<semaphore_mem>>) src(%dma_wait3A_61 : memref<1x32xf32, #tpu.memory_space<hbm>>) dst(%dma_wait3A_58 : memref<1x32xf32, #tpu.memory_space<vmem>>)
    }
    %scan3A_31 = arith.constant 256 : i32
    %scan3A_32 = arith.constant 0 : i32
    %scan3A_33 = arith.constant 0 : i32
    %scan3A_34 = arith.constant 16 : i32
    %scan3A_35 = arith.addi %scan3A_33, %scan3A_34 : i32
    %scan3A_36 = arith.constant 1 : i32
    scf.for %scan3A_38 = %scan3A_33 to %scan3A_35 step %scan3A_36  : i32 {
      %mul3A_39 = arith.constant 16 : i32
      %mul3A_40 = arith.muli %scan3A_38, %mul3A_39 : i32
      %iota3A = tpu.iota {dimensions = array<i32: 0>} : vector<16xi32>
      %add3A_41 = vector.broadcast %mul3A_40 : i32 to vector<16xi32>
      %add3A_42 = arith.addi %add3A_41, %iota3A : vector<16xi32>
      %broadcast_in_dim3A = arith.constant 0.000000e+00 : f32
      %broadcast_in_dim3A_43 = vector.broadcast %broadcast_in_dim3A : f32 to vector<16xf32>
      %broadcast_in_dim3A_44 = arith.constant 0 : i32
      %broadcast_in_dim3A_45 = vector.broadcast %broadcast_in_dim3A_44 : i32 to vector<16xi32>
      %gather3A = tpu.vector_load_idx %arg7[%add3A_42, %broadcast_in_dim3A_45] : memref<256x32xf32, #tpu.memory_space<vmem>>[vector<16xi32>, vector<16xi32>], vector<16xf32>,
      %gather3A_46 = tpu.vector_load_idx %arg8[%add3A_42, %broadcast_in_dim3A_45] : memref<256x32xf32, #tpu.memory_space<vmem>>[vector<16xi32>, vector<16xi32>], vector<16xf32>,
      %mul3A_47 = arith.mulf %gather3A, %gather3A_46 : vector<16xf32>
      %add3A_48 = arith.addf %broadcast_in_dim3A_43, %mul3A_47 : vector<16xf32>
      %broadcast_in_dim3A_49 = arith.constant 1 : i32
      %broadcast_in_dim3A_50 = vector.broadcast %broadcast_in_dim3A_49 : i32 to vector<16xi32>
      %gather3A_51 = tpu.vector_load_idx %arg7[%add3A_42, %broadcast_in_dim3A_50] : memref<256x32xf32, #tpu.memory_space<vmem>>[vector<16xi32>, vector<16xi32>], vector<16xf32>,
      %gather3A_52 = tpu.vector_load_idx %arg8[%add3A_42, %broadcast_in_dim3A_50] : memref<256x32xf32, #tpu.memory_space<vmem>>[vector<16xi32>, vector<16xi32>], vector<16xf32>,
      %mul3A_53 = arith.mulf %gather3A_51, %gather3A_52 : vector<16xf32>
      %add3A_54 = arith.addf %add3A_48, %mul3A_53 : vector<16xf32>
      %broadcast_in_dim3A_55 = arith.constant 2 : i32
      %broadcast_in_dim3A_56 = vector.broadcast %broadcast_in_dim3A_55 : i32 to vector<16xi32>
      %gather3A_57 = tpu.vector_load_idx %arg7[%add3A_42, %broadcast_in_dim3A_56] : memref<256x32xf32, #tpu.memory_space<vmem>>[vector<16xi32>, vector<16xi32>], vector<16xf32>,
      %gather3A_58 = tpu.vector_load_idx %arg8[%add3A_42, %broadcast_in_dim3A_56] : memref<256x32xf32, #tpu.memory_space<vmem>>[vector<16xi32>, vector<16xi32>], vector<16xf32>,
      %mul3A_59 = arith.mulf %gather3A_57, %gather3A_58 : vector<16xf32>
      %add3A_60 = arith.addf %add3A_54, %mul3A_59 : vector<16xf32>
      %broadcast_in_dim3A_61 = arith.constant 3 : i32
      %broadcast_in_dim3A_62 = vector.broadcast %broadcast_in_dim3A_61 : i32 to vector<16xi32>
      %gather3A_63 = tpu.vector_load_idx %arg7[%add3A_42, %broadcast_in_dim3A_62] : memref<256x32xf32, #tpu.memory_space<vmem>>[vector<16xi32>, vector<16xi32>], vector<16xf32>,
      %gather3A_64 = tpu.vector_load_idx %arg8[%add3A_42, %broadcast_in_dim3A_62] : memref<256x32xf32, #tpu.memory_space<vmem>>[vector<16xi32>, vector<16xi32>], vector<16xf32>,
      %mul3A_65 = arith.mulf %gather3A_63, %gather3A_64 : vector<16xf32>
      %add3A_66 = arith.addf %add3A_60, %mul3A_65 : vector<16xf32>
      %broadcast_in_dim3A_67 = arith.constant 4 : i32
      %broadcast_in_dim3A_68 = vector.broadcast %broadcast_in_dim3A_67 : i32 to vector<16xi32>
      %gather3A_69 = tpu.vector_load_idx %arg7[%add3A_42, %broadcast_in_dim3A_68] : memref<256x32xf32, #tpu.memory_space<vmem>>[vector<16xi32>, vector<16xi32>], vector<16xf32>,
      %gather3A_70 = tpu.vector_load_idx %arg8[%add3A_42, %broadcast_in_dim3A_68] : memref<256x32xf32, #tpu.memory_space<vmem>>[vector<16xi32>, vector<16xi32>], vector<16xf32>,
      %mul3A_71 = arith.mulf %gather3A_69, %gather3A_70 : vector<16xf32>
      %add3A_72 = arith.addf %add3A_66, %mul3A_71 : vector<16xf32>
      %broadcast_in_dim3A_73 = arith.constant 5 : i32
      %broadcast_in_dim3A_74 = vector.broadcast %broadcast_in_dim3A_73 : i32 to vector<16xi32>
      %gather3A_75 = tpu.vector_load_idx %arg7[%add3A_42, %broadcast_in_dim3A_74] : memref<256x32xf32, #tpu.memory_space<vmem>>[vector<16xi32>, vector<16xi32>], vector<16xf32>,
      %gather3A_76 = tpu.vector_load_idx %arg8[%add3A_42, %broadcast_in_dim3A_74] : memref<256x32xf32, #tpu.memory_space<vmem>>[vector<16xi32>, vector<16xi32>], vector<16xf32>,
      %mul3A_77 = arith.mulf %gather3A_75, %gather3A_76 : vector<16xf32>
      %add3A_78 = arith.addf %add3A_72, %mul3A_77 : vector<16xf32>
      %broadcast_in_dim3A_79 = arith.constant 6 : i32
      %broadcast_in_dim3A_80 = vector.broadcast %broadcast_in_dim3A_79 : i32 to vector<16xi32>
      %gather3A_81 = tpu.vector_load_idx %arg7[%add3A_42, %broadcast_in_dim3A_80] : memref<256x32xf32, #tpu.memory_space<vmem>>[vector<16xi32>, vector<16xi32>], vector<16xf32>,
      %gather3A_82 = tpu.vector_load_idx %arg8[%add3A_42, %broadcast_in_dim3A_80] : memref<256x32xf32, #tpu.memory_space<vmem>>[vector<16xi32>, vector<16xi32>], vector<16xf32>,
      %mul3A_83 = arith.mulf %gather3A_81, %gather3A_82 : vector<16xf32>
      %add3A_84 = arith.addf %add3A_78, %mul3A_83 : vector<16xf32>
      %broadcast_in_dim3A_85 = arith.constant 7 : i32
      %broadcast_in_dim3A_86 = vector.broadcast %broadcast_in_dim3A_85 : i32 to vector<16xi32>
      %gather3A_87 = tpu.vector_load_idx %arg7[%add3A_42, %broadcast_in_dim3A_86] : memref<256x32xf32, #tpu.memory_space<vmem>>[vector<16xi32>, vector<16xi32>], vector<16xf32>,
      %gather3A_88 = tpu.vector_load_idx %arg8[%add3A_42, %broadcast_in_dim3A_86] : memref<256x32xf32, #tpu.memory_space<vmem>>[vector<16xi32>, vector<16xi32>], vector<16xf32>,
      %mul3A_89 = arith.mulf %gather3A_87, %gather3A_88 : vector<16xf32>
      %add3A_90 = arith.addf %add3A_84, %mul3A_89 : vector<16xf32>
      %broadcast_in_dim3A_91 = arith.constant 8 : i32
      %broadcast_in_dim3A_92 = vector.broadcast %broadcast_in_dim3A_91 : i32 to vector<16xi32>
      %gather3A_93 = tpu.vector_load_idx %arg7[%add3A_42, %broadcast_in_dim3A_92] : memref<256x32xf32, #tpu.memory_space<vmem>>[vector<16xi32>, vector<16xi32>], vector<16xf32>,
      %gather3A_94 = tpu.vector_load_idx %arg8[%add3A_42, %broadcast_in_dim3A_92] : memref<256x32xf32, #tpu.memory_space<vmem>>[vector<16xi32>, vector<16xi32>], vector<16xf32>,
      %mul3A_95 = arith.mulf %gather3A_93, %gather3A_94 : vector<16xf32>
      %add3A_96 = arith.addf %add3A_90, %mul3A_95 : vector<16xf32>
      %broadcast_in_dim3A_97 = arith.constant 9 : i32
      %broadcast_in_dim3A_98 = vector.broadcast %broadcast_in_dim3A_97 : i32 to vector<16xi32>
      %gather3A_99 = tpu.vector_load_idx %arg7[%add3A_42, %broadcast_in_dim3A_98] : memref<256x32xf32, #tpu.memory_space<vmem>>[vector<16xi32>, vector<16xi32>], vector<16xf32>,
      %gather3A_100 = tpu.vector_load_idx %arg8[%add3A_42, %broadcast_in_dim3A_98] : memref<256x32xf32, #tpu.memory_space<vmem>>[vector<16xi32>, vector<16xi32>], vector<16xf32>,
      %mul3A_101 = arith.mulf %gather3A_99, %gather3A_100 : vector<16xf32>
      %add3A_102 = arith.addf %add3A_96, %mul3A_101 : vector<16xf32>
      %broadcast_in_dim3A_103 = arith.constant 10 : i32
      %broadcast_in_dim3A_104 = vector.broadcast %broadcast_in_dim3A_103 : i32 to vector<16xi32>
      %gather3A_105 = tpu.vector_load_idx %arg7[%add3A_42, %broadcast_in_dim3A_104] : memref<256x32xf32, #tpu.memory_space<vmem>>[vector<16xi32>, vector<16xi32>], vector<16xf32>,
      %gather3A_106 = tpu.vector_load_idx %arg8[%add3A_42, %broadcast_in_dim3A_104] : memref<256x32xf32, #tpu.memory_space<vmem>>[vector<16xi32>, vector<16xi32>], vector<16xf32>,
      %mul3A_107 = arith.mulf %gather3A_105, %gather3A_106 : vector<16xf32>
      %add3A_108 = arith.addf %add3A_102, %mul3A_107 : vector<16xf32>
      %broadcast_in_dim3A_109 = arith.constant 11 : i32
      %broadcast_in_dim3A_110 = vector.broadcast %broadcast_in_dim3A_109 : i32 to vector<16xi32>
      %gather3A_111 = tpu.vector_load_idx %arg7[%add3A_42, %broadcast_in_dim3A_110] : memref<256x32xf32, #tpu.memory_space<vmem>>[vector<16xi32>, vector<16xi32>], vector<16xf32>,
      %gather3A_112 = tpu.vector_load_idx %arg8[%add3A_42, %broadcast_in_dim3A_110] : memref<256x32xf32, #tpu.memory_space<vmem>>[vector<16xi32>, vector<16xi32>], vector<16xf32>,
      %mul3A_113 = arith.mulf %gather3A_111, %gather3A_112 : vector<16xf32>
      %add3A_114 = arith.addf %add3A_108, %mul3A_113 : vector<16xf32>
      %broadcast_in_dim3A_115 = arith.constant 12 : i32
      %broadcast_in_dim3A_116 = vector.broadcast %broadcast_in_dim3A_115 : i32 to vector<16xi32>
      %gather3A_117 = tpu.vector_load_idx %arg7[%add3A_42, %broadcast_in_dim3A_116] : memref<256x32xf32, #tpu.memory_space<vmem>>[vector<16xi32>, vector<16xi32>], vector<16xf32>,
      %gather3A_118 = tpu.vector_load_idx %arg8[%add3A_42, %broadcast_in_dim3A_116] : memref<256x32xf32, #tpu.memory_space<vmem>>[vector<16xi32>, vector<16xi32>], vector<16xf32>,
      %mul3A_119 = arith.mulf %gather3A_117, %gather3A_118 : vector<16xf32>
      %add3A_120 = arith.addf %add3A_114, %mul3A_119 : vector<16xf32>
      %broadcast_in_dim3A_121 = arith.constant 13 : i32
      %broadcast_in_dim3A_122 = vector.broadcast %broadcast_in_dim3A_121 : i32 to vector<16xi32>
      %gather3A_123 = tpu.vector_load_idx %arg7[%add3A_42, %broadcast_in_dim3A_122] : memref<256x32xf32, #tpu.memory_space<vmem>>[vector<16xi32>, vector<16xi32>], vector<16xf32>,
      %gather3A_124 = tpu.vector_load_idx %arg8[%add3A_42, %broadcast_in_dim3A_122] : memref<256x32xf32, #tpu.memory_space<vmem>>[vector<16xi32>, vector<16xi32>], vector<16xf32>,
      %mul3A_125 = arith.mulf %gather3A_123, %gather3A_124 : vector<16xf32>
      %add3A_126 = arith.addf %add3A_120, %mul3A_125 : vector<16xf32>
      %broadcast_in_dim3A_127 = arith.constant 14 : i32
      %broadcast_in_dim3A_128 = vector.broadcast %broadcast_in_dim3A_127 : i32 to vector<16xi32>
      %gather3A_129 = tpu.vector_load_idx %arg7[%add3A_42, %broadcast_in_dim3A_128] : memref<256x32xf32, #tpu.memory_space<vmem>>[vector<16xi32>, vector<16xi32>], vector<16xf32>,
      %gather3A_130 = tpu.vector_load_idx %arg8[%add3A_42, %broadcast_in_dim3A_128] : memref<256x32xf32, #tpu.memory_space<vmem>>[vector<16xi32>, vector<16xi32>], vector<16xf32>,
      %mul3A_131 = arith.mulf %gather3A_129, %gather3A_130 : vector<16xf32>
      %add3A_132 = arith.addf %add3A_126, %mul3A_131 : vector<16xf32>
      %broadcast_in_dim3A_133 = arith.constant 15 : i32
      %broadcast_in_dim3A_134 = vector.broadcast %broadcast_in_dim3A_133 : i32 to vector<16xi32>
      %gather3A_135 = tpu.vector_load_idx %arg7[%add3A_42, %broadcast_in_dim3A_134] : memref<256x32xf32, #tpu.memory_space<vmem>>[vector<16xi32>, vector<16xi32>], vector<16xf32>,
      %gather3A_136 = tpu.vector_load_idx %arg8[%add3A_42, %broadcast_in_dim3A_134] : memref<256x32xf32, #tpu.memory_space<vmem>>[vector<16xi32>, vector<16xi32>], vector<16xf32>,
      %mul3A_137 = arith.mulf %gather3A_135, %gather3A_136 : vector<16xf32>
      %add3A_138 = arith.addf %add3A_132, %mul3A_137 : vector<16xf32>
      %broadcast_in_dim3A_139 = arith.constant 16 : i32
      %broadcast_in_dim3A_140 = vector.broadcast %broadcast_in_dim3A_139 : i32 to vector<16xi32>
      %gather3A_141 = tpu.vector_load_idx %arg7[%add3A_42, %broadcast_in_dim3A_140] : memref<256x32xf32, #tpu.memory_space<vmem>>[vector<16xi32>, vector<16xi32>], vector<16xf32>,
      %gather3A_142 = tpu.vector_load_idx %arg8[%add3A_42, %broadcast_in_dim3A_140] : memref<256x32xf32, #tpu.memory_space<vmem>>[vector<16xi32>, vector<16xi32>], vector<16xf32>,
      %mul3A_143 = arith.mulf %gather3A_141, %gather3A_142 : vector<16xf32>
      %add3A_144 = arith.addf %add3A_138, %mul3A_143 : vector<16xf32>
      %broadcast_in_dim3A_145 = arith.constant 17 : i32
      %broadcast_in_dim3A_146 = vector.broadcast %broadcast_in_dim3A_145 : i32 to vector<16xi32>
      %gather3A_147 = tpu.vector_load_idx %arg7[%add3A_42, %broadcast_in_dim3A_146] : memref<256x32xf32, #tpu.memory_space<vmem>>[vector<16xi32>, vector<16xi32>], vector<16xf32>,
      %gather3A_148 = tpu.vector_load_idx %arg8[%add3A_42, %broadcast_in_dim3A_146] : memref<256x32xf32, #tpu.memory_space<vmem>>[vector<16xi32>, vector<16xi32>], vector<16xf32>,
      %mul3A_149 = arith.mulf %gather3A_147, %gather3A_148 : vector<16xf32>
      %add3A_150 = arith.addf %add3A_144, %mul3A_149 : vector<16xf32>
      %broadcast_in_dim3A_151 = arith.constant 18 : i32
      %broadcast_in_dim3A_152 = vector.broadcast %broadcast_in_dim3A_151 : i32 to vector<16xi32>
      %gather3A_153 = tpu.vector_load_idx %arg7[%add3A_42, %broadcast_in_dim3A_152] : memref<256x32xf32, #tpu.memory_space<vmem>>[vector<16xi32>, vector<16xi32>], vector<16xf32>,
      %gather3A_154 = tpu.vector_load_idx %arg8[%add3A_42, %broadcast_in_dim3A_152] : memref<256x32xf32, #tpu.memory_space<vmem>>[vector<16xi32>, vector<16xi32>], vector<16xf32>,
      %mul3A_155 = arith.mulf %gather3A_153, %gather3A_154 : vector<16xf32>
      %add3A_156 = arith.addf %add3A_150, %mul3A_155 : vector<16xf32>
      %broadcast_in_dim3A_157 = arith.constant 19 : i32
      %broadcast_in_dim3A_158 = vector.broadcast %broadcast_in_dim3A_157 : i32 to vector<16xi32>
      %gather3A_159 = tpu.vector_load_idx %arg7[%add3A_42, %broadcast_in_dim3A_158] : memref<256x32xf32, #tpu.memory_space<vmem>>[vector<16xi32>, vector<16xi32>], vector<16xf32>,
      %gather3A_160 = tpu.vector_load_idx %arg8[%add3A_42, %broadcast_in_dim3A_158] : memref<256x32xf32, #tpu.memory_space<vmem>>[vector<16xi32>, vector<16xi32>], vector<16xf32>,
      %mul3A_161 = arith.mulf %gather3A_159, %gather3A_160 : vector<16xf32>
      %add3A_162 = arith.addf %add3A_156, %mul3A_161 : vector<16xf32>
      %broadcast_in_dim3A_163 = arith.constant 20 : i32
      %broadcast_in_dim3A_164 = vector.broadcast %broadcast_in_dim3A_163 : i32 to vector<16xi32>
      %gather3A_165 = tpu.vector_load_idx %arg7[%add3A_42, %broadcast_in_dim3A_164] : memref<256x32xf32, #tpu.memory_space<vmem>>[vector<16xi32>, vector<16xi32>], vector<16xf32>,
      %gather3A_166 = tpu.vector_load_idx %arg8[%add3A_42, %broadcast_in_dim3A_164] : memref<256x32xf32, #tpu.memory_space<vmem>>[vector<16xi32>, vector<16xi32>], vector<16xf32>,
      %mul3A_167 = arith.mulf %gather3A_165, %gather3A_166 : vector<16xf32>
      %add3A_168 = arith.addf %add3A_162, %mul3A_167 : vector<16xf32>
      %broadcast_in_dim3A_169 = arith.constant 21 : i32
      %broadcast_in_dim3A_170 = vector.broadcast %broadcast_in_dim3A_169 : i32 to vector<16xi32>
      %gather3A_171 = tpu.vector_load_idx %arg7[%add3A_42, %broadcast_in_dim3A_170] : memref<256x32xf32, #tpu.memory_space<vmem>>[vector<16xi32>, vector<16xi32>], vector<16xf32>,
      %gather3A_172 = tpu.vector_load_idx %arg8[%add3A_42, %broadcast_in_dim3A_170] : memref<256x32xf32, #tpu.memory_space<vmem>>[vector<16xi32>, vector<16xi32>], vector<16xf32>,
      %mul3A_173 = arith.mulf %gather3A_171, %gather3A_172 : vector<16xf32>
      %add3A_174 = arith.addf %add3A_168, %mul3A_173 : vector<16xf32>
      %broadcast_in_dim3A_175 = arith.constant 22 : i32
      %broadcast_in_dim3A_176 = vector.broadcast %broadcast_in_dim3A_175 : i32 to vector<16xi32>
      %gather3A_177 = tpu.vector_load_idx %arg7[%add3A_42, %broadcast_in_dim3A_176] : memref<256x32xf32, #tpu.memory_space<vmem>>[vector<16xi32>, vector<16xi32>], vector<16xf32>,
      %gather3A_178 = tpu.vector_load_idx %arg8[%add3A_42, %broadcast_in_dim3A_176] : memref<256x32xf32, #tpu.memory_space<vmem>>[vector<16xi32>, vector<16xi32>], vector<16xf32>,
      %mul3A_179 = arith.mulf %gather3A_177, %gather3A_178 : vector<16xf32>
      %add3A_180 = arith.addf %add3A_174, %mul3A_179 : vector<16xf32>
      %broadcast_in_dim3A_181 = arith.constant 23 : i32
      %broadcast_in_dim3A_182 = vector.broadcast %broadcast_in_dim3A_181 : i32 to vector<16xi32>
      %gather3A_183 = tpu.vector_load_idx %arg7[%add3A_42, %broadcast_in_dim3A_182] : memref<256x32xf32, #tpu.memory_space<vmem>>[vector<16xi32>, vector<16xi32>], vector<16xf32>,
      %gather3A_184 = tpu.vector_load_idx %arg8[%add3A_42, %broadcast_in_dim3A_182] : memref<256x32xf32, #tpu.memory_space<vmem>>[vector<16xi32>, vector<16xi32>], vector<16xf32>,
      %mul3A_185 = arith.mulf %gather3A_183, %gather3A_184 : vector<16xf32>
      %add3A_186 = arith.addf %add3A_180, %mul3A_185 : vector<16xf32>
      %broadcast_in_dim3A_187 = arith.constant 24 : i32
      %broadcast_in_dim3A_188 = vector.broadcast %broadcast_in_dim3A_187 : i32 to vector<16xi32>
      %gather3A_189 = tpu.vector_load_idx %arg7[%add3A_42, %broadcast_in_dim3A_188] : memref<256x32xf32, #tpu.memory_space<vmem>>[vector<16xi32>, vector<16xi32>], vector<16xf32>,
      %gather3A_190 = tpu.vector_load_idx %arg8[%add3A_42, %broadcast_in_dim3A_188] : memref<256x32xf32, #tpu.memory_space<vmem>>[vector<16xi32>, vector<16xi32>], vector<16xf32>,
      %mul3A_191 = arith.mulf %gather3A_189, %gather3A_190 : vector<16xf32>
      %add3A_192 = arith.addf %add3A_186, %mul3A_191 : vector<16xf32>
      %broadcast_in_dim3A_193 = arith.constant 25 : i32
      %broadcast_in_dim3A_194 = vector.broadcast %broadcast_in_dim3A_193 : i32 to vector<16xi32>
      %gather3A_195 = tpu.vector_load_idx %arg7[%add3A_42, %broadcast_in_dim3A_194] : memref<256x32xf32, #tpu.memory_space<vmem>>[vector<16xi32>, vector<16xi32>], vector<16xf32>,
      %gather3A_196 = tpu.vector_load_idx %arg8[%add3A_42, %broadcast_in_dim3A_194] : memref<256x32xf32, #tpu.memory_space<vmem>>[vector<16xi32>, vector<16xi32>], vector<16xf32>,
      %mul3A_197 = arith.mulf %gather3A_195, %gather3A_196 : vector<16xf32>
      %add3A_198 = arith.addf %add3A_192, %mul3A_197 : vector<16xf32>
      %broadcast_in_dim3A_199 = arith.constant 26 : i32
      %broadcast_in_dim3A_200 = vector.broadcast %broadcast_in_dim3A_199 : i32 to vector<16xi32>
      %gather3A_201 = tpu.vector_load_idx %arg7[%add3A_42, %broadcast_in_dim3A_200] : memref<256x32xf32, #tpu.memory_space<vmem>>[vector<16xi32>, vector<16xi32>], vector<16xf32>,
      %gather3A_202 = tpu.vector_load_idx %arg8[%add3A_42, %broadcast_in_dim3A_200] : memref<256x32xf32, #tpu.memory_space<vmem>>[vector<16xi32>, vector<16xi32>], vector<16xf32>,
      %mul3A_203 = arith.mulf %gather3A_201, %gather3A_202 : vector<16xf32>
      %add3A_204 = arith.addf %add3A_198, %mul3A_203 : vector<16xf32>
      %broadcast_in_dim3A_205 = arith.constant 27 : i32
      %broadcast_in_dim3A_206 = vector.broadcast %broadcast_in_dim3A_205 : i32 to vector<16xi32>
      %gather3A_207 = tpu.vector_load_idx %arg7[%add3A_42, %broadcast_in_dim3A_206] : memref<256x32xf32, #tpu.memory_space<vmem>>[vector<16xi32>, vector<16xi32>], vector<16xf32>,
      %gather3A_208 = tpu.vector_load_idx %arg8[%add3A_42, %broadcast_in_dim3A_206] : memref<256x32xf32, #tpu.memory_space<vmem>>[vector<16xi32>, vector<16xi32>], vector<16xf32>,
      %mul3A_209 = arith.mulf %gather3A_207, %gather3A_208 : vector<16xf32>
      %add3A_210 = arith.addf %add3A_204, %mul3A_209 : vector<16xf32>
      %broadcast_in_dim3A_211 = arith.constant 28 : i32
      %broadcast_in_dim3A_212 = vector.broadcast %broadcast_in_dim3A_211 : i32 to vector<16xi32>
      %gather3A_213 = tpu.vector_load_idx %arg7[%add3A_42, %broadcast_in_dim3A_212] : memref<256x32xf32, #tpu.memory_space<vmem>>[vector<16xi32>, vector<16xi32>], vector<16xf32>,
      %gather3A_214 = tpu.vector_load_idx %arg8[%add3A_42, %broadcast_in_dim3A_212] : memref<256x32xf32, #tpu.memory_space<vmem>>[vector<16xi32>, vector<16xi32>], vector<16xf32>,
      %mul3A_215 = arith.mulf %gather3A_213, %gather3A_214 : vector<16xf32>
      %add3A_216 = arith.addf %add3A_210, %mul3A_215 : vector<16xf32>
      %broadcast_in_dim3A_217 = arith.constant 29 : i32
      %broadcast_in_dim3A_218 = vector.broadcast %broadcast_in_dim3A_217 : i32 to vector<16xi32>
      %gather3A_219 = tpu.vector_load_idx %arg7[%add3A_42, %broadcast_in_dim3A_218] : memref<256x32xf32, #tpu.memory_space<vmem>>[vector<16xi32>, vector<16xi32>], vector<16xf32>,
      %gather3A_220 = tpu.vector_load_idx %arg8[%add3A_42, %broadcast_in_dim3A_218] : memref<256x32xf32, #tpu.memory_space<vmem>>[vector<16xi32>, vector<16xi32>], vector<16xf32>,
      %mul3A_221 = arith.mulf %gather3A_219, %gather3A_220 : vector<16xf32>
      %add3A_222 = arith.addf %add3A_216, %mul3A_221 : vector<16xf32>
      %broadcast_in_dim3A_223 = arith.constant 30 : i32
      %broadcast_in_dim3A_224 = vector.broadcast %broadcast_in_dim3A_223 : i32 to vector<16xi32>
      %gather3A_225 = tpu.vector_load_idx %arg7[%add3A_42, %broadcast_in_dim3A_224] : memref<256x32xf32, #tpu.memory_space<vmem>>[vector<16xi32>, vector<16xi32>], vector<16xf32>,
      %gather3A_226 = tpu.vector_load_idx %arg8[%add3A_42, %broadcast_in_dim3A_224] : memref<256x32xf32, #tpu.memory_space<vmem>>[vector<16xi32>, vector<16xi32>], vector<16xf32>,
      %mul3A_227 = arith.mulf %gather3A_225, %gather3A_226 : vector<16xf32>
      %add3A_228 = arith.addf %add3A_222, %mul3A_227 : vector<16xf32>
      %broadcast_in_dim3A_229 = arith.constant 31 : i32
      %broadcast_in_dim3A_230 = vector.broadcast %broadcast_in_dim3A_229 : i32 to vector<16xi32>
      %gather3A_231 = tpu.vector_load_idx %arg7[%add3A_42, %broadcast_in_dim3A_230] : memref<256x32xf32, #tpu.memory_space<vmem>>[vector<16xi32>, vector<16xi32>], vector<16xf32>,
      %gather3A_232 = tpu.vector_load_idx %arg8[%add3A_42, %broadcast_in_dim3A_230] : memref<256x32xf32, #tpu.memory_space<vmem>>[vector<16xi32>, vector<16xi32>], vector<16xf32>,
      %mul3A_233 = arith.mulf %gather3A_231, %gather3A_232 : vector<16xf32>
      %add3A_234 = arith.addf %add3A_228, %mul3A_233 : vector<16xf32>
      %mul3A_235 = arith.constant 16 : i32
      %mul3A_236 = arith.muli %scan3A_38, %mul3A_235 : i32
      %add3A_237 = arith.constant 256 : i32
      %add3A_238 = arith.addi %add3A_237, %mul3A_236 : i32
      %swap3A = arith.index_cast %add3A_238 : i32 to index
      %swap3A_239 = tpu.vector_load %arg9[%swap3A] {strides = array<i32>} : memref<512xf32, #tpu.memory_space<vmem>>, vector<16xf32>,
      tpu.vector_store %arg9[%swap3A], %add3A_234 {strides = array<i32>} : memref<512xf32, #tpu.memory_space<vmem>>, vector<16xf32>,
    }
    %scan3A_37 = arith.constant 16 : i32
    "tpu.region"() ({
      %run_scoped3A = tpu.sem_alloc : memref<!tpu.dma_semaphore, #tpu.memory_space<semaphore_mem>>
      %dma_start3A = tpu.memref_slice %arg5[%mul3A_2] : memref<16384xf32, #tpu.memory_space<hbm>> -> memref<512xf32, #tpu.memory_space<hbm>>
      %dma_start3A_38 = tpu.memref_slice %arg5[%mul3A_2] : memref<16384xf32, #tpu.memory_space<hbm>> -> memref<512xf32, #tpu.memory_space<hbm>>
      tpu.enqueue_dma source(%arg9 : memref<512xf32, #tpu.memory_space<vmem>>) target(%dma_start3A_38 : memref<512xf32, #tpu.memory_space<hbm>>) target_semaphore(%run_scoped3A : memref<!tpu.dma_semaphore, #tpu.memory_space<semaphore_mem>>)
      %dma_wait3A = tpu.memref_slice %arg5[%mul3A_2] : memref<16384xf32, #tpu.memory_space<hbm>> -> memref<512xf32, #tpu.memory_space<hbm>>
      %dma_wait3A_39 = tpu.memref_slice %arg5[%mul3A_2] : memref<16384xf32, #tpu.memory_space<hbm>> -> memref<512xf32, #tpu.memory_space<hbm>>
      tpu.wait_dma2 semaphore(%run_scoped3A : memref<!tpu.dma_semaphore, #tpu.memory_space<semaphore_mem>>) src(%arg9 : memref<512xf32, #tpu.memory_space<vmem>>) dst(%dma_wait3A_39 : memref<512xf32, #tpu.memory_space<hbm>>)
      tpu.yield
    }) : () -> ()
    return
  }
}

</mosaic_0001>

<sc_bundles>
// kernel: _funk_svd_sc.3.cloned.1.call-start
scs
__scs_entry_jumppad:
0x0: {  	(pc) =	sbr.rel $0x88, $3  }
0x1: {  	(tag) =	ssettag $0x0;
	lr =	simm.s32 $0x1  }
0x2: {  	[smem:$0x3F9E] =	sst lr;
	_ =	strace $0xD0000000  }
0x3: {  	_ = 	snop  }
0x4: {  	_ = 	snop  }
0x5: {  	_ = 	snop  }
0x6: {  	_ = 	snop  }
0x7: {  	_ = 	snop  }
__scs_overlays_trampoline_lowered:
0x8: {  	[smem:$0x3FAD] =	sst s0  }
0x9: {  	[smem:$0x3FAE] =	sst s1  }
0xa: {  	[smem:$0x3FAF] =	sst s2  }
0xb: {  	[smem:$0x3FB0] =	sst s3  }
0xc: {  	[smem:$0x3FB1] =	sst s4  }
0xd: {  	[smem:$0x3FB2] =	sst s5  }
0xe: {  	[smem:$0x3FB3] =	sst s6  }
0xf: {  	[smem:$0x3FB4] =	sst s7  }
0x10: {  	[smem:$0x3FB5] =	sst s8  }
0x11: {  	[smem:$0x3FB6] =	sst s9;
	s0 =	simm.s32 @!p0 $0x0  }
0x12: {  	s1 =	sld [smem:$0x3F9C];
	s0 =	simm.s32 @p0 $0x1  }
0x13: {  	[smem:$0x3FB7] =	sst s0;
	s0 =	simm.s32 @!p1 $0x0  }
0x14: {  	s2 =	sld [smem:$0x3F9B];
	s0 =	simm.s32 @p1 $0x1  }
0x15: {  	[smem:$0x3FB8] =	sst s0;
	s0 =	simm.s32 @!p2 $0x0  }
0x16: {  	s3 =	sld [smem:$0x3FDB];
	s0 =	simm.s32 @p2 $0x1  }
0x17: {  	s4 =	simm.s32 $0x1BF5;
	[smem:$0x3FBA] =	sst s0  }
0x18: {  	s0 =	sld [smem:$0x3F9D];
	_ =	swait.ge [sflag:s4], $0x0  }
0x19: {  	s7 =	sld [smem:$0x3F9E]  }
0x1a: {  	s8 =	sadd.s32 $0xFFFFE003, lr  }
0x1b: {  	s9 =	sadd.s32 $0xFFFFFEF7, lr;
	s5 =	simm.s32 $0xFFFFFFFF;
	p2 =	slt.u32 s8, $0xFFFFF086  }
0x1c: {  	p1 =	slt.u32 s9, $0xF7A;
	s5 =	simm.s32 @!p2 $0x0  }
0x1d: {  	s5 =	simm.s32 @p1 $0x1;
	p0 =	seq.s32 s7, s2  }
0x1e: {  	s7 =	smul.u32 @!p0 $0xF7A, s2;
	p2 =	seq.s32 @!p0 s5, $0x0  }
0x1f: {  	s9 =	smul.u32 $0xF7A, s1;
	s8 =	simm.s32 @!p0 $0x1BF5;
	p2 =	por !p2, p0  }
0x20: {  	[sflag:s8] =	ssyncset.s32 @!p0 $0xFFFFF086;
	s6 =	sadd.s32 @!p0 s3, s7;
	s7 =	simm.s32 @!p0 $0x108  }
0x21: {  	s3 =	sadd.s32 s3, s9;
	s6 =	sadd.s32 @!p0 $0x88, s6;
	s7 =	simm.s32 @p2 $0x1082  }
0x22: {  	[simem:s7], [sflag:s8] =	dma.local @!p0 [hbm:s6], $0xF7A  }
0x23: {  	s9 =	sor.u32 $0xD0000000, s2;
	s6 =	simm.s32 $0x108;
	_ =	swait.ge @!p0 [sflag:s8], $0x0  }
0x24: {  	s3 =	sadd.s32 $0x88, s3;
	s6 =	simm.s32 @!p1 $0x1082;
	[sflag:s4] =	ssyncset.s32 $0xFFFFF086  }
0x25: {  	[simem:s6], [sflag:s4] =	dma.local [hbm:s3], $0xF7A  }
0x26: {  	[smem:$0x3F9E] =	sst s1;
	(tag) =	ssettag s2;
	_ =	strace s9  }
0x27: {  	s1 =	sld [smem:$0x3FAE]  }
0x28: {  	s2 =	sld [smem:$0x3FAF]  }
0x29: {  	s4 =	sld [smem:$0x3FB1]  }
0x2a: {  	p0 =	seq.s32 s5, $0x0;
	s5 =	sld [smem:$0x3FB2]  }
0x2b: {  	s6 =	sld [smem:$0x3FB3]  }
0x2c: {  	s7 =	sld [smem:$0x3FB4]  }
0x2d: {  	s3 =	simm.s32 $0x108;
	s8 =	sld [smem:$0x3FB5]  }
0x2e: {  	s3 =	simm.s32 @!p0 $0x1082;
	s9 =	sld [smem:$0x3FB6]  }
0x2f: {  	lr =	sadd.s32 s0, s3;
	s0 =	sld [smem:$0x3FAD]  }
0x30: {  	s3 =	sld [smem:$0x3FB0]  }
0x31: {  	[smem:$0x3FB9] =	sst s10  }
0x32: {  	s10 =	sld [smem:$0x3FB7];
	_ =	sdelay $0x3  }
0x33: {  	p0 =	seq.s32 s10, $0x1;
	s10 =	sld [smem:$0x3FB9];
	_ =	sdelay $0x3  }
0x34: {  	[smem:$0x3FB9] =	sst s10  }
0x35: {  	s10 =	sld [smem:$0x3FB8];
	_ =	sdelay $0x3  }
0x36: {  	p1 =	seq.s32 s10, $0x1;
	s10 =	sld [smem:$0x3FB9];
	_ =	sdelay $0x3  }
0x37: {  	[smem:$0x3FB9] =	sst s10  }
0x38: {  	s10 =	sld [smem:$0x3FBA]  }
0x39: {  	_ = 	snop;
	(pc) =	sbr.ind lr, $3  }
0x3a: {  	_ = 	snop  }
0x3b: {  	_ = 	snop  }
0x3c: {  	p2 =	seq.s32 s10, $0x1;
	s10 =	sld [smem:$0x3FB9]  }
0x3d: {  	_ =	shalt  }
0x3e: {  	_ =	shalt  }
0x3f: {  	_ =	shalt  }
0x40: {  	_ =	shalt  }
0x41: {  	_ =	shalt  }
0x42: {  	_ =	shalt  }
0x43: {  	_ =	shalt  }
0x44: {  	_ =	shalt  }
0x45: {  	_ =	shalt  }
0x46: {  	_ =	shalt  }
0x47: {  	_ =	shalt  }
0x48: {  	_ =	shalt  }
0x49: {  	_ =	shalt  }
0x4a: {  	_ =	shalt  }
0x4b: {  	_ =	shalt  }
0x4c: {  	_ =	shalt  }
0x4d: {  	_ =	shalt  }
0x4e: {  	_ =	shalt  }
0x4f: {  	_ =	shalt  }
0x50: {  	_ =	shalt  }
0x51: {  	_ =	shalt  }
0x52: {  	_ =	shalt  }
0x53: {  	_ =	shalt  }
0x54: {  	_ =	shalt  }
0x55: {  	_ =	shalt  }
0x56: {  	_ =	shalt  }
0x57: {  	_ =	shalt  }
0x58: {  	_ =	shalt  }
0x59: {  	_ =	shalt  }
0x5a: {  	_ =	shalt  }
0x5b: {  	_ =	shalt  }
0x5c: {  	_ =	shalt  }
0x5d: {  	_ =	shalt  }
0x5e: {  	_ =	shalt  }
0x5f: {  	_ =	shalt  }
0x60: {  	_ =	shalt  }
0x61: {  	_ =	shalt  }
0x62: {  	_ =	shalt  }
0x63: {  	_ =	shalt  }
0x64: {  	_ =	shalt  }
0x65: {  	_ =	shalt  }
0x66: {  	_ =	shalt  }
0x67: {  	_ =	shalt  }
0x68: {  	_ =	shalt  }
0x69: {  	_ =	shalt  }
0x6a: {  	_ =	shalt  }
0x6b: {  	_ =	shalt  }
0x6c: {  	_ =	shalt  }
0x6d: {  	_ =	shalt  }
0x6e: {  	_ =	shalt  }
0x6f: {  	_ =	shalt  }
0x70: {  	_ =	shalt  }
0x71: {  	_ =	shalt  }
0x72: {  	_ =	shalt  }
0x73: {  	_ =	shalt  }
0x74: {  	_ =	shalt  }
0x75: {  	_ =	shalt  }
0x76: {  	_ =	shalt  }
0x77: {  	_ =	shalt  }
0x78: {  	_ =	shalt  }
0x79: {  	_ =	shalt  }
0x7a: {  	_ =	shalt  }
0x7b: {  	_ =	shalt  }
0x7c: {  	_ =	shalt  }
0x7d: {  	_ =	shalt  }
0x7e: {  	_ =	shalt  }
0x7f: {  	_ =	shalt  }
0x80: {  	_ =	shalt  }
0x81: {  	_ =	shalt  }
0x82: {  	_ =	shalt  }
0x83: {  	_ =	shalt  }
0x84: {  	_ =	shalt  }
0x85: {  	_ =	shalt  }
0x86: {  	_ =	shalt  }
0x87: {  	_ =	shalt  }
.Lfunc_end0:
.L_simem_size_0:
called_computation_lowered:
.L_overlay_start_0:
0x88: {  	s2 =	sld [smem:$0x3FD9]  }
0x89: {  	s3 =	sld [smem:$0x3FFE];
	_ =	sdelay $0x1  }
0x8a: {  	s1 =	srdreg.scid  }
0x8b: {  	s0 =	sand.u32 $0x1, s1  }
0x8c: {  	s17 =	sshll.u32 s0, $0xA;
	s2 =	sadd.s32 s3, s2  }
0x8d: {  	s2 =	sadd.s32 s2, s17  }
0x8e: {  	[smem:$0x3FC5] =	sst s2  }
0x8f: {  	_ = 	snop  }
0x90: {  	s2 =	sld [smem:$0x3FC9]  }
0x91: {  	s18 =	sld [smem:$0x3FD0];
	(tm) =	ssettm $0x1  }
0x92: {  	s4 =	sld [smem:$0x3FFB];
	_ =	sdelay $0x3  }
0x93: {  	_ =	strace s4  }
0x94: {  	s4 =	sld [smem:$0x3FFC];
	_ =	sdelay $0x3  }
0x95: {  	_ =	strace s4  }
0x96: {  	s4 =	sld [smem:$0x3FFD];
	_ =	sdelay $0x3  }
0x97: {  	_ =	strace s4  }
0x98: {  	_ =	strace $0x8FFFFFFF  }
0x99: {  	s19 =	sld [smem:$0x3FDB];
	_ =	sdelay $0x1  }
0x9a: {  	s5 =	simm.s32 $_scs_section_size  }
0x9b: {  	s6 =	simm.s32 $_size__tile_overlayer_lowered;
	s7 =	simm.s32 $_tile_overlayer_lowered  }
0x9c: {  	s22 =	simm.s32 $0x1BFF;
	s21 =	sshll.u32 s7, $0x1;
	s4 =	sadd.s32 s5, s19  }
0x9d: {  	s8 =	simm.s32 $0x0;
	s20 =	sshll.u32 s6, $0x1;
	s6 =	sadd.s32 s21, s4  }
0x9e: {  	[timem:s8], [sflag:s22] =	dma.local [hbm:s6], s20  }
0x9f: {  	_ =	swait.ge [sflag:s22], s20  }
0xa0: {  	s5 =	ssub.s32 $0x0, s20;
	[sflag:s22] =	ssyncset.done $0x0  }
0xa1: {  	[sflag:s22] =	ssyncadd.s32 s5;
	_ =	sdelay $0x1  }
0xa2: {  	s23 =	simm.s32 $0x1B8B  }
0xa3: {  	_ =	swait.ge [sflag:s23], $0x1  }
0xa4: {  	[sflag:s23] =	ssyncset.done $0x0  }
0xa5: {  	s25 =	simm.s32 $0x1B8E;
	s24 =	sld [smem:$0x3FFE];
	[sflag:s23] =	ssyncadd.s32 $0xFFFFFFFF  }
0xa6: {  	s26 =	simm.s32 $execute0_lowered;
	[smem:$0x3FD2] =	sst s25  }
0xa7: {  	s6 =	sshll.u32 s26, $0x1;
	_ =	strace $0x80000046;
	[dreg:$0x1] =	wrdreg $0xFFFFFFFF  }
0xa8: {  	s28 =	simm.s32 $_size_execute0_lowered;
	s4 =	sadd.s32 s4, s6;
	[dreg:$0x0] =	wrdreg $0x0  }
0xa9: {  	s6 =	sshll.u32 s28, $0x1;
	[dreg:$0x2] =	wrdreg s4  }
0xaa: {  	[dreg:$0x3] =	wrdreg s6  }
0xab: {  	[dreg:$0x4] =	wrdreg $0xC0  }
0xac: {  	_ =	task [dreg:s8], $0x5FFFF  }
0xad: {  	[dreg:$0x1] =	wrdreg $0xFFFFFFFF  }
0xae: {  	[dreg:$0x0] =	wrdreg $0x60  }
0xaf: {  	[dreg:$0x2] =	wrdreg s2  }
0xb0: {  	[dreg:$0x3] =	wrdreg s24  }
0xb1: {  	[dreg:$0x4] =	wrdreg s18  }
0xb2: {  	[dreg:$0x5] =	wrdreg $0x9  }
0xb3: {  	_ =	task.clear_ibuf [dreg:s8], $0x6FFFF;
	_ =	strace $0x90000046  }
0xb4: {  	s29 =	simm.s32 $0x9;
	_ =	strace $0x80000048  }
0xb5: {  	_ =	swait.ge [sflag:s29], $0x1  }
0xb6: {  	[sflag:s29] =	ssyncadd.s32 $0xFFFFFFFF  }
0xb7: {  	_ =	strace $0x90000048  }
0xb8: {  	_ =	sfence  }
0xb9: {  	s30 =	sld [smem:$0x0];
	_ =	sdelay $0x2  }
0xba: {  	s31 =	sshll.u32 s1, $0xD;
	s1 =	sshrl.u32 s1, $0x2  }
0xbb: {  	s3 =	sand.u32 $0x4000, s31;
	s1 =	sadd.s32 s1, s30  }
0xbc: {  	s0 =	sor.u32 s3, s0;
	s1 =	sshll.u32 s1, $0x11  }
0xbd: {  	s0 =	sor.u32 s1, s0  }
0xbe: {  	s0 =	sadd.s32 $0x8F2B, s0  }
0xbf: {  	[sflag:s0] =	ssyncadd.remote.s32 $0x1  }
0xc0: {  	_ =	sfence.sel $0xFFFF  }
0xc1: {  	[dreg:$0x0] =	wrdreg $0xFFFFFFFF;
	(pc) =	sbr.abs _section_cstart, $3  }
0xc2: {  	[dreg:$0x1] =	wrdreg $0xFFFFFFFF  }
0xc3: {  	_ =	task.clear_ibuf [dreg:s8], $0x2FFFF;
	_ =	strace $0x9FFFFFFF  }
0xc4: {  	(tm) =	ssettm $0x7FFFFFFF  }
0xc5: {  	_ =	shalt  }
tec
execute0_lowered:
.L_overlay_start_1:
0x0: {  	(tag) =	ssettag $0x1  }
0x1: {  	s0 =	rddreg [dreg:$0x0]  }
0x2: {  	s1 =	rddreg [dreg:$0x1]  }
0x3: {  	s2 =	rddreg [dreg:$0x2];
	s12 =	simm.s32 $0x0;
	s3 =	srdreg.scid  }
0x4: {  	s5 =	stileid.u32;
	[smem:$0x7FF] =	sst s12;
	s4 =	sand.u32 $0x1, s3  }
0x5: {  	s5 =	sshll.u32 s5, $0x1;
	s11 =	sadd.s32 $0x400, s1;
	s14 =	sadd.s32 $0xF42800, s1  }
0x6: {  	_ =	strace $0x80000047;
	s5 =	sor.u32 s4, s5;
	[dreg:$0x4] =	wrdreg s11  }
0x7: {  	s6 =	ssub.s32 $0x2, s4;
	[dreg:$0x5] =	wrdreg s14;
	s7 =	sshll.u32 s5, $0x7  }
0x8: {  	s29 =	sshrl.u32 s6, $0x1;
	s30 =	sshll.u32 s5, $0x6;
	s0 =	sadd.s32 s0, s7  }
0x9: {  	v0 =	vlaneseq.u32;
	s1 =	ssub.s32 s6, s29;
	[dreg:$0x17] =	wrdreg s0;
	s0 =	sadd.s32 s2, s30  }
0xa: {  	v0 =	vmul.u32 $0x80, v0;
	s31 =	smax.u32 s1, $0x1;
	[dreg:$0x18] =	wrdreg s0  }
0xb: {  	s2 =	simm.s32 $0x3;
	s1 =	simm.s32 $0x0;
	[dreg:$0x19] =	wrdreg s31  }
.LBB2_1:
0xc: {  	[dreg:$0x1a] =	wrdreg s1  }
0xd: {  	s0 =	rddreg [dreg:$0x17]  }
0xe: {  	[tilespmem:s12], [sflag:$0x3] =	stream.linear.gather [hbm4b:s0+s12], $0x400, $0x38;
	[tilespmem:$0x10600] =	vst v63  }
0xf: {  	s24 =	sand.u32 $0x200, s12;
	_ =	swait.ge [sflag:s2], $0x400  }
0x10: {  	s25 =	sand.u32 $0x70, s12;
	s0 =	sshrl.u32 s24, $0x2;
	[sflag:s2] =	ssyncset.done $0x0  }
0x11: {  	s0 =	sor.u32 s25, s0;
	[sflag:s2] =	ssyncadd.s32 $0xFFFFFC00  }
0x12: {  	v1 =	vld [tilespmem:s0+$0x0];
	_ =	sdelay $0x1  }
0x13: {  	v3 =	vld [tilespmem:s0+$0x200];
	_ =	sdelay $0x2  }
0x14: {  	v2 =	vshll.u32 v1, $0x4  }
0x15: {  	(v2sf) =	vpush v2, $0x0  }
0x16: {  	v1 =	vshll.u32 v3, $0x4;
	(v2sf) =	vpush v2, $0x1  }
0x17: {  	(v2sf) =	vpush v1, $0x0;
	_ =	sdelay $0x2  }
0x18: {  	(v2sf) =	vpush v1, $0x1;
	_ =	sdelay $0x1  }
0x19: {  	(v2sf) =	vpush v2, $0x2;
	_ =	sdelay $0x1  }
0x1a: {  	(v2sf) =	vpush v1, $0x2  }
0x1b: {  	s3 =	simm.s32 $0x2000;
	s17 =	simm.s32 $0x4000  }
0x1c: {  	s16 =	simm.s32 $0x0;
	s26 =	simm.s32 $0x400;
	s23 =	simm.s32 $0x8A00;
	(v2sf) =	vpush v2, $0x3  }
0x1d: {  	s5 =	simm.s32 $0x680;
	s4 =	simm.s32 $0xA80;
	s6 =	simm.s32 $0x8580  }
0x1e: {  	s8 =	simm.s32 $0x600;
	s15 =	simm.s32 $0x8A80;
	s30 =	simm.s32 $0x8500  }
0x1f: {  	s31 =	simm.s32 $0x8400;
	s18 =	simm.s32 $0x8480;
	s20 =	simm.s32 $0x500  }
0x20: {  	s1 =	simm.s32 $0x8800;
	s28 =	simm.s32 $0x980;
	(v2sf) =	vpush v1, $0x3;
	s7 =	spop (v2sf)  }
0x21: {  	s29 =	simm.s32 $0x8980;
	s7 =	sand.u32 $0x1FFFFFF0, s7;
	s9 =	spop (v2sf)  }
0x22: {  	s24 =	simm.s32 $0x8600;
	(v2sf) =	vpush v2, $0x4;
	s7 =	sadd.s32 s11, s7;
	s10 =	spop (v2sf)  }
0x23: {  	(v2sf) =	vpush v1, $0x4;
	[tilespmem:s26], [sflag:$0x1] =	stream.linear.gather [hbm4b:s7+s12], $0x80, $0x38;
	[tilespmem:$0x10600] =	vst v63  }
0x24: {  	s2 =	simm.s32 $0x8680;
	s9 =	sand.u32 $0x1FFFFFF0, s9;
	s10 =	sand.u32 $0x1FFFFFF0, s10  }
0x25: {  	s13 =	spop (v2sf);
	s9 =	sadd.s32 s11, s9;
	s10 =	sadd.s32 s14, s10  }
0x26: {  	[tilespmem:s31], [sflag:$0x2] =	stream.linear.gather [hbm4b:s10+s12], $0x80, $0x38;
	[tilespmem:$0x10600] =	vst v63  }
0x27: {  	(v2sf) =	vpush v2, $0x5;
	s13 =	sand.u32 $0x1FFFFFF0, s13;
	s19 =	spop (v2sf);
	s10 =	simm.s32 $0x480  }
0x28: {  	[tilespmem:s10], [sflag:$0x1] =	stream.linear.gather [hbm4b:s9+s12], $0x80, $0x38;
	[tilespmem:$0x10600] =	vst v63  }
0x29: {  	(v2sf) =	vpush v1, $0x5;
	s21 =	spop (v2sf);
	s10 =	sadd.s32 s14, s13;
	s9 =	sand.u32 $0x1FFFFFF0, s19  }
0x2a: {  	(v2sf) =	vpush v2, $0x6;
	[tilespmem:s18], [sflag:$0x2] =	stream.linear.gather [hbm4b:s10+s12], $0x80, $0x38;
	[tilespmem:$0x10600] =	vst v63  }
0x2b: {  	s22 =	spop (v2sf);
	s9 =	sadd.s32 s11, s9;
	s10 =	sand.u32 $0x1FFFFFF0, s21  }
0x2c: {  	(v2sf) =	vpush v1, $0x6;
	[tilespmem:s20], [sflag:$0x1] =	stream.linear.gather [hbm4b:s9+s12], $0x80, $0x38;
	[tilespmem:$0x10600] =	vst v63  }
0x2d: {  	s0 =	simm.s32 $0x8700;
	s26 =	sand.u32 $0x1FFFFFF0, s22;
	s25 =	sadd.s32 s14, s10  }
0x2e: {  	(v2sf) =	vpush v2, $0x7;
	[tilespmem:s30], [sflag:$0x2] =	stream.linear.gather [hbm4b:s25+s12], $0x80, $0x38;
	[tilespmem:$0x10600] =	vst v63  }
0x2f: {  	s31 =	spop (v2sf);
	s10 =	sadd.s32 s11, s26;
	s30 =	simm.s32 $0x580  }
0x30: {  	[tilespmem:s30], [sflag:$0x1] =	stream.linear.gather [hbm4b:s10+s12], $0x80, $0x38;
	[tilespmem:$0x10600] =	vst v63  }
0x31: {  	s7 =	simm.s32 $0x8780;
	s9 =	sand.u32 $0x1FFFFFF0, s31;
	s13 =	spop (v2sf)  }
0x32: {  	(v2sf) =	vpush v1, $0x7;
	s9 =	sadd.s32 s14, s9;
	s10 =	sand.u32 $0x1FFFFFF0, s13;
	s18 =	spop (v2sf)  }
0x33: {  	[tilespmem:s6], [sflag:$0x2] =	stream.linear.gather [hbm4b:s9+s12], $0x80, $0x38;
	[tilespmem:$0x10600] =	vst v63  }
0x34: {  	s19 =	simm.s32 $0x700;
	(v2sf) =	vpush v2, $0x8;
	s20 =	sadd.s32 s11, s10;
	s21 =	sand.u32 $0x1FFFFFF0, s18  }
0x35: {  	[tilespmem:s8], [sflag:$0x1] =	stream.linear.gather [hbm4b:s20+s12], $0x80, $0x38;
	[tilespmem:$0x10600] =	vst v63  }
0x36: {  	s31 =	simm.s32 $0x780;
	s22 =	spop (v2sf);
	s10 =	sadd.s32 s14, s21  }
0x37: {  	(v2sf) =	vpush v1, $0x8;
	[tilespmem:s24], [sflag:$0x2] =	stream.linear.gather [hbm4b:s10+s12], $0x80, $0x38;
	[tilespmem:$0x10600] =	vst v63  }
0x38: {  	s6 =	simm.s32 $0x900;
	(v2sf) =	vpush v2, $0x9;
	s9 =	sand.u32 $0x1FFFFFF0, s22;
	s24 =	spop (v2sf)  }
0x39: {  	s9 =	sadd.s32 s11, s9;
	s10 =	sand.u32 $0x1FFFFFF0, s24;
	s25 =	spop (v2sf)  }
0x3a: {  	(v2sf) =	vpush v1, $0x9;
	[tilespmem:s5], [sflag:$0x1] =	stream.linear.gather [hbm4b:s9+s12], $0x80, $0x38;
	[tilespmem:$0x10600] =	vst v63  }
0x3b: {  	s26 =	sadd.s32 s14, s10;
	s30 =	sand.u32 $0x1FFFFFF0, s25;
	s13 =	spop (v2sf)  }
0x3c: {  	(v2sf) =	vpush v2, $0xA;
	[tilespmem:s2], [sflag:$0x2] =	stream.linear.gather [hbm4b:s26+s12], $0x80, $0x38;
	[tilespmem:$0x10600] =	vst v63  }
0x3d: {  	s10 =	sadd.s32 s11, s30;
	s9 =	sand.u32 $0x1FFFFFF0, s13;
	s18 =	spop (v2sf)  }
0x3e: {  	[tilespmem:s19], [sflag:$0x1] =	stream.linear.gather [hbm4b:s10+s12], $0x80, $0x38;
	[tilespmem:$0x10600] =	vst v63  }
0x3f: {  	s8 =	simm.s32 $0x880;
	(v2sf) =	vpush v1, $0xA;
	s9 =	sadd.s32 s14, s9;
	s10 =	sand.u32 $0x1FFFFFF0, s18  }
0x40: {  	[tilespmem:s0], [sflag:$0x2] =	stream.linear.gather [hbm4b:s9+s12], $0x80, $0x38;
	[tilespmem:$0x10600] =	vst v63  }
0x41: {  	s5 =	simm.s32 $0x8880;
	s19 =	spop (v2sf);
	(v2sf) =	vpush v2, $0xB;
	s20 =	sadd.s32 s11, s10  }
0x42: {  	[tilespmem:s31], [sflag:$0x1] =	stream.linear.gather [hbm4b:s20+s12], $0x80, $0x38;
	[tilespmem:$0x10600] =	vst v63  }
0x43: {  	s25 =	simm.s32 $0x8900;
	s21 =	sand.u32 $0x1FFFFFF0, s19;
	s22 =	spop (v2sf)  }
0x44: {  	s26 =	simm.s32 $0x800;
	s24 =	sadd.s32 s14, s21;
	s0 =	sand.u32 $0x1FFFFFF0, s22  }
0x45: {  	[tilespmem:s7], [sflag:$0x2] =	stream.linear.gather [hbm4b:s24+s12], $0x80, $0x38;
	[tilespmem:$0x10600] =	vst v63  }
0x46: {  	s10 =	simm.s32 $0x8B00;
	s30 =	spop (v2sf);
	s0 =	sadd.s32 s11, s0  }
0x47: {  	s7 =	sand.u32 $0x1FFFFFF0, s30;
	s31 =	spop (v2sf);
	s24 =	simm.s32 $0xB00  }
0x48: {  	[tilespmem:s26], [sflag:$0x1] =	stream.linear.gather [hbm4b:s0+s12], $0x80, $0x38;
	[tilespmem:$0x10600] =	vst v63  }
0x49: {  	s7 =	sadd.s32 s14, s7;
	s9 =	sand.u32 $0x1FFFFFF0, s31;
	s13 =	spop (v2sf)  }
0x4a: {  	(v2sf) =	vpush v1, $0xB;
	[tilespmem:s1], [sflag:$0x2] =	stream.linear.gather [hbm4b:s7+s12], $0x80, $0x38;
	[tilespmem:$0x10600] =	vst v63  }
0x4b: {  	s18 =	sadd.s32 s11, s9;
	(v2sf) =	vpush v2, $0xC;
	s19 =	sand.u32 $0x1FFFFFF0, s13;
	s20 =	spop (v2sf)  }
0x4c: {  	s26 =	simm.s32 $0xA00;
	(v2sf) =	vpush v1, $0xC;
	s21 =	sadd.s32 s14, s19;
	s22 =	sand.u32 $0x1FFFFFF0, s20  }
0x4d: {  	(v2sf) =	vpush v2, $0xD;
	[tilespmem:s8], [sflag:$0x1] =	stream.linear.gather [hbm4b:s18+s12], $0x80, $0x38;
	[tilespmem:$0x10600] =	vst v63  }
0x4e: {  	(v2sf) =	vpush v1, $0xD;
	s30 =	sadd.s32 s11, s22;
	s31 =	spop (v2sf);
	s22 =	simm.s32 $0x40  }
0x4f: {  	(v2sf) =	vpush v2, $0xE;
	[tilespmem:s5], [sflag:$0x2] =	stream.linear.gather [hbm4b:s21+s12], $0x80, $0x38;
	[tilespmem:$0x10600] =	vst v63  }
0x50: {  	s1 =	sand.u32 $0x1FFFFFF0, s31;
	s21 =	simm.s32 $0x10;
	(v2sf) =	vpush v1, $0xE;
	s0 =	spop (v2sf)  }
0x51: {  	(v2sf) =	vpush v2, $0xF;
	[tilespmem:s6], [sflag:$0x1] =	stream.linear.gather [hbm4b:s30+s12], $0x80, $0x38;
	[tilespmem:$0x10600] =	vst v63  }
.LBB2_2:
0x52: {  	_ =	sdelay $0x2  }
0x53: {  	s1 =	sadd.s32 s14, s1;
	s0 =	sand.u32 $0x1FFFFFF0, s0  }
0x54: {  	[tilespmem:s25], [sflag:$0x2] =	stream.linear.gather [hbm4b:s1+s12], $0x80, $0x38;
	[tilespmem:$0x10600] =	vst v63  }
0x55: {  	s0 =	sadd.s32 s11, s0  }
0x56: {  	[tilespmem:s28], [sflag:$0x1] =	stream.linear.gather [hbm4b:s0+s12], $0x80, $0x38;
	[tilespmem:$0x10600] =	vst v63  }
0x57: {  	s2 =	spop (v2sf)  }
0x58: {  	s30 =	sand.u32 $0x1FFFFFF0, s2;
	s31 =	spop (v2sf);
	(v2sf) =	vpush v1, $0xF  }
0x59: {  	s1 =	sadd.s32 s14, s30;
	s5 =	sand.u32 $0x1FFFFFF0, s31;
	s6 =	spop (v2sf)  }
0x5a: {  	[tilespmem:s29], [sflag:$0x2] =	stream.linear.gather [hbm4b:s1+s12], $0x80, $0x38;
	[tilespmem:$0x10600] =	vst v63  }
0x5b: {  	s7 =	sadd.s32 s11, s5;
	s8 =	sand.u32 $0x1FFFFFF0, s6;
	s9 =	spop (v2sf)  }
0x5c: {  	[tilespmem:s26], [sflag:$0x1] =	stream.linear.gather [hbm4b:s7+s12], $0x80, $0x38;
	[tilespmem:$0x10600] =	vst v63  }
0x5d: {  	s13 =	sadd.s32 s14, s8;
	s18 =	sand.u32 $0x1FFFFFF0, s9;
	s19 =	spop (v2sf)  }
0x5e: {  	[tilespmem:s23], [sflag:$0x2] =	stream.linear.gather [hbm4b:s13+s12], $0x80, $0x38;
	[tilespmem:$0x10600] =	vst v63  }
0x5f: {  	s20 =	sadd.s32 s11, s18;
	s25 =	spop (v2sf);
	s23 =	sand.u32 $0x1FFFFFF0, s19  }
0x60: {  	[tilespmem:s4], [sflag:$0x1] =	stream.linear.gather [hbm4b:s20+s12], $0x80, $0x38;
	[tilespmem:$0x10600] =	vst v63  }
0x61: {  	s30 =	sand.u32 $0x1FFFFFF0, s25;
	s31 =	spop (v2sf);
	s26 =	sadd.s32 s14, s23  }
0x62: {  	[tilespmem:s15], [sflag:$0x2] =	stream.linear.gather [hbm4b:s26+s12], $0x80, $0x38;
	[tilespmem:$0x10600] =	vst v63  }
0x63: {  	s1 =	sadd.s32 s11, s30;
	s5 =	spop (v2sf);
	s4 =	sand.u32 $0x1FFFFFF0, s31  }
0x64: {  	[tilespmem:s24], [sflag:$0x1] =	stream.linear.gather [hbm4b:s1+s12], $0x80, $0x38;
	[tilespmem:$0x10600] =	vst v63  }
0x65: {  	s8 =	sand.u32 $0x200, s22;
	s2 =	sand.u32 $0x1FFFFFF0, s5;
	s6 =	sadd.s32 s14, s4  }
0x66: {  	[tilespmem:s10], [sflag:$0x2] =	stream.linear.gather [hbm4b:s6+s12], $0x80, $0x38;
	[tilespmem:$0x10600] =	vst v63  }
0x67: {  	s7 =	sadd.s32 $0xB80, s16;
	s2 =	sadd.s32 s11, s2;
	s5 =	spop (v2sf)  }
0x68: {  	[tilespmem:s7], [sflag:$0x1] =	stream.linear.gather [hbm4b:s2+s12], $0x80, $0x38;
	[tilespmem:$0x10600] =	vst v63  }
0x69: {  	s9 =	sand.u32 $0x70, s21;
	s0 =	sshrl.u32 s8, $0x2;
	s10 =	sand.u32 $0x1FFFFFF0, s5  }
0x6a: {  	s0 =	sor.u32 s9, s0;
	s13 =	sadd.s32 $0x8B80, s16;
	s2 =	sadd.s32 s14, s10  }
0x6b: {  	[tilespmem:s13], [sflag:$0x2] =	stream.linear.gather [hbm4b:s2+s12], $0x80, $0x38;
	[tilespmem:$0x10600] =	vst v63  }
0x6c: {  	v1 =	vld [tilespmem:s0+$0x0];
	_ =	sdelay $0x1  }
0x6d: {  	v3 =	vld [tilespmem:s0+$0x200];
	_ =	sdelay $0x2  }
0x6e: {  	v2 =	vshll.u32 v1, $0x4  }
0x6f: {  	(v2sf) =	vpush v2, $0x0  }
0x70: {  	p0 =	sne.s32 s17, $0x1E000;
	v1 =	vshll.u32 v3, $0x4;
	(v2sf) =	vpush v2, $0x1  }
0x71: {  	s21 =	sadd.s32 $0x10, s21;
	s22 =	sadd.s32 $0x40, s22;
	s16 =	sshra.s32 s3, $0x2;
	(v2sf) =	vpush v1, $0x0  }
0x72: {  	s18 =	sadd.s32 $0x8700, s16;
	s23 =	sadd.s32 $0x8A00, s16;
	s19 =	sadd.s32 $0x8680, s16  }
0x73: {  	s9 =	sadd.s32 $0x700, s16;
	s25 =	sadd.s32 $0x8780, s16;
	[dreg:$0xf] =	wrdreg s18  }
0x74: {  	s3 =	sadd.s32 $0x780, s16;
	s30 =	sadd.s32 $0x900, s16;
	[dreg:$0x13] =	wrdreg s19;
	(v2sf) =	vpush v1, $0x1  }
0x75: {  	s28 =	sadd.s32 $0x980, s16;
	s8 =	sadd.s32 $0x800, s16;
	[dreg:$0x11] =	wrdreg s25  }
0x76: {  	s29 =	sadd.s32 $0x8980, s16;
	s18 =	sadd.s32 $0x8580, s16;
	[dreg:$0x15] =	wrdreg s3;
	(v2sf) =	vpush v2, $0x2  }
0x77: {  	s19 =	sadd.s32 $0x8500, s16;
	s20 =	sadd.s32 $0x8800, s16;
	[dreg:$0x7] =	wrdreg s30  }
0x78: {  	s31 =	sadd.s32 $0x480, s16;
	[dreg:$0xd] =	wrdreg s20;
	s26 =	sadd.s32 $0x8880, s16  }
0x79: {  	s25 =	sadd.s32 $0x8900, s16;
	s20 =	sadd.s32 $0x580, s16;
	[dreg:$0x9] =	wrdreg s26;
	(v2sf) =	vpush v1, $0x2  }
0x7a: {  	s26 =	sadd.s32 $0xA00, s16;
	s24 =	sadd.s32 $0x880, s16;
	s1 =	sadd.s32 $0x8480, s16;
	(v2sf) =	vpush v2, $0x3  }
0x7b: {  	[dreg:$0xb] =	wrdreg s24;
	s24 =	sadd.s32 $0xB00, s16;
	s6 =	sadd.s32 $0x600, s16  }
0x7c: {  	s5 =	sadd.s32 $0xA80, s16;
	s7 =	sadd.s32 $0x8600, s16;
	s14 =	smov.u32 s17;
	(v2sf) =	vpush v1, $0x3  }
0x7d: {  	s17 =	sadd.s32 $0x2000, s17;
	s10 =	sadd.s32 $0x8B00, s16;
	s15 =	smov.u32 s14  }
0x7e: {  	s2 =	sadd.s32 $0x400, s16;
	s14 =	sadd.s32 $0x680, s16;
	s4 =	spop (v2sf)  }
0x7f: {  	[dreg:$0x6] =	wrdreg s15;
	s3 =	sand.u32 $0x1FFFFFF0, s4;
	s4 =	spop (v2sf)  }
0x80: {  	(v2sf) =	vpush v2, $0x4;
	s3 =	sadd.s32 s11, s3;
	s30 =	spop (v2sf);
	s11 =	rddreg [dreg:$0x4]  }
0x81: {  	[tilespmem:s2], [sflag:$0x1] =	stream.linear.gather [hbm4b:s3+s12], $0x80, $0x38;
	[tilespmem:$0x10600] =	vst v63  }
0x82: {  	s13 =	sadd.s32 $0x8400, s16;
	(v2sf) =	vpush v1, $0x4;
	s2 =	sand.u32 $0x1FFFFFF0, s30;
	s30 =	rddreg [dreg:$0x5]  }
0x83: {  	s4 =	sand.u32 $0x1FFFFFF0, s4;
	s3 =	spop (v2sf);
	s2 =	sadd.s32 s30, s2  }
0x84: {  	(v2sf) =	vpush v2, $0x5;
	[tilespmem:s13], [sflag:$0x2] =	stream.linear.gather [hbm4b:s2+s12], $0x80, $0x38;
	[tilespmem:$0x10600] =	vst v63  }
0x85: {  	s0 =	sadd.s32 $0x500, s16;
	s30 =	spop (v2sf);
	s13 =	sadd.s32 s11, s4  }
0x86: {  	(v2sf) =	vpush v1, $0x5;
	[tilespmem:s31], [sflag:$0x1] =	stream.linear.gather [hbm4b:s13+s12], $0x80, $0x38;
	[tilespmem:$0x10600] =	vst v63  }
0x87: {  	s3 =	sand.u32 $0x1FFFFFF0, s3;
	(v2sf) =	vpush v2, $0x6;
	s30 =	sand.u32 $0x1FFFFFF0, s30;
	s13 =	rddreg [dreg:$0x5]  }
0x88: {  	s4 =	smov.u32 s5;
	s31 =	spop (v2sf);
	s2 =	sadd.s32 s13, s3  }
0x89: {  	s3 =	sand.u32 $0x1FFFFFF0, s31;
	s5 =	spop (v2sf);
	s13 =	rddreg [dreg:$0x5]  }
0x8a: {  	[tilespmem:s1], [sflag:$0x2] =	stream.linear.gather [hbm4b:s2+s12], $0x80, $0x38;
	[tilespmem:$0x10600] =	vst v63  }
0x8b: {  	(v2sf) =	vpush v1, $0x6;
	s2 =	sadd.s32 s11, s30;
	s30 =	sand.u32 $0x1FFFFFF0, s5;
	s31 =	spop (v2sf)  }
0x8c: {  	(v2sf) =	vpush v2, $0x7;
	[tilespmem:s0], [sflag:$0x1] =	stream.linear.gather [hbm4b:s2+s12], $0x80, $0x38;
	[tilespmem:$0x10600] =	vst v63  }
0x8d: {  	s5 =	rddreg [dreg:$0x5];
	s0 =	sadd.s32 s13, s3;
	s2 =	sand.u32 $0x1FFFFFF0, s31  }
0x8e: {  	(v2sf) =	vpush v1, $0x7;
	[tilespmem:s19], [sflag:$0x2] =	stream.linear.gather [hbm4b:s0+s12], $0x80, $0x38;
	[tilespmem:$0x10600] =	vst v63  }
0x8f: {  	s1 =	sadd.s32 s11, s30;
	s0 =	sadd.s32 s5, s2;
	s3 =	spop (v2sf)  }
0x90: {  	[tilespmem:s20], [sflag:$0x1] =	stream.linear.gather [hbm4b:s1+s12], $0x80, $0x38;
	[tilespmem:$0x10600] =	vst v63  }
0x91: {  	s13 =	sand.u32 $0x1FFFFFF0, s3;
	s3 =	rddreg [dreg:$0x5];
	s19 =	spop (v2sf)  }
0x92: {  	(v2sf) =	vpush v2, $0x8;
	[tilespmem:s18], [sflag:$0x2] =	stream.linear.gather [hbm4b:s0+s12], $0x80, $0x38;
	[tilespmem:$0x10600] =	vst v63  }
0x93: {  	s20 =	sadd.s32 s11, s13;
	s30 =	sand.u32 $0x1FFFFFF0, s19;
	s31 =	spop (v2sf)  }
0x94: {  	[tilespmem:s6], [sflag:$0x1] =	stream.linear.gather [hbm4b:s20+s12], $0x80, $0x38;
	[tilespmem:$0x10600] =	vst v63  }
0x95: {  	s15 =	sadd.s32 $0x8A80, s16;
	s0 =	sadd.s32 s3, s30;
	s6 =	spop (v2sf)  }
0x96: {  	(v2sf) =	vpush v1, $0x8;
	s5 =	sand.u32 $0x1FFFFFF0, s31;
	s31 =	rddreg [dreg:$0x13];
	s18 =	spop (v2sf)  }
0x97: {  	(v2sf) =	vpush v2, $0x9;
	[tilespmem:s7], [sflag:$0x2] =	stream.linear.gather [hbm4b:s0+s12], $0x80, $0x38;
	[tilespmem:$0x10600] =	vst v63  }
0x98: {  	s7 =	sadd.s32 s11, s5;
	s20 =	sand.u32 $0x1FFFFFF0, s18;
	s18 =	rddreg [dreg:$0xf]  }
0x99: {  	(v2sf) =	vpush v1, $0x9;
	[tilespmem:s14], [sflag:$0x1] =	stream.linear.gather [hbm4b:s7+s12], $0x80, $0x38;
	[tilespmem:$0x10600] =	vst v63  }
0x9a: {  	s13 =	sand.u32 $0x1FFFFFF0, s6;
	s30 =	spop (v2sf);
	s14 =	rddreg [dreg:$0x5]  }
0x9b: {  	(v2sf) =	vpush v2, $0xA;
	s5 =	sand.u32 $0x1FFFFFF0, s30;
	s6 =	spop (v2sf);
	s19 =	sadd.s32 s14, s13  }
0x9c: {  	[tilespmem:s31], [sflag:$0x2] =	stream.linear.gather [hbm4b:s19+s12], $0x80, $0x38;
	[tilespmem:$0x10600] =	vst v63  }
0x9d: {  	s3 =	sadd.s32 s11, s20;
	s7 =	sadd.s32 s14, s5;
	s13 =	spop (v2sf)  }
0x9e: {  	(v2sf) =	vpush v1, $0xA;
	[tilespmem:s9], [sflag:$0x1] =	stream.linear.gather [hbm4b:s3+s12], $0x80, $0x38;
	[tilespmem:$0x10600] =	vst v63  }
0x9f: {  	s20 =	sand.u32 $0x1FFFFFF0, s13;
	s31 =	rddreg [dreg:$0x15];
	s9 =	sand.u32 $0x1FFFFFF0, s6  }
0xa0: {  	(v2sf) =	vpush v2, $0xB;
	[tilespmem:s18], [sflag:$0x2] =	stream.linear.gather [hbm4b:s7+s12], $0x80, $0x38;
	[tilespmem:$0x10600] =	vst v63  }
0xa1: {  	s3 =	rddreg [dreg:$0x6];
	s19 =	sadd.s32 s11, s9;
	s30 =	spop (v2sf)  }
0xa2: {  	[tilespmem:s31], [sflag:$0x1] =	stream.linear.gather [hbm4b:s19+s12], $0x80, $0x38;
	[tilespmem:$0x10600] =	vst v63  }
0xa3: {  	s5 =	sadd.s32 s14, s20;
	s9 =	rddreg [dreg:$0x11];
	s6 =	sand.u32 $0x1FFFFFF0, s30  }
0xa4: {  	[tilespmem:s9], [sflag:$0x2] =	stream.linear.gather [hbm4b:s5+s12], $0x80, $0x38;
	[tilespmem:$0x10600] =	vst v63  }
0xa5: {  	s7 =	spop (v2sf);
	s13 =	sadd.s32 s11, s6;
	s5 =	rddreg [dreg:$0xd]  }
0xa6: {  	s18 =	sand.u32 $0x1FFFFFF0, s7;
	s19 =	spop (v2sf);
	s9 =	rddreg [dreg:$0xb]  }
0xa7: {  	[tilespmem:s8], [sflag:$0x1] =	stream.linear.gather [hbm4b:s13+s12], $0x80, $0x38;
	[tilespmem:$0x10600] =	vst v63  }
0xa8: {  	s20 =	sadd.s32 s14, s18;
	s30 =	sand.u32 $0x1FFFFFF0, s19;
	s31 =	spop (v2sf)  }
0xa9: {  	(v2sf) =	vpush v1, $0xB;
	[tilespmem:s5], [sflag:$0x2] =	stream.linear.gather [hbm4b:s20+s12], $0x80, $0x38;
	[tilespmem:$0x10600] =	vst v63  }
0xaa: {  	(v2sf) =	vpush v2, $0xC;
	s6 =	sadd.s32 s11, s30;
	s7 =	sand.u32 $0x1FFFFFF0, s31;
	s8 =	spop (v2sf)  }
0xab: {  	(v2sf) =	vpush v1, $0xC;
	[tilespmem:s9], [sflag:$0x1] =	stream.linear.gather [hbm4b:s6+s12], $0x80, $0x38;
	[tilespmem:$0x10600] =	vst v63  }
.Ltmp0:
0xac: {  	(v2sf) =	vpush v2, $0xD;
	s31 =	rddreg [dreg:$0x7];
	s13 =	sadd.s32 s14, s7;
	(pc) =	sbr.rel @p0 .LBB2_2-.Ltmp0, $4  }
0xad: {  	(v2sf) =	vpush v1, $0xD;
	s18 =	sand.u32 $0x1FFFFFF0, s8;
	s19 =	spop (v2sf);
	s20 =	rddreg [dreg:$0x9]  }
0xae: {  	(v2sf) =	vpush v2, $0xE;
	[tilespmem:s20], [sflag:$0x2] =	stream.linear.gather [hbm4b:s13+s12], $0x80, $0x38;
	[tilespmem:$0x10600] =	vst v63  }
0xaf: {  	(v2sf) =	vpush v1, $0xE;
	s30 =	sadd.s32 s11, s18;
	s1 =	sand.u32 $0x1FFFFFF0, s19;
	s0 =	spop (v2sf)  }
0xb0: {  	(v2sf) =	vpush v2, $0xF;
	[tilespmem:s31], [sflag:$0x1] =	stream.linear.gather [hbm4b:s30+s12], $0x80, $0x38;
	[tilespmem:$0x10600] =	vst v63  }
0xb1: {  	_ =	sdelay $0x2  }
0xb2: {  	s1 =	sadd.s32 s14, s1;
	s0 =	sand.u32 $0x1FFFFFF0, s0  }
0xb3: {  	[tilespmem:s25], [sflag:$0x2] =	stream.linear.gather [hbm4b:s1+s12], $0x80, $0x38;
	[tilespmem:$0x10600] =	vst v63  }
0xb4: {  	s0 =	sadd.s32 s11, s0  }
0xb5: {  	[tilespmem:s28], [sflag:$0x1] =	stream.linear.gather [hbm4b:s0+s12], $0x80, $0x38;
	[tilespmem:$0x10600] =	vst v63  }
0xb6: {  	s31 =	spop (v2sf)  }
0xb7: {  	s0 =	sand.u32 $0x1FFFFFF0, s31  }
0xb8: {  	s1 =	spop (v2sf);
	s0 =	sadd.s32 s14, s0  }
0xb9: {  	[tilespmem:s29], [sflag:$0x2] =	stream.linear.gather [hbm4b:s0+s12], $0x80, $0x38;
	[tilespmem:$0x10600] =	vst v63  }
0xba: {  	s0 =	sand.u32 $0x1FFFFFF0, s1  }
0xbb: {  	s2 =	spop (v2sf);
	s0 =	sadd.s32 s11, s0  }
0xbc: {  	[tilespmem:s26], [sflag:$0x1] =	stream.linear.gather [hbm4b:s0+s12], $0x80, $0x38;
	[tilespmem:$0x10600] =	vst v63  }
0xbd: {  	s0 =	sand.u32 $0x1FFFFFF0, s2  }
0xbe: {  	(v2sf) =	vpush v1, $0xF;
	s5 =	spop (v2sf);
	s0 =	sadd.s32 s14, s0  }
0xbf: {  	[tilespmem:s23], [sflag:$0x2] =	stream.linear.gather [hbm4b:s0+s12], $0x80, $0x38;
	[tilespmem:$0x10600] =	vst v63  }
0xc0: {  	s0 =	sand.u32 $0x1FFFFFF0, s5  }
0xc1: {  	s6 =	spop (v2sf);
	s0 =	sadd.s32 s11, s0  }
0xc2: {  	[tilespmem:s4], [sflag:$0x1] =	stream.linear.gather [hbm4b:s0+s12], $0x80, $0x38;
	[tilespmem:$0x10600] =	vst v63  }
0xc3: {  	s0 =	sand.u32 $0x1FFFFFF0, s6  }
0xc4: {  	s7 =	spop (v2sf);
	s0 =	sadd.s32 s14, s0  }
0xc5: {  	[tilespmem:s15], [sflag:$0x2] =	stream.linear.gather [hbm4b:s0+s12], $0x80, $0x38;
	[tilespmem:$0x10600] =	vst v63  }
0xc6: {  	s0 =	sand.u32 $0x1FFFFFF0, s7  }
0xc7: {  	s8 =	spop (v2sf);
	s0 =	sadd.s32 s11, s0  }
0xc8: {  	[tilespmem:s24], [sflag:$0x1] =	stream.linear.gather [hbm4b:s0+s12], $0x80, $0x38;
	[tilespmem:$0x10600] =	vst v63  }
0xc9: {  	s0 =	sand.u32 $0x1FFFFFF0, s8  }
0xca: {  	s9 =	spop (v2sf);
	s0 =	sadd.s32 s14, s0  }
0xcb: {  	[tilespmem:s10], [sflag:$0x2] =	stream.linear.gather [hbm4b:s0+s12], $0x80, $0x38;
	[tilespmem:$0x10600] =	vst v63  }
0xcc: {  	s13 =	sand.u32 $0x200, s22;
	s0 =	sand.u32 $0x1FFFFFF0, s9  }
0xcd: {  	s10 =	sadd.s32 $0xB80, s16;
	s0 =	sadd.s32 s11, s0;
	s15 =	spop (v2sf)  }
0xce: {  	[tilespmem:s10], [sflag:$0x1] =	stream.linear.gather [hbm4b:s0+s12], $0x80, $0x38;
	[tilespmem:$0x10600] =	vst v63  }
0xcf: {  	s2 =	sand.u32 $0x70, s21;
	s0 =	sshrl.u32 s13, $0x2;
	s1 =	sand.u32 $0x1FFFFFF0, s15  }
0xd0: {  	s17 =	sadd.s32 $0x8B80, s16;
	s0 =	sor.u32 s2, s0;
	s1 =	sadd.s32 s14, s1  }
0xd1: {  	[tilespmem:s17], [sflag:$0x2] =	stream.linear.gather [hbm4b:s1+s12], $0x80, $0x38;
	[tilespmem:$0x10600] =	vst v63  }
0xd2: {  	v1 =	vld [tilespmem:s0+$0x0];
	_ =	sdelay $0x3  }
0xd3: {  	v3 =	vld [tilespmem:s0+$0x200]  }
0xd4: {  	v2 =	vshll.u32 v1, $0x4  }
0xd5: {  	(v2sf) =	vpush v2, $0x0;
	_ =	sdelay $0x1  }
0xd6: {  	(v2sf) =	vpush v2, $0x1  }
0xd7: {  	v1 =	vshll.u32 v3, $0x4  }
0xd8: {  	(v2sf) =	vpush v1, $0x0;
	_ =	sdelay $0x4  }
0xd9: {  	(v2sf) =	vpush v1, $0x1;
	_ =	sdelay $0x4  }
0xda: {  	(v2sf) =	vpush v2, $0x2  }
0xdb: {  	s18 =	spop (v2sf);
	(v2sf) =	vpush v1, $0x2;
	_ =	sdelay $0x1  }
0xdc: {  	s20 =	spop (v2sf);
	(v2sf) =	vpush v2, $0x3;
	_ =	sdelay $0x1  }
0xdd: {  	s21 =	spop (v2sf);
	(v2sf) =	vpush v1, $0x3;
	_ =	sdelay $0x4  }
0xde: {  	s25 =	spop (v2sf);
	(v2sf) =	vpush v2, $0x4;
	_ =	sdelay $0x1  }
0xdf: {  	s15 =	sshra.s32 s3, $0x2;
	s0 =	sand.u32 $0x1FFFFFF0, s18  }
0xe0: {  	s19 =	sadd.s32 $0x400, s15;
	s0 =	sadd.s32 s11, s0  }
0xe1: {  	[tilespmem:s19], [sflag:$0x1] =	stream.linear.gather [hbm4b:s0+s12], $0x80, $0x38;
	[tilespmem:$0x10600] =	vst v63  }
0xe2: {  	s22 =	sadd.s32 $0x8400, s15;
	s0 =	sand.u32 $0x1FFFFFF0, s21;
	s28 =	spop (v2sf)  }
0xe3: {  	s23 =	sand.u32 $0x1FFFFFF0, s20;
	s0 =	sadd.s32 s14, s0;
	s30 =	spop (v2sf);
	(v2sf) =	vpush v1, $0x4  }
0xe4: {  	[tilespmem:s22], [sflag:$0x2] =	stream.linear.gather [hbm4b:s0+s12], $0x80, $0x38;
	[tilespmem:$0x10600] =	vst v63  }
0xe5: {  	s24 =	sadd.s32 $0x480, s15;
	s0 =	sadd.s32 s11, s23;
	s1 =	spop (v2sf);
	(v2sf) =	vpush v2, $0x5  }
0xe6: {  	[tilespmem:s24], [sflag:$0x1] =	stream.linear.gather [hbm4b:s0+s12], $0x80, $0x38;
	[tilespmem:$0x10600] =	vst v63  }
0xe7: {  	s3 =	spop (v2sf);
	(v2sf) =	vpush v1, $0x5  }
0xe8: {  	s0 =	sand.u32 $0x1FFFFFF0, s25  }
0xe9: {  	s26 =	sadd.s32 $0x8480, s15;
	s0 =	sadd.s32 s14, s0  }
0xea: {  	[tilespmem:s26], [sflag:$0x2] =	stream.linear.gather [hbm4b:s0+s12], $0x80, $0x38;
	[tilespmem:$0x10600] =	vst v63  }
0xeb: {  	s0 =	sand.u32 $0x1FFFFFF0, s28  }
0xec: {  	s29 =	sadd.s32 $0x500, s15;
	s0 =	sadd.s32 s11, s0;
	s5 =	spop (v2sf);
	(v2sf) =	vpush v2, $0x6  }
0xed: {  	[tilespmem:s29], [sflag:$0x1] =	stream.linear.gather [hbm4b:s0+s12], $0x80, $0x38;
	[tilespmem:$0x10600] =	vst v63  }
0xee: {  	s0 =	sand.u32 $0x1FFFFFF0, s30  }
0xef: {  	s31 =	sadd.s32 $0x8500, s15;
	s0 =	sadd.s32 s14, s0  }
0xf0: {  	[tilespmem:s31], [sflag:$0x2] =	stream.linear.gather [hbm4b:s0+s12], $0x80, $0x38;
	[tilespmem:$0x10600] =	vst v63  }
0xf1: {  	s0 =	sand.u32 $0x1FFFFFF0, s1  }
0xf2: {  	s2 =	sadd.s32 $0x580, s15;
	s0 =	sadd.s32 s11, s0;
	s7 =	spop (v2sf);
	(v2sf) =	vpush v1, $0x6  }
0xf3: {  	[tilespmem:s2], [sflag:$0x1] =	stream.linear.gather [hbm4b:s0+s12], $0x80, $0x38;
	[tilespmem:$0x10600] =	vst v63  }
0xf4: {  	s9 =	spop (v2sf);
	(v2sf) =	vpush v2, $0x7  }
0xf5: {  	s0 =	sand.u32 $0x1FFFFFF0, s3  }
0xf6: {  	s4 =	sadd.s32 $0x8580, s15;
	s0 =	sadd.s32 s14, s0;
	s13 =	spop (v2sf);
	(v2sf) =	vpush v1, $0x7  }
0xf7: {  	[tilespmem:s4], [sflag:$0x2] =	stream.linear.gather [hbm4b:s0+s12], $0x80, $0x38;
	[tilespmem:$0x10600] =	vst v63  }
0xf8: {  	s0 =	sand.u32 $0x1FFFFFF0, s5  }
0xf9: {  	s6 =	sadd.s32 $0x600, s15;
	s0 =	sadd.s32 s11, s0  }
0xfa: {  	[tilespmem:s6], [sflag:$0x1] =	stream.linear.gather [hbm4b:s0+s12], $0x80, $0x38;
	[tilespmem:$0x10600] =	vst v63  }
0xfb: {  	s0 =	sand.u32 $0x1FFFFFF0, s7;
	s17 =	spop (v2sf);
	(v2sf) =	vpush v2, $0x8  }
0xfc: {  	s8 =	sadd.s32 $0x8600, s15;
	s0 =	sadd.s32 s14, s0  }
0xfd: {  	[tilespmem:s8], [sflag:$0x2] =	stream.linear.gather [hbm4b:s0+s12], $0x80, $0x38;
	[tilespmem:$0x10600] =	vst v63  }
0xfe: {  	s0 =	sand.u32 $0x1FFFFFF0, s9  }
0xff: {  	s10 =	sadd.s32 $0x680, s15;
	s0 =	sadd.s32 s11, s0  }
0x100: {  	[tilespmem:s10], [sflag:$0x1] =	stream.linear.gather [hbm4b:s0+s12], $0x80, $0x38;
	[tilespmem:$0x10600] =	vst v63  }
0x101: {  	s19 =	spop (v2sf);
	(v2sf) =	vpush v1, $0x8  }
0x102: {  	s0 =	sand.u32 $0x1FFFFFF0, s13  }
0x103: {  	s16 =	sadd.s32 $0x8680, s15;
	s0 =	sadd.s32 s14, s0;
	s21 =	spop (v2sf);
	(v2sf) =	vpush v2, $0x9  }
0x104: {  	[tilespmem:s16], [sflag:$0x2] =	stream.linear.gather [hbm4b:s0+s12], $0x80, $0x38;
	[tilespmem:$0x10600] =	vst v63  }
0x105: {  	s23 =	spop (v2sf);
	(v2sf) =	vpush v1, $0x9  }
0x106: {  	s0 =	sand.u32 $0x1FFFFFF0, s17  }
0x107: {  	s18 =	sadd.s32 $0x700, s15;
	s0 =	sadd.s32 s11, s0  }
0x108: {  	[tilespmem:s18], [sflag:$0x1] =	stream.linear.gather [hbm4b:s0+s12], $0x80, $0x38;
	[tilespmem:$0x10600] =	vst v63  }
0x109: {  	s0 =	sand.u32 $0x1FFFFFF0, s19  }
0x10a: {  	s20 =	sadd.s32 $0x8700, s15;
	s0 =	sadd.s32 s14, s0;
	s25 =	spop (v2sf);
	(v2sf) =	vpush v2, $0xA  }
0x10b: {  	[tilespmem:s20], [sflag:$0x2] =	stream.linear.gather [hbm4b:s0+s12], $0x80, $0x38;
	[tilespmem:$0x10600] =	vst v63  }
0x10c: {  	s0 =	sand.u32 $0x1FFFFFF0, s21  }
0x10d: {  	s22 =	sadd.s32 $0x780, s15;
	s0 =	sadd.s32 s11, s0  }
0x10e: {  	[tilespmem:s22], [sflag:$0x1] =	stream.linear.gather [hbm4b:s0+s12], $0x80, $0x38;
	[tilespmem:$0x10600] =	vst v63  }
0x10f: {  	s0 =	sand.u32 $0x1FFFFFF0, s23  }
0x110: {  	s24 =	sadd.s32 $0x8780, s15;
	s0 =	sadd.s32 s14, s0;
	s28 =	spop (v2sf);
	(v2sf) =	vpush v1, $0xA  }
0x111: {  	[tilespmem:s24], [sflag:$0x2] =	stream.linear.gather [hbm4b:s0+s12], $0x80, $0x38;
	[tilespmem:$0x10600] =	vst v63  }
0x112: {  	s30 =	spop (v2sf);
	(v2sf) =	vpush v2, $0xB  }
0x113: {  	s0 =	sand.u32 $0x1FFFFFF0, s25  }
0x114: {  	s26 =	sadd.s32 $0x800, s15;
	s0 =	sadd.s32 s11, s0;
	s1 =	spop (v2sf);
	(v2sf) =	vpush v1, $0xB  }
0x115: {  	[tilespmem:s26], [sflag:$0x1] =	stream.linear.gather [hbm4b:s0+s12], $0x80, $0x38;
	[tilespmem:$0x10600] =	vst v63  }
0x116: {  	s0 =	sand.u32 $0x1FFFFFF0, s28  }
0x117: {  	s29 =	sadd.s32 $0x8800, s15;
	s0 =	sadd.s32 s14, s0  }
0x118: {  	[tilespmem:s29], [sflag:$0x2] =	stream.linear.gather [hbm4b:s0+s12], $0x80, $0x38;
	[tilespmem:$0x10600] =	vst v63  }
0x119: {  	s0 =	sand.u32 $0x1FFFFFF0, s30;
	s3 =	spop (v2sf);
	(v2sf) =	vpush v2, $0xC  }
0x11a: {  	s31 =	sadd.s32 $0x880, s15;
	s0 =	sadd.s32 s11, s0  }
0x11b: {  	[tilespmem:s31], [sflag:$0x1] =	stream.linear.gather [hbm4b:s0+s12], $0x80, $0x38;
	[tilespmem:$0x10600] =	vst v63  }
0x11c: {  	s0 =	sand.u32 $0x1FFFFFF0, s1  }
0x11d: {  	s2 =	sadd.s32 $0x8880, s15;
	s0 =	sadd.s32 s14, s0  }
0x11e: {  	[tilespmem:s2], [sflag:$0x2] =	stream.linear.gather [hbm4b:s0+s12], $0x80, $0x38;
	[tilespmem:$0x10600] =	vst v63  }
0x11f: {  	s5 =	spop (v2sf);
	(v2sf) =	vpush v1, $0xC  }
0x120: {  	s0 =	sand.u32 $0x1FFFFFF0, s3  }
0x121: {  	s4 =	sadd.s32 $0x900, s15;
	s0 =	sadd.s32 s11, s0;
	s7 =	spop (v2sf);
	(v2sf) =	vpush v2, $0xD  }
0x122: {  	[tilespmem:s4], [sflag:$0x1] =	stream.linear.gather [hbm4b:s0+s12], $0x80, $0x38;
	[tilespmem:$0x10600] =	vst v63  }
0x123: {  	s9 =	spop (v2sf);
	(v2sf) =	vpush v1, $0xD  }
0x124: {  	s0 =	sand.u32 $0x1FFFFFF0, s5  }
0x125: {  	s6 =	sadd.s32 $0x8900, s15;
	s0 =	sadd.s32 s14, s0  }
0x126: {  	[tilespmem:s6], [sflag:$0x2] =	stream.linear.gather [hbm4b:s0+s12], $0x80, $0x38;
	[tilespmem:$0x10600] =	vst v63  }
0x127: {  	s0 =	sand.u32 $0x1FFFFFF0, s7  }
0x128: {  	s8 =	sadd.s32 $0x980, s15;
	s13 =	spop (v2sf);
	s0 =	sadd.s32 s11, s0  }
0x129: {  	(v2sf) =	vpush v2, $0xE;
	[tilespmem:s8], [sflag:$0x1] =	stream.linear.gather [hbm4b:s0+s12], $0x80, $0x38;
	[tilespmem:$0x10600] =	vst v63  }
0x12a: {  	s0 =	sand.u32 $0x1FFFFFF0, s9  }
0x12b: {  	s10 =	sadd.s32 $0x8980, s15;
	s0 =	sadd.s32 s14, s0  }
0x12c: {  	[tilespmem:s10], [sflag:$0x2] =	stream.linear.gather [hbm4b:s0+s12], $0x80, $0x38;
	[tilespmem:$0x10600] =	vst v63  }
0x12d: {  	s0 =	sand.u32 $0x1FFFFFF0, s13  }
0x12e: {  	s16 =	sadd.s32 $0xA00, s15;
	s0 =	sadd.s32 s11, s0;
	s17 =	spop (v2sf);
	(v2sf) =	vpush v1, $0xE  }
0x12f: {  	[tilespmem:s16], [sflag:$0x1] =	stream.linear.gather [hbm4b:s0+s12], $0x80, $0x38;
	[tilespmem:$0x10600] =	vst v63  }
0x130: {  	s19 =	spop (v2sf);
	(v2sf) =	vpush v2, $0xF  }
0x131: {  	s0 =	sand.u32 $0x1FFFFFF0, s17  }
0x132: {  	s18 =	sadd.s32 $0x8A00, s15;
	s0 =	sadd.s32 s14, s0;
	s21 =	spop (v2sf)  }
0x133: {  	(v2sf) =	vpush v1, $0xF;
	[tilespmem:s18], [sflag:$0x2] =	stream.linear.gather [hbm4b:s0+s12], $0x80, $0x38;
	[tilespmem:$0x10600] =	vst v63  }
0x134: {  	s0 =	sand.u32 $0x1FFFFFF0, s19  }
0x135: {  	s20 =	sadd.s32 $0xA80, s15;
	s0 =	sadd.s32 s11, s0  }
0x136: {  	[tilespmem:s20], [sflag:$0x1] =	stream.linear.gather [hbm4b:s0+s12], $0x80, $0x38;
	[tilespmem:$0x10600] =	vst v63  }
0x137: {  	s0 =	sand.u32 $0x1FFFFFF0, s21  }
0x138: {  	s22 =	sadd.s32 $0x8A80, s15;
	s23 =	spop (v2sf);
	s0 =	sadd.s32 s14, s0  }
0x139: {  	[tilespmem:s22], [sflag:$0x2] =	stream.linear.gather [hbm4b:s0+s12], $0x80, $0x38;
	[tilespmem:$0x10600] =	vst v63  }
0x13a: {  	s0 =	sand.u32 $0x1FFFFFF0, s23  }
0x13b: {  	s24 =	sadd.s32 $0xB00, s15;
	s0 =	sadd.s32 s11, s0  }
0x13c: {  	[tilespmem:s24], [sflag:$0x1] =	stream.linear.gather [hbm4b:s0+s12], $0x80, $0x38;
	[tilespmem:$0x10600] =	vst v63  }
0x13d: {  	s25 =	spop (v2sf)  }
0x13e: {  	s0 =	sand.u32 $0x1FFFFFF0, s25  }
0x13f: {  	s26 =	sadd.s32 $0x8B00, s15;
	s28 =	spop (v2sf);
	s0 =	sadd.s32 s14, s0  }
0x140: {  	[tilespmem:s26], [sflag:$0x2] =	stream.linear.gather [hbm4b:s0+s12], $0x80, $0x38;
	[tilespmem:$0x10600] =	vst v63  }
0x141: {  	s0 =	sand.u32 $0x1FFFFFF0, s28  }
0x142: {  	s29 =	sadd.s32 $0xB80, s15;
	s30 =	spop (v2sf);
	s0 =	sadd.s32 s11, s0  }
0x143: {  	[tilespmem:s29], [sflag:$0x1] =	stream.linear.gather [hbm4b:s0+s12], $0x80, $0x38;
	[tilespmem:$0x10600] =	vst v63  }
0x144: {  	s0 =	sand.u32 $0x1FFFFFF0, s30  }
0x145: {  	s31 =	sadd.s32 $0x8B80, s15;
	s1 =	simm.s32 $0x1;
	s0 =	sadd.s32 s14, s0  }
0x146: {  	[tilespmem:s31], [sflag:$0x2] =	stream.linear.gather [hbm4b:s0+s12], $0x80, $0x38;
	[tilespmem:$0x10600] =	vst v63  }
0x147: {  	_ =	swait.ge [sflag:s1], $0x80  }
0x148: {  	[sflag:s1] =	ssyncset.done $0x0  }
0x149: {  	s2 =	simm.s32 $0x2;
	[sflag:s1] =	ssyncadd.s32 $0xFFFFFF80  }
0x14a: {  	_ =	swait.ge [sflag:s2], $0x80  }
0x14b: {  	s0 =	simm.s32 $0xFF;
	[sflag:s2] =	ssyncset.done $0x0  }
.LBB2_4:
0x14c: {  	p0 =	sne.s32 s0, $0x1;
	s0 =	sadd.s32 $0xFFFFFFFF, s0;
	[sflag:s2] =	ssyncadd.s32 $0xFFFFFF80  }
.Ltmp1:
0x14d: {  	_ =	swait.ge [sflag:s1], $0x80;
	(pc) =	sbr.rel @p0 .LBB2_4-.Ltmp1, $4  }
0x14e: {  	[sflag:s1] =	ssyncset.done $0x0  }
0x14f: {  	[sflag:s1] =	ssyncadd.s32 $0xFFFFFF80  }
0x150: {  	_ =	swait.ge [sflag:s2], $0x80  }
0x151: {  	[sflag:s2] =	ssyncset.done $0x0  }
0x152: {  	s16 =	simm.s32 $0x0  }
0x153: {  	v1 =	vmov s16  }
0x154: {  	v1 =	vshll.u32 v1, $0x7  }
0x155: {  	v1 =	vor.u32 v0, v1;
	_ =	sdelay $0x1  }
0x156: {  	v2 =	vor.u32 $0x1, v1;
	_ =	sdelay $0x1  }
0x157: {  	[sflag:s2] =	ssyncadd.s32 $0xFFFFFF80;
	s2 =	simm.s32 $0x8400;
	v3 =	vor.u32 $0x2, v1  }
0x158: {  	s1 =	simm.s32 $0x400;
	v4 =	vld.idx.msk [tilespmem:v1+s2+$0x0], $0xffff  }
0x159: {  	v6 =	vor.u32 $0x3, v1;
	v5 =	vld.idx.msk [tilespmem:v1+s1+$0x0], $0xffff  }
0x15a: {  	v7 =	vld.idx.msk [tilespmem:v2+s1+$0x0], $0xffff  }
0x15b: {  	v8 =	vor.u32 $0x4, v1;
	v2 =	vld.idx.msk [tilespmem:v2+s2+$0x0], $0xffff  }
0x15c: {  	v9 =	vld.idx.msk [tilespmem:v3+s1+$0x0], $0xffff  }
0x15d: {  	v10 =	vor.u32 $0x5, v1;
	v3 =	vld.idx.msk [tilespmem:v3+s2+$0x0], $0xffff  }
0x15e: {  	v11 =	vld.idx.msk [tilespmem:v6+s1+$0x0], $0xffff;
	v4 =	vmul.f32 v4, v5  }
0x15f: {  	v5 =	vld.idx.msk [tilespmem:v6+s2+$0x0], $0xffff;
	v6 =	vor.u32 $0x6, v1  }
0x160: {  	v12 =	vld.idx.msk [tilespmem:v8+s1+$0x0], $0xffff;
	v2 =	vmul.f32 v2, v7;
	v4 =	vadd.f32 $0.0e+00, v4  }
0x161: {  	v25 =	vor.u32 $0x7, v1;
	v7 =	vld.idx.msk [tilespmem:v8+s2+$0x0], $0xffff  }
0x162: {  	v13 =	vld.idx.msk [tilespmem:v10+s1+$0x0], $0xffff;
	v3 =	vmul.f32 v3, v9;
	v2 =	vadd.f32 v2, v4  }
0x163: {  	v26 =	vor.u32 $0x8, v1;
	v4 =	vld.idx.msk [tilespmem:v10+s2+$0x0], $0xffff  }
0x164: {  	v27 =	vld.idx.msk [tilespmem:v6+s1+$0x0], $0xffff;
	v2 =	vadd.f32 v3, v2;
	v3 =	vmul.f32 v5, v11  }
0x165: {  	v5 =	vld.idx.msk [tilespmem:v6+s2+$0x0], $0xffff;
	v6 =	vor.u32 $0x9, v1  }
0x166: {  	v28 =	vld.idx.msk [tilespmem:v25+s1+$0x0], $0xffff;
	v2 =	vadd.f32 v3, v2;
	v3 =	vmul.f32 v7, v12  }
0x167: {  	v29 =	vor.u32 $0xA, v1;
	v7 =	vld.idx.msk [tilespmem:v25+s2+$0x0], $0xffff  }
0x168: {  	v30 =	vld.idx.msk [tilespmem:v26+s1+$0x0], $0xffff;
	v2 =	vadd.f32 v3, v2;
	v3 =	vmul.f32 v4, v13  }
0x169: {  	v31 =	vor.u32 $0xB, v1;
	v4 =	vld.idx.msk [tilespmem:v26+s2+$0x0], $0xffff  }
0x16a: {  	v32 =	vld.idx.msk [tilespmem:v6+s1+$0x0], $0xffff;
	v2 =	vadd.f32 v3, v2;
	v3 =	vmul.f32 v5, v27  }
0x16b: {  	v5 =	vld.idx.msk [tilespmem:v6+s2+$0x0], $0xffff;
	v6 =	vor.u32 $0xC, v1  }
0x16c: {  	v33 =	vld.idx.msk [tilespmem:v29+s1+$0x0], $0xffff;
	v2 =	vadd.f32 v3, v2;
	v3 =	vmul.f32 v7, v28  }
0x16d: {  	v34 =	vor.u32 $0xD, v1;
	v7 =	vld.idx.msk [tilespmem:v29+s2+$0x0], $0xffff  }
0x16e: {  	v35 =	vld.idx.msk [tilespmem:v31+s1+$0x0], $0xffff;
	v2 =	vadd.f32 v3, v2;
	v3 =	vmul.f32 v4, v30  }
0x16f: {  	v36 =	vor.u32 $0xE, v1;
	v4 =	vld.idx.msk [tilespmem:v31+s2+$0x0], $0xffff  }
0x170: {  	v37 =	vld.idx.msk [tilespmem:v6+s1+$0x0], $0xffff;
	v2 =	vadd.f32 v3, v2;
	v3 =	vmul.f32 v5, v32  }
0x171: {  	v5 =	vld.idx.msk [tilespmem:v6+s2+$0x0], $0xffff;
	v6 =	vor.u32 $0xF, v1  }
0x172: {  	v38 =	vld.idx.msk [tilespmem:v34+s1+$0x0], $0xffff;
	v2 =	vadd.f32 v3, v2;
	v3 =	vmul.f32 v7, v33  }
0x173: {  	v39 =	vor.u32 $0x10, v1;
	v7 =	vld.idx.msk [tilespmem:v34+s2+$0x0], $0xffff  }
0x174: {  	v40 =	vld.idx.msk [tilespmem:v36+s1+$0x0], $0xffff;
	v2 =	vadd.f32 v3, v2;
	v3 =	vmul.f32 v4, v35  }
0x175: {  	v41 =	vor.u32 $0x11, v1;
	v4 =	vld.idx.msk [tilespmem:v36+s2+$0x0], $0xffff  }
0x176: {  	v42 =	vld.idx.msk [tilespmem:v6+s1+$0x0], $0xffff;
	v2 =	vadd.f32 v3, v2;
	v3 =	vmul.f32 v5, v37  }
0x177: {  	v5 =	vld.idx.msk [tilespmem:v6+s2+$0x0], $0xffff;
	v6 =	vor.u32 $0x12, v1  }
0x178: {  	v43 =	vld.idx.msk [tilespmem:v39+s1+$0x0], $0xffff;
	v2 =	vadd.f32 v3, v2;
	v3 =	vmul.f32 v7, v38  }
0x179: {  	v44 =	vor.u32 $0x13, v1;
	v7 =	vld.idx.msk [tilespmem:v39+s2+$0x0], $0xffff  }
0x17a: {  	v45 =	vld.idx.msk [tilespmem:v41+s1+$0x0], $0xffff;
	v2 =	vadd.f32 v3, v2;
	v3 =	vmul.f32 v4, v40  }
0x17b: {  	v46 =	vor.u32 $0x14, v1;
	v4 =	vld.idx.msk [tilespmem:v41+s2+$0x0], $0xffff  }
0x17c: {  	v47 =	vld.idx.msk [tilespmem:v6+s1+$0x0], $0xffff;
	v2 =	vadd.f32 v3, v2;
	v3 =	vmul.f32 v5, v42  }
0x17d: {  	v5 =	vld.idx.msk [tilespmem:v6+s2+$0x0], $0xffff;
	v6 =	vor.u32 $0x15, v1  }
0x17e: {  	v48 =	vld.idx.msk [tilespmem:v44+s1+$0x0], $0xffff;
	v2 =	vadd.f32 v3, v2;
	v3 =	vmul.f32 v7, v43  }
0x17f: {  	v49 =	vor.u32 $0x16, v1;
	v7 =	vld.idx.msk [tilespmem:v44+s2+$0x0], $0xffff  }
0x180: {  	v50 =	vld.idx.msk [tilespmem:v46+s1+$0x0], $0xffff;
	v2 =	vadd.f32 v3, v2;
	v3 =	vmul.f32 v4, v45  }
0x181: {  	v51 =	vor.u32 $0x17, v1;
	v4 =	vld.idx.msk [tilespmem:v46+s2+$0x0], $0xffff  }
0x182: {  	v52 =	vld.idx.msk [tilespmem:v6+s1+$0x0], $0xffff;
	v2 =	vadd.f32 v3, v2;
	v3 =	vmul.f32 v5, v47  }
0x183: {  	v5 =	vld.idx.msk [tilespmem:v6+s2+$0x0], $0xffff;
	v6 =	vor.u32 $0x18, v1  }
0x184: {  	v53 =	vld.idx.msk [tilespmem:v49+s1+$0x0], $0xffff;
	v2 =	vadd.f32 v3, v2;
	v3 =	vmul.f32 v7, v48  }
0x185: {  	v54 =	vor.u32 $0x19, v1;
	v7 =	vld.idx.msk [tilespmem:v49+s2+$0x0], $0xffff  }
0x186: {  	v55 =	vld.idx.msk [tilespmem:v51+s1+$0x0], $0xffff;
	v2 =	vadd.f32 v3, v2;
	v3 =	vmul.f32 v4, v50  }
0x187: {  	v56 =	vor.u32 $0x1A, v1;
	v4 =	vld.idx.msk [tilespmem:v51+s2+$0x0], $0xffff  }
0x188: {  	v57 =	vld.idx.msk [tilespmem:v6+s1+$0x0], $0xffff;
	v2 =	vadd.f32 v3, v2;
	v3 =	vmul.f32 v5, v52  }
0x189: {  	v5 =	vld.idx.msk [tilespmem:v6+s2+$0x0], $0xffff;
	v6 =	vor.u32 $0x1B, v1  }
0x18a: {  	v58 =	vld.idx.msk [tilespmem:v54+s1+$0x0], $0xffff;
	v2 =	vadd.f32 v3, v2;
	v3 =	vmul.f32 v7, v53  }
0x18b: {  	v59 =	vor.u32 $0x1C, v1;
	v7 =	vld.idx.msk [tilespmem:v54+s2+$0x0], $0xffff  }
0x18c: {  	v60 =	vld.idx.msk [tilespmem:v56+s1+$0x0], $0xffff;
	v2 =	vadd.f32 v3, v2;
	v3 =	vmul.f32 v4, v55  }
0x18d: {  	v61 =	vor.u32 $0x1D, v1;
	v4 =	vld.idx.msk [tilespmem:v56+s2+$0x0], $0xffff  }
0x18e: {  	v62 =	vld.idx.msk [tilespmem:v6+s1+$0x0], $0xffff;
	v2 =	vadd.f32 v3, v2;
	v3 =	vmul.f32 v5, v57  }
0x18f: {  	v5 =	vld.idx.msk [tilespmem:v6+s2+$0x0], $0xffff;
	v6 =	vor.u32 $0x1E, v1  }
0x190: {  	v63 =	vld.idx.msk [tilespmem:v59+s1+$0x0], $0xffff;
	v2 =	vadd.f32 v3, v2;
	v3 =	vmul.f32 v7, v58  }
0x191: {  	v1 =	vor.u32 $0x1F, v1;
	v7 =	vld.idx.msk [tilespmem:v59+s2+$0x0], $0xffff  }
0x192: {  	v15 =	vld.idx.msk [tilespmem:v61+s1+$0x0], $0xffff;
	v2 =	vadd.f32 v3, v2;
	v3 =	vmul.f32 v4, v60  }
0x193: {  	v4 =	vld.idx.msk [tilespmem:v61+s2+$0x0], $0xffff  }
0x194: {  	v16 =	vld.idx.msk [tilespmem:v6+s1+$0x0], $0xffff;
	v2 =	vadd.f32 v3, v2;
	v3 =	vmul.f32 v5, v62  }
0x195: {  	v5 =	vld.idx.msk [tilespmem:v6+s2+$0x0], $0xffff  }
0x196: {  	v6 =	vld.idx.msk [tilespmem:v1+s1+$0x0], $0xffff;
	v2 =	vadd.f32 v3, v2;
	v3 =	vmul.f32 v7, v63  }
0x197: {  	v7 =	vld.idx.msk [tilespmem:v1+s2+$0x0], $0xffff  }
0x198: {  	v1 =	vadd.f32 v3, v2;
	v2 =	vmul.f32 v4, v15  }
0x199: {  	s9 =	simm.s32 $0x10  }
0x19a: {  	v3 =	vmov s9;
	v4 =	vmul.f32 v5, v16;
	v2 =	vadd.f32 v2, v1  }
0x19b: {  	v1 =	vshll.u32 v3, $0x7  }
0x19c: {  	v1 =	vor.u32 v0, v1;
	v3 =	vmul.f32 v7, v6;
	v2 =	vadd.f32 v4, v2;
	_ =	sdelay $0x1  }
0x19d: {  	v4 =	vor.u32 $0x1, v1;
	v2 =	vadd.f32 v3, v2  }
0x19e: {  	s17 =	simm.s32 $0x10400  }
0x19f: {  	v3 =	vor.u32 $0x2, v1;
	[tilespmem:s17+$0x0] =	vst v2  }
0x1a0: {  	v2 =	vld.idx.msk [tilespmem:v1+s2+$0x0], $0xffff  }
0x1a1: {  	v6 =	vor.u32 $0x3, v1;
	v5 =	vld.idx.msk [tilespmem:v1+s1+$0x0], $0xffff  }
0x1a2: {  	v7 =	vld.idx.msk [tilespmem:v4+s1+$0x0], $0xffff  }
0x1a3: {  	v17 =	vor.u32 $0x4, v1;
	v4 =	vld.idx.msk [tilespmem:v4+s2+$0x0], $0xffff  }
0x1a4: {  	v18 =	vld.idx.msk [tilespmem:v3+s1+$0x0], $0xffff  }
0x1a5: {  	v19 =	vor.u32 $0x5, v1;
	v3 =	vld.idx.msk [tilespmem:v3+s2+$0x0], $0xffff  }
0x1a6: {  	v20 =	vld.idx.msk [tilespmem:v6+s1+$0x0], $0xffff;
	v2 =	vmul.f32 v2, v5  }
0x1a7: {  	v5 =	vld.idx.msk [tilespmem:v6+s2+$0x0], $0xffff;
	v6 =	vor.u32 $0x6, v1  }
0x1a8: {  	v21 =	vld.idx.msk [tilespmem:v17+s1+$0x0], $0xffff;
	v4 =	vmul.f32 v4, v7;
	v2 =	vadd.f32 $0.0e+00, v2  }
0x1a9: {  	v22 =	vor.u32 $0x7, v1;
	v7 =	vld.idx.msk [tilespmem:v17+s2+$0x0], $0xffff  }
0x1aa: {  	v23 =	vld.idx.msk [tilespmem:v19+s1+$0x0], $0xffff;
	v3 =	vmul.f32 v3, v18;
	v2 =	vadd.f32 v4, v2  }
0x1ab: {  	v24 =	vor.u32 $0x8, v1;
	v4 =	vld.idx.msk [tilespmem:v19+s2+$0x0], $0xffff  }
0x1ac: {  	v25 =	vld.idx.msk [tilespmem:v6+s1+$0x0], $0xffff;
	v2 =	vadd.f32 v3, v2;
	v3 =	vmul.f32 v5, v20  }
0x1ad: {  	v5 =	vld.idx.msk [tilespmem:v6+s2+$0x0], $0xffff;
	v6 =	vor.u32 $0x9, v1  }
0x1ae: {  	v26 =	vld.idx.msk [tilespmem:v22+s1+$0x0], $0xffff;
	v2 =	vadd.f32 v3, v2;
	v3 =	vmul.f32 v7, v21  }
0x1af: {  	v27 =	vor.u32 $0xA, v1;
	v7 =	vld.idx.msk [tilespmem:v22+s2+$0x0], $0xffff  }
0x1b0: {  	v28 =	vld.idx.msk [tilespmem:v24+s1+$0x0], $0xffff;
	v2 =	vadd.f32 v3, v2;
	v3 =	vmul.f32 v4, v23  }
0x1b1: {  	v29 =	vor.u32 $0xB, v1;
	v4 =	vld.idx.msk [tilespmem:v24+s2+$0x0], $0xffff  }
0x1b2: {  	v30 =	vld.idx.msk [tilespmem:v6+s1+$0x0], $0xffff;
	v2 =	vadd.f32 v3, v2;
	v3 =	vmul.f32 v5, v25  }
0x1b3: {  	v5 =	vld.idx.msk [tilespmem:v6+s2+$0x0], $0xffff;
	v6 =	vor.u32 $0xC, v1  }
0x1b4: {  	v31 =	vld.idx.msk [tilespmem:v27+s1+$0x0], $0xffff;
	v2 =	vadd.f32 v3, v2;
	v3 =	vmul.f32 v7, v26  }
0x1b5: {  	v32 =	vor.u32 $0xD, v1;
	v7 =	vld.idx.msk [tilespmem:v27+s2+$0x0], $0xffff  }
0x1b6: {  	v33 =	vld.idx.msk [tilespmem:v29+s1+$0x0], $0xffff;
	v2 =	vadd.f32 v3, v2;
	v3 =	vmul.f32 v4, v28  }
0x1b7: {  	v34 =	vor.u32 $0xE, v1;
	v4 =	vld.idx.msk [tilespmem:v29+s2+$0x0], $0xffff  }
0x1b8: {  	v35 =	vld.idx.msk [tilespmem:v6+s1+$0x0], $0xffff;
	v2 =	vadd.f32 v3, v2;
	v3 =	vmul.f32 v5, v30  }
0x1b9: {  	v5 =	vld.idx.msk [tilespmem:v6+s2+$0x0], $0xffff;
	v6 =	vor.u32 $0xF, v1  }
0x1ba: {  	v36 =	vld.idx.msk [tilespmem:v32+s1+$0x0], $0xffff;
	v2 =	vadd.f32 v3, v2;
	v3 =	vmul.f32 v7, v31  }
0x1bb: {  	v37 =	vor.u32 $0x10, v1;
	v7 =	vld.idx.msk [tilespmem:v32+s2+$0x0], $0xffff  }
0x1bc: {  	v38 =	vld.idx.msk [tilespmem:v34+s1+$0x0], $0xffff;
	v2 =	vadd.f32 v3, v2;
	v3 =	vmul.f32 v4, v33  }
0x1bd: {  	v39 =	vor.u32 $0x11, v1;
	v4 =	vld.idx.msk [tilespmem:v34+s2+$0x0], $0xffff  }
0x1be: {  	v40 =	vld.idx.msk [tilespmem:v6+s1+$0x0], $0xffff;
	v2 =	vadd.f32 v3, v2;
	v3 =	vmul.f32 v5, v35  }
0x1bf: {  	v5 =	vld.idx.msk [tilespmem:v6+s2+$0x0], $0xffff;
	v6 =	vor.u32 $0x12, v1  }
0x1c0: {  	v41 =	vld.idx.msk [tilespmem:v37+s1+$0x0], $0xffff;
	v2 =	vadd.f32 v3, v2;
	v3 =	vmul.f32 v7, v36  }
0x1c1: {  	v42 =	vor.u32 $0x13, v1;
	v7 =	vld.idx.msk [tilespmem:v37+s2+$0x0], $0xffff  }
0x1c2: {  	v43 =	vld.idx.msk [tilespmem:v39+s1+$0x0], $0xffff;
	v2 =	vadd.f32 v3, v2;
	v3 =	vmul.f32 v4, v38  }
0x1c3: {  	v44 =	vor.u32 $0x14, v1;
	v4 =	vld.idx.msk [tilespmem:v39+s2+$0x0], $0xffff  }
0x1c4: {  	v45 =	vld.idx.msk [tilespmem:v6+s1+$0x0], $0xffff;
	v2 =	vadd.f32 v3, v2;
	v3 =	vmul.f32 v5, v40  }
0x1c5: {  	v5 =	vld.idx.msk [tilespmem:v6+s2+$0x0], $0xffff;
	v6 =	vor.u32 $0x15, v1  }
0x1c6: {  	v46 =	vld.idx.msk [tilespmem:v42+s1+$0x0], $0xffff;
	v2 =	vadd.f32 v3, v2;
	v3 =	vmul.f32 v7, v41  }
0x1c7: {  	v47 =	vor.u32 $0x16, v1;
	v7 =	vld.idx.msk [tilespmem:v42+s2+$0x0], $0xffff  }
0x1c8: {  	v48 =	vld.idx.msk [tilespmem:v44+s1+$0x0], $0xffff;
	v2 =	vadd.f32 v3, v2;
	v3 =	vmul.f32 v4, v43  }
0x1c9: {  	v49 =	vor.u32 $0x17, v1;
	v4 =	vld.idx.msk [tilespmem:v44+s2+$0x0], $0xffff  }
0x1ca: {  	v50 =	vld.idx.msk [tilespmem:v6+s1+$0x0], $0xffff;
	v2 =	vadd.f32 v3, v2;
	v3 =	vmul.f32 v5, v45  }
0x1cb: {  	v5 =	vld.idx.msk [tilespmem:v6+s2+$0x0], $0xffff;
	v6 =	vor.u32 $0x18, v1  }
0x1cc: {  	v51 =	vld.idx.msk [tilespmem:v47+s1+$0x0], $0xffff;
	v2 =	vadd.f32 v3, v2;
	v3 =	vmul.f32 v7, v46  }
0x1cd: {  	v52 =	vor.u32 $0x19, v1;
	v7 =	vld.idx.msk [tilespmem:v47+s2+$0x0], $0xffff  }
0x1ce: {  	v53 =	vld.idx.msk [tilespmem:v49+s1+$0x0], $0xffff;
	v2 =	vadd.f32 v3, v2;
	v3 =	vmul.f32 v4, v48  }
0x1cf: {  	v54 =	vor.u32 $0x1A, v1;
	v4 =	vld.idx.msk [tilespmem:v49+s2+$0x0], $0xffff  }
0x1d0: {  	v55 =	vld.idx.msk [tilespmem:v6+s1+$0x0], $0xffff;
	v2 =	vadd.f32 v3, v2;
	v3 =	vmul.f32 v5, v50  }
0x1d1: {  	v5 =	vld.idx.msk [tilespmem:v6+s2+$0x0], $0xffff;
	v6 =	vor.u32 $0x1B, v1  }
0x1d2: {  	v56 =	vld.idx.msk [tilespmem:v52+s1+$0x0], $0xffff;
	v2 =	vadd.f32 v3, v2;
	v3 =	vmul.f32 v7, v51  }
0x1d3: {  	v57 =	vor.u32 $0x1C, v1;
	v7 =	vld.idx.msk [tilespmem:v52+s2+$0x0], $0xffff  }
0x1d4: {  	v58 =	vld.idx.msk [tilespmem:v54+s1+$0x0], $0xffff;
	v2 =	vadd.f32 v3, v2;
	v3 =	vmul.f32 v4, v53  }
0x1d5: {  	v4 =	vld.idx.msk [tilespmem:v54+s2+$0x0], $0xffff  }
0x1d6: {  	v60 =	vld.idx.msk [tilespmem:v6+s1+$0x0], $0xffff;
	v2 =	vadd.f32 v3, v2;
	v3 =	vmul.f32 v5, v55  }
0x1d7: {  	v59 =	vor.u32 $0x1D, v1;
	v5 =	vld.idx.msk [tilespmem:v6+s2+$0x0], $0xffff  }
0x1d8: {  	v61 =	vld.idx.msk [tilespmem:v57+s1+$0x0], $0xffff;
	v2 =	vadd.f32 v3, v2;
	v3 =	vmul.f32 v7, v56  }
0x1d9: {  	v6 =	vor.u32 $0x1E, v1;
	v7 =	vld.idx.msk [tilespmem:v57+s2+$0x0], $0xffff  }
0x1da: {  	v2 =	vadd.f32 v3, v2;
	v3 =	vmul.f32 v4, v58  }
0x1db: {  	v1 =	vor.u32 $0x1F, v1  }
0x1dc: {  	v62 =	vld.idx.msk [tilespmem:v59+s1+$0x0], $0xffff;
	v2 =	vadd.f32 v3, v2;
	v3 =	vmul.f32 v5, v60  }
0x1dd: {  	v4 =	vld.idx.msk [tilespmem:v59+s2+$0x0], $0xffff  }
0x1de: {  	v63 =	vld.idx.msk [tilespmem:v6+s1+$0x0], $0xffff;
	v2 =	vadd.f32 v3, v2;
	v3 =	vmul.f32 v7, v61  }
0x1df: {  	v5 =	vld.idx.msk [tilespmem:v6+s2+$0x0], $0xffff  }
0x1e0: {  	v6 =	vadd.f32 v3, v2;
	v2 =	vld.idx.msk [tilespmem:v1+s1+$0x0], $0xffff  }
0x1e1: {  	v3 =	vld.idx.msk [tilespmem:v1+s2+$0x0], $0xffff  }
0x1e2: {  	v4 =	vmul.f32 v4, v62  }
0x1e3: {  	s0 =	simm.s32 $0x20  }
0x1e4: {  	v7 =	vmov s0;
	v5 =	vmul.f32 v5, v63;
	v4 =	vadd.f32 v4, v6  }
0x1e5: {  	s18 =	simm.s32 $0x30;
	v1 =	vshll.u32 v7, $0x7  }
.LBB2_6:
0x1e6: {  	p0 =	sne.s32 s18, $0xF0;
	v1 =	vor.u32 v0, v1;
	v4 =	vadd.f32 v5, v4;
	v2 =	vmul.f32 v3, v2;
	_ =	sdelay $0x1  }
0x1e7: {  	v3 =	vor.u32 $0x1, v1;
	v2 =	vadd.f32 v2, v4  }
0x1e8: {  	s17 =	sadd.s32 $0x10, s17  }
0x1e9: {  	v4 =	vor.u32 $0x2, v1;
	[tilespmem:s17+$0x0] =	vst v2  }
0x1ea: {  	v2 =	vld.idx.msk [tilespmem:v1+s2+$0x0], $0xffff  }
0x1eb: {  	v6 =	vor.u32 $0x3, v1;
	v5 =	vld.idx.msk [tilespmem:v1+s1+$0x0], $0xffff  }
0x1ec: {  	v7 =	vld.idx.msk [tilespmem:v3+s1+$0x0], $0xffff  }
0x1ed: {  	v8 =	vor.u32 $0x4, v1;
	v3 =	vld.idx.msk [tilespmem:v3+s2+$0x0], $0xffff  }
0x1ee: {  	v9 =	vld.idx.msk [tilespmem:v4+s1+$0x0], $0xffff  }
0x1ef: {  	v10 =	vor.u32 $0x5, v1;
	v4 =	vld.idx.msk [tilespmem:v4+s2+$0x0], $0xffff  }
0x1f0: {  	v11 =	vld.idx.msk [tilespmem:v6+s1+$0x0], $0xffff  }
0x1f1: {  	v2 =	vmul.f32 v2, v5;
	v5 =	vld.idx.msk [tilespmem:v6+s2+$0x0], $0xffff;
	v6 =	vor.u32 $0x6, v1  }
0x1f2: {  	v12 =	vld.idx.msk [tilespmem:v8+s1+$0x0], $0xffff  }
0x1f3: {  	v2 =	vadd.f32 $0.0e+00, v2;
	v3 =	vmul.f32 v3, v7;
	v7 =	vld.idx.msk [tilespmem:v8+s2+$0x0], $0xffff;
	v8 =	vor.u32 $0x7, v1  }
0x1f4: {  	v13 =	vld.idx.msk [tilespmem:v10+s1+$0x0], $0xffff  }
0x1f5: {  	v2 =	vadd.f32 v3, v2;
	v3 =	vmul.f32 v4, v9;
	v9 =	vor.u32 $0x8, v1;
	v4 =	vld.idx.msk [tilespmem:v10+s2+$0x0], $0xffff  }
0x1f6: {  	v10 =	vld.idx.msk [tilespmem:v6+s1+$0x0], $0xffff  }
0x1f7: {  	v2 =	vadd.f32 v3, v2;
	v3 =	vmul.f32 v5, v11;
	v5 =	vld.idx.msk [tilespmem:v6+s2+$0x0], $0xffff;
	v6 =	vor.u32 $0x9, v1  }
0x1f8: {  	v11 =	vld.idx.msk [tilespmem:v8+s1+$0x0], $0xffff  }
0x1f9: {  	v2 =	vadd.f32 v3, v2;
	v3 =	vmul.f32 v7, v12;
	v7 =	vld.idx.msk [tilespmem:v8+s2+$0x0], $0xffff;
	v8 =	vor.u32 $0xA, v1  }
0x1fa: {  	v12 =	vld.idx.msk [tilespmem:v9+s1+$0x0], $0xffff  }
0x1fb: {  	v2 =	vadd.f32 v3, v2;
	v3 =	vmul.f32 v4, v13;
	v4 =	vld.idx.msk [tilespmem:v9+s2+$0x0], $0xffff;
	v9 =	vor.u32 $0xB, v1  }
0x1fc: {  	v13 =	vld.idx.msk [tilespmem:v6+s1+$0x0], $0xffff  }
0x1fd: {  	v2 =	vadd.f32 v3, v2;
	v3 =	vmul.f32 v5, v10;
	v5 =	vld.idx.msk [tilespmem:v6+s2+$0x0], $0xffff;
	v6 =	vor.u32 $0xC, v1  }
0x1fe: {  	v10 =	vld.idx.msk [tilespmem:v8+s1+$0x0], $0xffff  }
0x1ff: {  	v2 =	vadd.f32 v3, v2;
	v3 =	vmul.f32 v7, v11;
	v7 =	vld.idx.msk [tilespmem:v8+s2+$0x0], $0xffff;
	v8 =	vor.u32 $0xD, v1  }
0x200: {  	v11 =	vld.idx.msk [tilespmem:v9+s1+$0x0], $0xffff  }
0x201: {  	v2 =	vadd.f32 v3, v2;
	v3 =	vmul.f32 v4, v12;
	v4 =	vld.idx.msk [tilespmem:v9+s2+$0x0], $0xffff;
	v9 =	vor.u32 $0xE, v1  }
0x202: {  	v12 =	vld.idx.msk [tilespmem:v6+s1+$0x0], $0xffff  }
0x203: {  	v2 =	vadd.f32 v3, v2;
	v3 =	vmul.f32 v5, v13;
	v5 =	vld.idx.msk [tilespmem:v6+s2+$0x0], $0xffff;
	v6 =	vor.u32 $0xF, v1  }
0x204: {  	v13 =	vld.idx.msk [tilespmem:v8+s1+$0x0], $0xffff  }
0x205: {  	v2 =	vadd.f32 v3, v2;
	v3 =	vmul.f32 v7, v10;
	v7 =	vld.idx.msk [tilespmem:v8+s2+$0x0], $0xffff;
	v8 =	vor.u32 $0x10, v1  }
0x206: {  	v10 =	vld.idx.msk [tilespmem:v9+s1+$0x0], $0xffff  }
0x207: {  	v2 =	vadd.f32 v3, v2;
	v3 =	vmul.f32 v4, v11;
	v4 =	vld.idx.msk [tilespmem:v9+s2+$0x0], $0xffff;
	v9 =	vor.u32 $0x11, v1  }
0x208: {  	v11 =	vld.idx.msk [tilespmem:v6+s1+$0x0], $0xffff  }
0x209: {  	v2 =	vadd.f32 v3, v2;
	v3 =	vmul.f32 v5, v12;
	v5 =	vld.idx.msk [tilespmem:v6+s2+$0x0], $0xffff;
	v6 =	vor.u32 $0x12, v1  }
0x20a: {  	v12 =	vld.idx.msk [tilespmem:v8+s1+$0x0], $0xffff  }
0x20b: {  	v2 =	vadd.f32 v3, v2;
	v3 =	vmul.f32 v7, v13;
	v7 =	vld.idx.msk [tilespmem:v8+s2+$0x0], $0xffff;
	v8 =	vor.u32 $0x13, v1  }
0x20c: {  	v13 =	vld.idx.msk [tilespmem:v9+s1+$0x0], $0xffff  }
0x20d: {  	v2 =	vadd.f32 v3, v2;
	v3 =	vmul.f32 v4, v10;
	v4 =	vld.idx.msk [tilespmem:v9+s2+$0x0], $0xffff;
	v9 =	vor.u32 $0x14, v1  }
0x20e: {  	v10 =	vld.idx.msk [tilespmem:v6+s1+$0x0], $0xffff  }
0x20f: {  	v2 =	vadd.f32 v3, v2;
	v3 =	vmul.f32 v5, v11;
	v5 =	vld.idx.msk [tilespmem:v6+s2+$0x0], $0xffff;
	v6 =	vor.u32 $0x15, v1  }
0x210: {  	v11 =	vld.idx.msk [tilespmem:v8+s1+$0x0], $0xffff  }
0x211: {  	v2 =	vadd.f32 v3, v2;
	v3 =	vmul.f32 v7, v12;
	v7 =	vld.idx.msk [tilespmem:v8+s2+$0x0], $0xffff;
	v8 =	vor.u32 $0x16, v1  }
0x212: {  	v12 =	vld.idx.msk [tilespmem:v9+s1+$0x0], $0xffff  }
0x213: {  	v2 =	vadd.f32 v3, v2;
	v3 =	vmul.f32 v4, v13;
	v4 =	vld.idx.msk [tilespmem:v9+s2+$0x0], $0xffff;
	v9 =	vor.u32 $0x17, v1  }
0x214: {  	v13 =	vld.idx.msk [tilespmem:v6+s1+$0x0], $0xffff  }
0x215: {  	v2 =	vadd.f32 v3, v2;
	v3 =	vmul.f32 v5, v10;
	v5 =	vld.idx.msk [tilespmem:v6+s2+$0x0], $0xffff;
	v6 =	vor.u32 $0x18, v1  }
0x216: {  	v10 =	vld.idx.msk [tilespmem:v8+s1+$0x0], $0xffff  }
0x217: {  	v2 =	vadd.f32 v3, v2;
	v3 =	vmul.f32 v7, v11;
	v7 =	vld.idx.msk [tilespmem:v8+s2+$0x0], $0xffff;
	v8 =	vor.u32 $0x19, v1  }
0x218: {  	v11 =	vld.idx.msk [tilespmem:v9+s1+$0x0], $0xffff  }
0x219: {  	v2 =	vadd.f32 v3, v2;
	v3 =	vmul.f32 v4, v12;
	v4 =	vld.idx.msk [tilespmem:v9+s2+$0x0], $0xffff;
	v9 =	vor.u32 $0x1A, v1  }
0x21a: {  	v12 =	vld.idx.msk [tilespmem:v6+s1+$0x0], $0xffff  }
0x21b: {  	v2 =	vadd.f32 v3, v2;
	v3 =	vmul.f32 v5, v13;
	v5 =	vld.idx.msk [tilespmem:v6+s2+$0x0], $0xffff;
	v6 =	vor.u32 $0x1B, v1  }
0x21c: {  	v13 =	vld.idx.msk [tilespmem:v8+s1+$0x0], $0xffff  }
0x21d: {  	v2 =	vadd.f32 v3, v2;
	v3 =	vmul.f32 v7, v10;
	v7 =	vld.idx.msk [tilespmem:v8+s2+$0x0], $0xffff;
	v8 =	vor.u32 $0x1C, v1  }
0x21e: {  	v10 =	vld.idx.msk [tilespmem:v9+s1+$0x0], $0xffff  }
0x21f: {  	v2 =	vadd.f32 v3, v2;
	v3 =	vmul.f32 v4, v11;
	v4 =	vld.idx.msk [tilespmem:v9+s2+$0x0], $0xffff;
	v9 =	vor.u32 $0x1D, v1  }
0x220: {  	v11 =	vld.idx.msk [tilespmem:v6+s1+$0x0], $0xffff  }
0x221: {  	v2 =	vadd.f32 v3, v2;
	v3 =	vmul.f32 v5, v12;
	v5 =	vld.idx.msk [tilespmem:v6+s2+$0x0], $0xffff;
	v6 =	vor.u32 $0x1E, v1  }
0x222: {  	v12 =	vld.idx.msk [tilespmem:v8+s1+$0x0], $0xffff  }
0x223: {  	v1 =	vor.u32 $0x1F, v1;
	v2 =	vadd.f32 v3, v2;
	v3 =	vmul.f32 v7, v13;
	v7 =	vld.idx.msk [tilespmem:v8+s2+$0x0], $0xffff  }
0x224: {  	v8 =	vld.idx.msk [tilespmem:v9+s1+$0x0], $0xffff  }
0x225: {  	v2 =	vadd.f32 v3, v2;
	v3 =	vmul.f32 v4, v10;
	v4 =	vld.idx.msk [tilespmem:v9+s2+$0x0], $0xffff  }
0x226: {  	v9 =	vld.idx.msk [tilespmem:v6+s1+$0x0], $0xffff  }
0x227: {  	v3 =	vadd.f32 v3, v2;
	v5 =	vmul.f32 v5, v11;
	v6 =	vld.idx.msk [tilespmem:v6+s2+$0x0], $0xffff  }
0x228: {  	v2 =	vld.idx.msk [tilespmem:v1+s1+$0x0], $0xffff  }
0x229: {  	v5 =	vadd.f32 v5, v3;
	v7 =	vmul.f32 v7, v12;
	v3 =	vld.idx.msk [tilespmem:v1+s2+$0x0], $0xffff  }
.Ltmp2:
0x22a: {  	(pc) =	sbr.rel @p0 .LBB2_6-.Ltmp2, $3  }
0x22b: {  	v1 =	vadd.f32 v7, v5;
	v4 =	vmul.f32 v4, v8;
	_ =	sdelay $0x1  }
0x22c: {  	v7 =	vmov s18;
	v4 =	vadd.f32 v4, v1;
	v5 =	vmul.f32 v6, v9  }
0x22d: {  	s18 =	sadd.s32 $0x10, s18;
	v1 =	vshll.u32 v7, $0x7  }
0x22e: {  	v1 =	vor.u32 v0, v1;
	v4 =	vadd.f32 v5, v4;
	v2 =	vmul.f32 v3, v2;
	_ =	sdelay $0x1  }
0x22f: {  	v3 =	vor.u32 $0x1, v1;
	v2 =	vadd.f32 v2, v4  }
0x230: {  	s0 =	sadd.s32 $0x10, s17  }
0x231: {  	v31 =	vor.u32 $0x2, v1;
	[tilespmem:s0+$0x0] =	vst v2  }
0x232: {  	v2 =	vld.idx.msk [tilespmem:v1+s2+$0x0], $0xffff  }
0x233: {  	v6 =	vor.u32 $0x3, v1;
	v32 =	vld.idx.msk [tilespmem:v1+s1+$0x0], $0xffff  }
0x234: {  	v7 =	vld.idx.msk [tilespmem:v3+s1+$0x0], $0xffff  }
0x235: {  	v8 =	vor.u32 $0x4, v1;
	v3 =	vld.idx.msk [tilespmem:v3+s2+$0x0], $0xffff  }
0x236: {  	v9 =	vld.idx.msk [tilespmem:v31+s1+$0x0], $0xffff  }
0x237: {  	v10 =	vor.u32 $0x5, v1;
	v4 =	vld.idx.msk [tilespmem:v31+s2+$0x0], $0xffff  }
0x238: {  	v11 =	vld.idx.msk [tilespmem:v6+s1+$0x0], $0xffff;
	v2 =	vmul.f32 v2, v32  }
0x239: {  	v34 =	vor.u32 $0x6, v1;
	v33 =	vld.idx.msk [tilespmem:v6+s2+$0x0], $0xffff  }
0x23a: {  	v12 =	vld.idx.msk [tilespmem:v8+s1+$0x0], $0xffff;
	v3 =	vmul.f32 v3, v7;
	v2 =	vadd.f32 $0.0e+00, v2  }
0x23b: {  	v36 =	vor.u32 $0x7, v1;
	v35 =	vld.idx.msk [tilespmem:v8+s2+$0x0], $0xffff  }
0x23c: {  	v13 =	vld.idx.msk [tilespmem:v10+s1+$0x0], $0xffff;
	v2 =	vadd.f32 v3, v2;
	v3 =	vmul.f32 v4, v9  }
0x23d: {  	v38 =	vor.u32 $0x8, v1;
	v37 =	vld.idx.msk [tilespmem:v10+s2+$0x0], $0xffff  }
0x23e: {  	v39 =	vld.idx.msk [tilespmem:v34+s1+$0x0], $0xffff;
	v2 =	vadd.f32 v3, v2;
	v3 =	vmul.f32 v33, v11  }
0x23f: {  	v41 =	vor.u32 $0x9, v1;
	v40 =	vld.idx.msk [tilespmem:v34+s2+$0x0], $0xffff  }
0x240: {  	v42 =	vld.idx.msk [tilespmem:v36+s1+$0x0], $0xffff;
	v2 =	vadd.f32 v3, v2;
	v3 =	vmul.f32 v35, v12  }
0x241: {  	v44 =	vor.u32 $0xA, v1;
	v43 =	vld.idx.msk [tilespmem:v36+s2+$0x0], $0xffff  }
0x242: {  	v45 =	vld.idx.msk [tilespmem:v38+s1+$0x0], $0xffff;
	v2 =	vadd.f32 v3, v2;
	v3 =	vmul.f32 v37, v13  }
0x243: {  	v47 =	vor.u32 $0xB, v1;
	v46 =	vld.idx.msk [tilespmem:v38+s2+$0x0], $0xffff  }
0x244: {  	v48 =	vld.idx.msk [tilespmem:v41+s1+$0x0], $0xffff;
	v2 =	vadd.f32 v3, v2;
	v3 =	vmul.f32 v40, v39  }
0x245: {  	v50 =	vor.u32 $0xC, v1;
	v49 =	vld.idx.msk [tilespmem:v41+s2+$0x0], $0xffff  }
0x246: {  	v51 =	vld.idx.msk [tilespmem:v44+s1+$0x0], $0xffff;
	v2 =	vadd.f32 v3, v2;
	v3 =	vmul.f32 v43, v42  }
0x247: {  	v53 =	vor.u32 $0xD, v1;
	v52 =	vld.idx.msk [tilespmem:v44+s2+$0x0], $0xffff  }
0x248: {  	v54 =	vld.idx.msk [tilespmem:v47+s1+$0x0], $0xffff;
	v2 =	vadd.f32 v3, v2;
	v3 =	vmul.f32 v46, v45  }
0x249: {  	v56 =	vor.u32 $0xE, v1;
	v55 =	vld.idx.msk [tilespmem:v47+s2+$0x0], $0xffff  }
0x24a: {  	v57 =	vld.idx.msk [tilespmem:v50+s1+$0x0], $0xffff;
	v2 =	vadd.f32 v3, v2;
	v3 =	vmul.f32 v49, v48  }
0x24b: {  	v59 =	vor.u32 $0xF, v1;
	v58 =	vld.idx.msk [tilespmem:v50+s2+$0x0], $0xffff  }
0x24c: {  	v60 =	vld.idx.msk [tilespmem:v53+s1+$0x0], $0xffff;
	v2 =	vadd.f32 v3, v2;
	v3 =	vmul.f32 v52, v51  }
0x24d: {  	v62 =	vor.u32 $0x10, v1;
	v61 =	vld.idx.msk [tilespmem:v53+s2+$0x0], $0xffff  }
0x24e: {  	v63 =	vld.idx.msk [tilespmem:v56+s1+$0x0], $0xffff;
	v2 =	vadd.f32 v3, v2;
	v3 =	vmul.f32 v55, v54  }
0x24f: {  	v17 =	vor.u32 $0x11, v1;
	v16 =	vld.idx.msk [tilespmem:v56+s2+$0x0], $0xffff  }
0x250: {  	v18 =	vld.idx.msk [tilespmem:v59+s1+$0x0], $0xffff;
	v2 =	vadd.f32 v3, v2;
	v3 =	vmul.f32 v58, v57  }
0x251: {  	v20 =	vor.u32 $0x12, v1;
	v19 =	vld.idx.msk [tilespmem:v59+s2+$0x0], $0xffff  }
0x252: {  	v21 =	vld.idx.msk [tilespmem:v62+s1+$0x0], $0xffff;
	v2 =	vadd.f32 v3, v2;
	v3 =	vmul.f32 v61, v60  }
0x253: {  	v23 =	vor.u32 $0x13, v1;
	v22 =	vld.idx.msk [tilespmem:v62+s2+$0x0], $0xffff  }
0x254: {  	v24 =	vld.idx.msk [tilespmem:v17+s1+$0x0], $0xffff;
	v2 =	vadd.f32 v3, v2;
	v3 =	vmul.f32 v16, v63  }
0x255: {  	v26 =	vor.u32 $0x14, v1;
	v25 =	vld.idx.msk [tilespmem:v17+s2+$0x0], $0xffff  }
0x256: {  	v27 =	vld.idx.msk [tilespmem:v20+s1+$0x0], $0xffff;
	v2 =	vadd.f32 v3, v2;
	v3 =	vmul.f32 v19, v18  }
0x257: {  	v29 =	vor.u32 $0x15, v1;
	v28 =	vld.idx.msk [tilespmem:v20+s2+$0x0], $0xffff  }
0x258: {  	v30 =	vld.idx.msk [tilespmem:v23+s1+$0x0], $0xffff;
	v2 =	vadd.f32 v3, v2;
	v3 =	vmul.f32 v22, v21  }
0x259: {  	v31 =	vld.idx.msk [tilespmem:v23+s2+$0x0], $0xffff;
	v32 =	vor.u32 $0x16, v1  }
0x25a: {  	v34 =	vld.idx.msk [tilespmem:v26+s2+$0x0], $0xffff;
	v2 =	vadd.f32 v3, v2;
	v3 =	vmul.f32 v25, v24  }
0x25b: {  	v33 =	vld.idx.msk [tilespmem:v26+s1+$0x0], $0xffff;
	v35 =	vor.u32 $0x17, v1  }
0x25c: {  	v36 =	vld.idx.msk [tilespmem:v29+s1+$0x0], $0xffff;
	v2 =	vadd.f32 v3, v2;
	v3 =	vmul.f32 v28, v27  }
0x25d: {  	v38 =	vor.u32 $0x18, v1;
	v37 =	vld.idx.msk [tilespmem:v29+s2+$0x0], $0xffff  }
0x25e: {  	v39 =	vld.idx.msk [tilespmem:v32+s1+$0x0], $0xffff;
	v2 =	vadd.f32 v3, v2;
	v3 =	vmul.f32 v31, v30  }
0x25f: {  	v41 =	vor.u32 $0x19, v1;
	v40 =	vld.idx.msk [tilespmem:v32+s2+$0x0], $0xffff  }
0x260: {  	v42 =	vld.idx.msk [tilespmem:v35+s1+$0x0], $0xffff;
	v2 =	vadd.f32 v3, v2;
	v3 =	vmul.f32 v34, v33  }
0x261: {  	v44 =	vor.u32 $0x1A, v1;
	v43 =	vld.idx.msk [tilespmem:v35+s2+$0x0], $0xffff  }
0x262: {  	v45 =	vld.idx.msk [tilespmem:v38+s1+$0x0], $0xffff;
	v2 =	vadd.f32 v3, v2;
	v3 =	vmul.f32 v37, v36  }
0x263: {  	v47 =	vor.u32 $0x1B, v1;
	v46 =	vld.idx.msk [tilespmem:v38+s2+$0x0], $0xffff  }
0x264: {  	v48 =	vld.idx.msk [tilespmem:v41+s1+$0x0], $0xffff;
	v2 =	vadd.f32 v3, v2;
	v3 =	vmul.f32 v40, v39  }
0x265: {  	v50 =	vor.u32 $0x1C, v1;
	v49 =	vld.idx.msk [tilespmem:v41+s2+$0x0], $0xffff  }
0x266: {  	v51 =	vld.idx.msk [tilespmem:v44+s1+$0x0], $0xffff;
	v2 =	vadd.f32 v3, v2;
	v3 =	vmul.f32 v43, v42  }
0x267: {  	v53 =	vor.u32 $0x1D, v1;
	v52 =	vld.idx.msk [tilespmem:v44+s2+$0x0], $0xffff  }
0x268: {  	v54 =	vld.idx.msk [tilespmem:v47+s1+$0x0], $0xffff;
	v2 =	vadd.f32 v3, v2;
	v3 =	vmul.f32 v46, v45  }
0x269: {  	v56 =	vor.u32 $0x1E, v1;
	v55 =	vld.idx.msk [tilespmem:v47+s2+$0x0], $0xffff  }
0x26a: {  	v57 =	vld.idx.msk [tilespmem:v50+s1+$0x0], $0xffff;
	v2 =	vadd.f32 v3, v2;
	v3 =	vmul.f32 v49, v48  }
0x26b: {  	v1 =	vor.u32 $0x1F, v1;
	v58 =	vld.idx.msk [tilespmem:v50+s2+$0x0], $0xffff  }
0x26c: {  	v59 =	vld.idx.msk [tilespmem:v53+s1+$0x0], $0xffff;
	v2 =	vadd.f32 v3, v2;
	v3 =	vmul.f32 v52, v51  }
0x26d: {  	v60 =	vld.idx.msk [tilespmem:v53+s2+$0x0], $0xffff  }
0x26e: {  	v62 =	vld.idx.msk [tilespmem:v56+s2+$0x0], $0xffff;
	v2 =	vadd.f32 v3, v2;
	v3 =	vmul.f32 v55, v54  }
0x26f: {  	v61 =	vld.idx.msk [tilespmem:v56+s1+$0x0], $0xffff  }
0x270: {  	v63 =	vld.idx.msk [tilespmem:v1+s1+$0x0], $0xffff;
	v2 =	vadd.f32 v3, v2;
	v3 =	vmul.f32 v58, v57  }
0x271: {  	v1 =	vld.idx.msk [tilespmem:v1+s2+$0x0], $0xffff  }
0x272: {  	v2 =	vadd.f32 v3, v2;
	v3 =	vmul.f32 v60, v59;
	_ =	sdelay $0x1  }
0x273: {  	v2 =	vadd.f32 v3, v2;
	v3 =	vmul.f32 v62, v61;
	_ =	sdelay $0x1  }
0x274: {  	v1 =	vmul.f32 v1, v63;
	v2 =	vadd.f32 v3, v2;
	_ =	sdelay $0x1  }
0x275: {  	s17 =	sand.u32 $0x200, s16;
	v1 =	vadd.f32 v1, v2  }
0x276: {  	s18 =	sand.u32 $0x70, s16;
	s0 =	sadd.s32 $0x10, s0;
	s1 =	sshrl.u32 s17, $0x2  }
0x277: {  	s19 =	sor.u32 s18, s1;
	[tilespmem:s0+$0x0] =	vst v1  }
0x278: {  	v1 =	vld [tilespmem:s19+$0x100];
	_ =	sdelay $0x1  }
0x279: {  	v3 =	vld [tilespmem:s19+$0x300];
	_ =	sdelay $0x2  }
0x27a: {  	v2 =	vshll.u32 v1, $0x4  }
0x27b: {  	(v2sf) =	vpush v2, $0x0  }
0x27c: {  	v1 =	vshll.u32 v3, $0x4;
	(v2sf) =	vpush v2, $0x1  }
0x27d: {  	(v2sf) =	vpush v1, $0x0;
	_ =	sdelay $0x2  }
0x27e: {  	(v2sf) =	vpush v1, $0x1;
	_ =	sdelay $0x1  }
0x27f: {  	(v2sf) =	vpush v2, $0x2;
	_ =	sdelay $0x1  }
0x280: {  	(v2sf) =	vpush v1, $0x2  }
0x281: {  	s10 =	simm.s32 $0x2000  }
0x282: {  	s20 =	simm.s32 $0x400;
	s15 =	simm.s32 $0x8A00;
	s5 =	simm.s32 $0x680;
	(v2sf) =	vpush v2, $0x3  }
0x283: {  	s13 =	simm.s32 $0xA80;
	s4 =	simm.s32 $0x8580;
	s7 =	simm.s32 $0x600  }
0x284: {  	s16 =	simm.s32 $0x8A80;
	s21 =	simm.s32 $0x8400;
	s24 =	simm.s32 $0x480  }
0x285: {  	s26 =	simm.s32 $0x8480;
	s31 =	simm.s32 $0x500;
	s28 =	simm.s32 $0x980  }
0x286: {  	s29 =	simm.s32 $0x8980;
	s17 =	simm.s32 $0x0;
	(v2sf) =	vpush v1, $0x3;
	s3 =	spop (v2sf)  }
0x287: {  	s2 =	simm.s32 $0x8680;
	s3 =	sand.u32 $0x1FFFFFF0, s3;
	s6 =	spop (v2sf)  }
0x288: {  	s18 =	simm.s32 $0x4000;
	(v2sf) =	vpush v2, $0x4;
	s3 =	sadd.s32 s11, s3;
	s8 =	spop (v2sf)  }
0x289: {  	[tilespmem:s20], [sflag:$0x1] =	stream.linear.gather [hbm4b:s3+s12], $0x80, $0x38;
	[tilespmem:$0x10600] =	vst v63  }
0x28a: {  	s1 =	simm.s32 $0x880;
	s0 =	simm.s32 $0x8700;
	s22 =	sand.u32 $0x1FFFFFF0, s8  }
0x28b: {  	(v2sf) =	vpush v1, $0x4;
	s6 =	sand.u32 $0x1FFFFFF0, s6;
	s23 =	spop (v2sf);
	s3 =	sadd.s32 s14, s22  }
0x28c: {  	(v2sf) =	vpush v2, $0x5;
	[tilespmem:s21], [sflag:$0x2] =	stream.linear.gather [hbm4b:s3+s12], $0x80, $0x38;
	[tilespmem:$0x10600] =	vst v63  }
0x28d: {  	s6 =	sadd.s32 s11, s6;
	s25 =	sand.u32 $0x1FFFFFF0, s23;
	s30 =	spop (v2sf)  }
0x28e: {  	(v2sf) =	vpush v1, $0x5;
	[tilespmem:s24], [sflag:$0x1] =	stream.linear.gather [hbm4b:s6+s12], $0x80, $0x38;
	[tilespmem:$0x10600] =	vst v63  }
0x28f: {  	s3 =	sadd.s32 s14, s25;
	s8 =	sand.u32 $0x1FFFFFF0, s30;
	s19 =	spop (v2sf)  }
0x290: {  	(v2sf) =	vpush v2, $0x6;
	[tilespmem:s26], [sflag:$0x2] =	stream.linear.gather [hbm4b:s3+s12], $0x80, $0x38;
	[tilespmem:$0x10600] =	vst v63  }
0x291: {  	s20 =	spop (v2sf);
	(v2sf) =	vpush v1, $0x6;
	s6 =	sand.u32 $0x1FFFFFF0, s19;
	s3 =	sadd.s32 s11, s8  }
0x292: {  	[tilespmem:s31], [sflag:$0x1] =	stream.linear.gather [hbm4b:s3+s12], $0x80, $0x38;
	[tilespmem:$0x10600] =	vst v63  }
0x293: {  	s21 =	simm.s32 $0x8500;
	s23 =	sand.u32 $0x1FFFFFF0, s20;
	(v2sf) =	vpush v2, $0x7;
	s22 =	sadd.s32 s14, s6  }
0x294: {  	[tilespmem:s21], [sflag:$0x2] =	stream.linear.gather [hbm4b:s22+s12], $0x80, $0x38;
	[tilespmem:$0x10600] =	vst v63  }
0x295: {  	s24 =	simm.s32 $0x580;
	s25 =	spop (v2sf);
	s6 =	sadd.s32 s11, s23  }
0x296: {  	[tilespmem:s24], [sflag:$0x1] =	stream.linear.gather [hbm4b:s6+s12], $0x80, $0x38;
	[tilespmem:$0x10600] =	vst v63  }
0x297: {  	s20 =	simm.s32 $0x700;
	(v2sf) =	vpush v1, $0x7;
	s3 =	sand.u32 $0x1FFFFFF0, s25;
	s30 =	spop (v2sf)  }
0x298: {  	s26 =	simm.s32 $0x8600;
	s3 =	sadd.s32 s14, s3;
	s6 =	sand.u32 $0x1FFFFFF0, s30  }
0x299: {  	[tilespmem:s4], [sflag:$0x2] =	stream.linear.gather [hbm4b:s3+s12], $0x80, $0x38;
	[tilespmem:$0x10600] =	vst v63  }
0x29a: {  	s31 =	spop (v2sf);
	s3 =	simm.s32 $0x8800;
	s6 =	sadd.s32 s11, s6  }
0x29b: {  	(v2sf) =	vpush v2, $0x8;
	s19 =	sand.u32 $0x1FFFFFF0, s31;
	s21 =	spop (v2sf);
	s31 =	simm.s32 $0x780  }
0x29c: {  	(v2sf) =	vpush v1, $0x8;
	[tilespmem:s7], [sflag:$0x1] =	stream.linear.gather [hbm4b:s6+s12], $0x80, $0x38;
	[tilespmem:$0x10600] =	vst v63  }
0x29d: {  	s6 =	sadd.s32 s14, s19;
	s22 =	sand.u32 $0x1FFFFFF0, s21;
	s23 =	spop (v2sf)  }
0x29e: {  	(v2sf) =	vpush v2, $0x9;
	[tilespmem:s26], [sflag:$0x2] =	stream.linear.gather [hbm4b:s6+s12], $0x80, $0x38;
	[tilespmem:$0x10600] =	vst v63  }
0x29f: {  	s7 =	sand.u32 $0x1FFFFFF0, s23;
	s24 =	spop (v2sf);
	s6 =	sadd.s32 s11, s22  }
0x2a0: {  	(v2sf) =	vpush v1, $0x9;
	s25 =	sadd.s32 s14, s7;
	s26 =	sand.u32 $0x1FFFFFF0, s24;
	s30 =	spop (v2sf)  }
0x2a1: {  	[tilespmem:s5], [sflag:$0x1] =	stream.linear.gather [hbm4b:s6+s12], $0x80, $0x38;
	[tilespmem:$0x10600] =	vst v63  }
0x2a2: {  	(v2sf) =	vpush v2, $0xA;
	s7 =	sadd.s32 s11, s26;
	s19 =	spop (v2sf);
	s6 =	sand.u32 $0x1FFFFFF0, s30  }
0x2a3: {  	[tilespmem:s2], [sflag:$0x2] =	stream.linear.gather [hbm4b:s25+s12], $0x80, $0x38;
	[tilespmem:$0x10600] =	vst v63  }
0x2a4: {  	s26 =	simm.s32 $0x800;
	s5 =	simm.s32 $0x8780;
	s6 =	sadd.s32 s14, s6  }
0x2a5: {  	[tilespmem:s20], [sflag:$0x1] =	stream.linear.gather [hbm4b:s7+s12], $0x80, $0x38;
	[tilespmem:$0x10600] =	vst v63  }
0x2a6: {  	(v2sf) =	vpush v1, $0xA;
	s2 =	simm.s32 $0x8880;
	s7 =	sand.u32 $0x1FFFFFF0, s19;
	s20 =	spop (v2sf)  }
0x2a7: {  	[tilespmem:s0], [sflag:$0x2] =	stream.linear.gather [hbm4b:s6+s12], $0x80, $0x38;
	[tilespmem:$0x10600] =	vst v63  }
0x2a8: {  	s25 =	simm.s32 $0x8900;
	(v2sf) =	vpush v2, $0xB;
	s21 =	sadd.s32 s11, s7;
	s22 =	sand.u32 $0x1FFFFFF0, s20  }
0x2a9: {  	[tilespmem:s31], [sflag:$0x1] =	stream.linear.gather [hbm4b:s21+s12], $0x80, $0x38;
	[tilespmem:$0x10600] =	vst v63  }
0x2aa: {  	s7 =	simm.s32 $0x8B00;
	s0 =	simm.s32 $0x900;
	s23 =	spop (v2sf)  }
0x2ab: {  	s24 =	sadd.s32 s14, s22;
	s4 =	sand.u32 $0x1FFFFFF0, s23;
	s30 =	spop (v2sf)  }
0x2ac: {  	[tilespmem:s5], [sflag:$0x2] =	stream.linear.gather [hbm4b:s24+s12], $0x80, $0x38;
	[tilespmem:$0x10600] =	vst v63  }
0x2ad: {  	s4 =	sadd.s32 s11, s4;
	s6 =	sand.u32 $0x1FFFFFF0, s30;
	s31 =	spop (v2sf)  }
0x2ae: {  	[tilespmem:s26], [sflag:$0x1] =	stream.linear.gather [hbm4b:s4+s12], $0x80, $0x38;
	[tilespmem:$0x10600] =	vst v63  }
0x2af: {  	s6 =	sadd.s32 s14, s6;
	s8 =	sand.u32 $0x1FFFFFF0, s31;
	s19 =	spop (v2sf)  }
0x2b0: {  	(v2sf) =	vpush v1, $0xB;
	[tilespmem:s3], [sflag:$0x2] =	stream.linear.gather [hbm4b:s6+s12], $0x80, $0x38;
	[tilespmem:$0x10600] =	vst v63  }
0x2b1: {  	(v2sf) =	vpush v2, $0xC;
	s20 =	sadd.s32 s11, s8;
	s21 =	sand.u32 $0x1FFFFFF0, s19;
	s22 =	spop (v2sf)  }
0x2b2: {  	(v2sf) =	vpush v1, $0xC;
	[tilespmem:s1], [sflag:$0x1] =	stream.linear.gather [hbm4b:s20+s12], $0x80, $0x38;
	[tilespmem:$0x10600] =	vst v63  }
0x2b3: {  	s26 =	simm.s32 $0xA00;
	s23 =	sadd.s32 s14, s21;
	s24 =	sand.u32 $0x1FFFFFF0, s22;
	(v2sf) =	vpush v2, $0xD  }
0x2b4: {  	(v2sf) =	vpush v1, $0xD;
	[tilespmem:s2], [sflag:$0x2] =	stream.linear.gather [hbm4b:s23+s12], $0x80, $0x38;
	[tilespmem:$0x10600] =	vst v63  }
0x2b5: {  	s22 =	simm.s32 $0x40;
	s30 =	sadd.s32 s11, s24;
	s31 =	spop (v2sf);
	(v2sf) =	vpush v2, $0xE  }
0x2b6: {  	(v2sf) =	vpush v1, $0xE;
	[tilespmem:s0], [sflag:$0x1] =	stream.linear.gather [hbm4b:s30+s12], $0x80, $0x38;
	[tilespmem:$0x10600] =	vst v63  }
0x2b7: {  	s24 =	simm.s32 $0xB00;
	s1 =	sand.u32 $0x1FFFFFF0, s31;
	(v2sf) =	vpush v2, $0xF;
	s0 =	spop (v2sf)  }
.LBB2_8:
0x2b8: {  	_ =	sdelay $0x2  }
0x2b9: {  	s1 =	sadd.s32 s14, s1;
	s0 =	sand.u32 $0x1FFFFFF0, s0  }
0x2ba: {  	[tilespmem:s25], [sflag:$0x2] =	stream.linear.gather [hbm4b:s1+s12], $0x80, $0x38;
	[tilespmem:$0x10600] =	vst v63  }
0x2bb: {  	s0 =	sadd.s32 s11, s0  }
0x2bc: {  	[tilespmem:s28], [sflag:$0x1] =	stream.linear.gather [hbm4b:s0+s12], $0x80, $0x38;
	[tilespmem:$0x10600] =	vst v63  }
0x2bd: {  	s2 =	spop (v2sf)  }
0x2be: {  	s8 =	sand.u32 $0x1FFFFFF0, s2;
	s19 =	spop (v2sf);
	(v2sf) =	vpush v1, $0xF  }
0x2bf: {  	s20 =	sadd.s32 s14, s8;
	s21 =	sand.u32 $0x1FFFFFF0, s19;
	s23 =	spop (v2sf)  }
0x2c0: {  	[tilespmem:s29], [sflag:$0x2] =	stream.linear.gather [hbm4b:s20+s12], $0x80, $0x38;
	[tilespmem:$0x10600] =	vst v63  }
0x2c1: {  	s25 =	sadd.s32 s11, s21;
	s30 =	sand.u32 $0x1FFFFFF0, s23;
	s31 =	spop (v2sf)  }
0x2c2: {  	[tilespmem:s26], [sflag:$0x1] =	stream.linear.gather [hbm4b:s25+s12], $0x80, $0x38;
	[tilespmem:$0x10600] =	vst v63  }
0x2c3: {  	s1 =	sadd.s32 s14, s30;
	s2 =	sand.u32 $0x1FFFFFF0, s31;
	s3 =	spop (v2sf)  }
0x2c4: {  	[tilespmem:s15], [sflag:$0x2] =	stream.linear.gather [hbm4b:s1+s12], $0x80, $0x38;
	[tilespmem:$0x10600] =	vst v63  }
0x2c5: {  	s4 =	sadd.s32 s11, s2;
	s5 =	sand.u32 $0x1FFFFFF0, s3;
	s6 =	spop (v2sf)  }
0x2c6: {  	[tilespmem:s13], [sflag:$0x1] =	stream.linear.gather [hbm4b:s4+s12], $0x80, $0x38;
	[tilespmem:$0x10600] =	vst v63  }
0x2c7: {  	s8 =	sadd.s32 s14, s5;
	s15 =	spop (v2sf);
	s13 =	sand.u32 $0x1FFFFFF0, s6  }
0x2c8: {  	[tilespmem:s16], [sflag:$0x2] =	stream.linear.gather [hbm4b:s8+s12], $0x80, $0x38;
	[tilespmem:$0x10600] =	vst v63  }
0x2c9: {  	s20 =	sand.u32 $0x1FFFFFF0, s15;
	s21 =	spop (v2sf);
	s19 =	sadd.s32 s11, s13  }
0x2ca: {  	[tilespmem:s24], [sflag:$0x1] =	stream.linear.gather [hbm4b:s19+s12], $0x80, $0x38;
	[tilespmem:$0x10600] =	vst v63  }
0x2cb: {  	s25 =	sand.u32 $0x200, s22;
	s23 =	sadd.s32 s14, s20;
	s2 =	sand.u32 $0x1FFFFFF0, s21  }
0x2cc: {  	[tilespmem:s7], [sflag:$0x2] =	stream.linear.gather [hbm4b:s23+s12], $0x80, $0x38;
	[tilespmem:$0x10600] =	vst v63  }
0x2cd: {  	s2 =	sadd.s32 s11, s2;
	s24 =	sadd.s32 $0xB80, s17;
	s3 =	spop (v2sf)  }
0x2ce: {  	[tilespmem:s24], [sflag:$0x1] =	stream.linear.gather [hbm4b:s2+s12], $0x80, $0x38;
	[tilespmem:$0x10600] =	vst v63  }
0x2cf: {  	s26 =	sand.u32 $0x70, s9;
	s0 =	sshrl.u32 s25, $0x2;
	s30 =	sand.u32 $0x1FFFFFF0, s3  }
0x2d0: {  	s31 =	sadd.s32 $0x8B80, s17;
	s0 =	sor.u32 s26, s0;
	s2 =	sadd.s32 s14, s30  }
0x2d1: {  	[tilespmem:s31], [sflag:$0x2] =	stream.linear.gather [hbm4b:s2+s12], $0x80, $0x38;
	[tilespmem:$0x10600] =	vst v63  }
0x2d2: {  	v1 =	vld [tilespmem:s0+$0x100];
	_ =	sdelay $0x1  }
0x2d3: {  	v3 =	vld [tilespmem:s0+$0x300];
	_ =	sdelay $0x2  }
0x2d4: {  	v2 =	vshll.u32 v1, $0x4  }
0x2d5: {  	(v2sf) =	vpush v2, $0x0  }
0x2d6: {  	v1 =	vshll.u32 v3, $0x4;
	(v2sf) =	vpush v2, $0x1  }
0x2d7: {  	p0 =	sne.s32 s18, $0x1E000;
	s17 =	sshra.s32 s10, $0x2;
	(v2sf) =	vpush v1, $0x0  }
0x2d8: {  	s9 =	sadd.s32 $0x10, s9;
	s22 =	sadd.s32 $0x40, s22;
	s4 =	sadd.s32 $0x8680, s17  }
0x2d9: {  	s1 =	sadd.s32 $0xA80, s17;
	s15 =	sadd.s32 $0x600, s17;
	s16 =	sadd.s32 $0x8A80, s17  }
0x2da: {  	s19 =	sadd.s32 $0x8500, s17;
	s10 =	sadd.s32 $0x8600, s17;
	s5 =	sadd.s32 $0x8800, s17;
	(v2sf) =	vpush v1, $0x1  }
0x2db: {  	s21 =	sadd.s32 $0x500, s17;
	s8 =	sadd.s32 $0x8780, s17;
	[dreg:$0x14] =	wrdreg s4  }
0x2dc: {  	s11 =	sadd.s32 $0x8880, s17;
	s13 =	sadd.s32 $0x8480, s17;
	[dreg:$0xe] =	wrdreg s5  }
0x2dd: {  	s20 =	sadd.s32 $0x900, s17;
	s25 =	sadd.s32 $0x8900, s17;
	[dreg:$0x12] =	wrdreg s8;
	(v2sf) =	vpush v2, $0x2  }
0x2de: {  	s28 =	sadd.s32 $0x980, s17;
	s26 =	sadd.s32 $0xA00, s17;
	[dreg:$0xa] =	wrdreg s11  }
0x2df: {  	s29 =	sadd.s32 $0x8980, s17;
	s5 =	sadd.s32 $0x700, s17;
	[dreg:$0x8] =	wrdreg s20;
	(v2sf) =	vpush v1, $0x2  }
0x2e0: {  	s7 =	sadd.s32 $0x880, s17;
	s20 =	sadd.s32 $0x580, s17;
	s23 =	rddreg [dreg:$0x4]  }
0x2e1: {  	s8 =	sadd.s32 $0x800, s17;
	[dreg:$0xc] =	wrdreg s7;
	s3 =	sadd.s32 $0x8700, s17  }
0x2e2: {  	s7 =	sadd.s32 $0x8B00, s17;
	s24 =	sadd.s32 $0xB00, s17;
	[dreg:$0x10] =	wrdreg s3  }
0x2e3: {  	s14 =	sadd.s32 $0x680, s17;
	s30 =	sadd.s32 $0x480, s17;
	s3 =	sadd.s32 $0x8400, s17;
	(v2sf) =	vpush v2, $0x3  }
0x2e4: {  	s12 =	sadd.s32 $0x780, s17;
	s0 =	sadd.s32 $0x400, s17;
	s4 =	spop (v2sf)  }
0x2e5: {  	[dreg:$0x16] =	wrdreg s12;
	s4 =	sand.u32 $0x1FFFFFF0, s4;
	s11 =	spop (v2sf)  }
0x2e6: {  	(v2sf) =	vpush v1, $0x3;
	s4 =	sadd.s32 s23, s4;
	s23 =	simm.s32 $0x0;
	s12 =	spop (v2sf)  }
0x2e7: {  	(v2sf) =	vpush v2, $0x4;
	[tilespmem:s0], [sflag:$0x1] =	stream.linear.gather [hbm4b:s4+s23], $0x80, $0x38;
	[tilespmem:$0x10600] =	vst v63  }
0x2e8: {  	s0 =	sand.u32 $0x1FFFFFF0, s12;
	s12 =	simm.s32 $0x0;
	s23 =	rddreg [dreg:$0x5]  }
0x2e9: {  	s4 =	spop (v2sf);
	s0 =	sadd.s32 s23, s0;
	s23 =	rddreg [dreg:$0x5]  }
0x2ea: {  	[tilespmem:s3], [sflag:$0x2] =	stream.linear.gather [hbm4b:s0+s12], $0x80, $0x38;
	[tilespmem:$0x10600] =	vst v63  }
0x2eb: {  	(v2sf) =	vpush v1, $0x4;
	s11 =	sand.u32 $0x1FFFFFF0, s11;
	s4 =	sand.u32 $0x1FFFFFF0, s4;
	s3 =	rddreg [dreg:$0x4]  }
0x2ec: {  	(v2sf) =	vpush v2, $0x5;
	s0 =	sadd.s32 s3, s11;
	s11 =	rddreg [dreg:$0x4];
	s3 =	spop (v2sf)  }
0x2ed: {  	[tilespmem:s30], [sflag:$0x1] =	stream.linear.gather [hbm4b:s0+s12], $0x80, $0x38;
	[tilespmem:$0x10600] =	vst v63  }
0x2ee: {  	s0 =	sadd.s32 s23, s4;
	s3 =	sand.u32 $0x1FFFFFF0, s3;
	s30 =	spop (v2sf)  }
0x2ef: {  	(v2sf) =	vpush v1, $0x5;
	[tilespmem:s13], [sflag:$0x2] =	stream.linear.gather [hbm4b:s0+s12], $0x80, $0x38;
	[tilespmem:$0x10600] =	vst v63  }
0x2f0: {  	s2 =	smov.u32 s18;
	s23 =	sadd.s32 s11, s3;
	s30 =	sand.u32 $0x1FFFFFF0, s30  }
0x2f1: {  	(v2sf) =	vpush v2, $0x6;
	[tilespmem:s21], [sflag:$0x1] =	stream.linear.gather [hbm4b:s23+s12], $0x80, $0x38;
	[tilespmem:$0x10600] =	vst v63  }
0x2f2: {  	s13 =	smov.u32 s1;
	s1 =	spop (v2sf);
	s23 =	rddreg [dreg:$0x5]  }
0x2f3: {  	s18 =	sadd.s32 $0x2000, s18;
	(v2sf) =	vpush v1, $0x6;
	s0 =	sadd.s32 s23, s30;
	s30 =	sand.u32 $0x1FFFFFF0, s1  }
0x2f4: {  	(v2sf) =	vpush v2, $0x7;
	[tilespmem:s19], [sflag:$0x2] =	stream.linear.gather [hbm4b:s0+s12], $0x80, $0x38;
	[tilespmem:$0x10600] =	vst v63  }
0x2f5: {  	s31 =	sadd.s32 $0x8580, s17;
	s1 =	spop (v2sf);
	s21 =	sadd.s32 s11, s30  }
0x2f6: {  	s23 =	sand.u32 $0x1FFFFFF0, s1;
	s1 =	rddreg [dreg:$0x5];
	s30 =	spop (v2sf)  }
0x2f7: {  	[tilespmem:s20], [sflag:$0x1] =	stream.linear.gather [hbm4b:s21+s12], $0x80, $0x38;
	[tilespmem:$0x10600] =	vst v63  }
0x2f8: {  	s6 =	smov.u32 s2;
	(v2sf) =	vpush v1, $0x7;
	s0 =	sadd.s32 s1, s23;
	s19 =	sand.u32 $0x1FFFFFF0, s30  }
0x2f9: {  	[tilespmem:s31], [sflag:$0x2] =	stream.linear.gather [hbm4b:s0+s12], $0x80, $0x38;
	[tilespmem:$0x10600] =	vst v63  }
0x2fa: {  	s2 =	sadd.s32 $0x8A00, s17;
	(v2sf) =	vpush v2, $0x8;
	s20 =	spop (v2sf);
	s21 =	sadd.s32 s11, s19  }
0x2fb: {  	s31 =	rddreg [dreg:$0x5];
	s23 =	sand.u32 $0x1FFFFFF0, s20;
	s30 =	spop (v2sf)  }
0x2fc: {  	(v2sf) =	vpush v1, $0x8;
	[tilespmem:s15], [sflag:$0x1] =	stream.linear.gather [hbm4b:s21+s12], $0x80, $0x38;
	[tilespmem:$0x10600] =	vst v63  }
0x2fd: {  	s15 =	smov.u32 s2;
	s0 =	sadd.s32 s31, s23;
	s1 =	sand.u32 $0x1FFFFFF0, s30  }
0x2fe: {  	s2 =	spop (v2sf);
	s30 =	rddreg [dreg:$0x14];
	s3 =	sadd.s32 s11, s1  }
0x2ff: {  	(v2sf) =	vpush v2, $0x9;
	[tilespmem:s10], [sflag:$0x2] =	stream.linear.gather [hbm4b:s0+s12], $0x80, $0x38;
	[tilespmem:$0x10600] =	vst v63  }
0x300: {  	s10 =	smov.u32 s6;
	s6 =	sand.u32 $0x1FFFFFF0, s2;
	s19 =	spop (v2sf)  }
0x301: {  	(v2sf) =	vpush v1, $0x9;
	[tilespmem:s14], [sflag:$0x1] =	stream.linear.gather [hbm4b:s3+s12], $0x80, $0x38;
	[tilespmem:$0x10600] =	vst v63  }
0x302: {  	s21 =	sand.u32 $0x1FFFFFF0, s19;
	s23 =	spop (v2sf);
	s14 =	rddreg [dreg:$0x5]  }
0x303: {  	s31 =	sadd.s32 s11, s21;
	s20 =	sadd.s32 s14, s6;
	s2 =	spop (v2sf)  }
0x304: {  	[tilespmem:s30], [sflag:$0x2] =	stream.linear.gather [hbm4b:s20+s12], $0x80, $0x38;
	[tilespmem:$0x10600] =	vst v63  }
0x305: {  	(v2sf) =	vpush v2, $0xA;
	s1 =	sand.u32 $0x1FFFFFF0, s23;
	s6 =	sand.u32 $0x1FFFFFF0, s2;
	s20 =	rddreg [dreg:$0x10]  }
0x306: {  	(v2sf) =	vpush v1, $0xA;
	[tilespmem:s5], [sflag:$0x1] =	stream.linear.gather [hbm4b:s31+s12], $0x80, $0x38;
	[tilespmem:$0x10600] =	vst v63  }
0x307: {  	s21 =	sadd.s32 s11, s6;
	s5 =	sadd.s32 s14, s1;
	s19 =	spop (v2sf)  }
0x308: {  	(v2sf) =	vpush v2, $0xB;
	[tilespmem:s20], [sflag:$0x2] =	stream.linear.gather [hbm4b:s5+s12], $0x80, $0x38;
	[tilespmem:$0x10600] =	vst v63  }
0x309: {  	s31 =	rddreg [dreg:$0x16];
	s23 =	sand.u32 $0x1FFFFFF0, s19;
	s30 =	spop (v2sf)  }
0x30a: {  	[tilespmem:s31], [sflag:$0x1] =	stream.linear.gather [hbm4b:s21+s12], $0x80, $0x38;
	[tilespmem:$0x10600] =	vst v63  }
0x30b: {  	s2 =	sadd.s32 s14, s23;
	s5 =	rddreg [dreg:$0x12];
	s4 =	spop (v2sf)  }
0x30c: {  	[tilespmem:s5], [sflag:$0x2] =	stream.linear.gather [hbm4b:s2+s12], $0x80, $0x38;
	[tilespmem:$0x10600] =	vst v63  }
0x30d: {  	s3 =	sand.u32 $0x1FFFFFF0, s30;
	s31 =	rddreg [dreg:$0xe];
	s19 =	sand.u32 $0x1FFFFFF0, s4  }
0x30e: {  	s6 =	sadd.s32 s11, s3;
	s20 =	spop (v2sf);
	s21 =	sadd.s32 s14, s19  }
0x30f: {  	[tilespmem:s8], [sflag:$0x1] =	stream.linear.gather [hbm4b:s6+s12], $0x80, $0x38;
	[tilespmem:$0x10600] =	vst v63  }
0x310: {  	s23 =	sand.u32 $0x1FFFFFF0, s20;
	s30 =	spop (v2sf);
	s8 =	rddreg [dreg:$0xc]  }
0x311: {  	(v2sf) =	vpush v1, $0xB;
	[tilespmem:s31], [sflag:$0x2] =	stream.linear.gather [hbm4b:s21+s12], $0x80, $0x38;
	[tilespmem:$0x10600] =	vst v63  }
0x312: {  	(v2sf) =	vpush v2, $0xC;
	s4 =	sadd.s32 s11, s23;
	s5 =	sand.u32 $0x1FFFFFF0, s30;
	s23 =	rddreg [dreg:$0xa]  }
0x313: {  	(v2sf) =	vpush v1, $0xC;
	[tilespmem:s8], [sflag:$0x1] =	stream.linear.gather [hbm4b:s4+s12], $0x80, $0x38;
	[tilespmem:$0x10600] =	vst v63  }
.Ltmp3:
0x314: {  	(v2sf) =	vpush v2, $0xD;
	s6 =	spop (v2sf);
	s19 =	sadd.s32 s14, s5;
	(pc) =	sbr.rel @p0 .LBB2_8-.Ltmp3, $4  }
0x315: {  	(v2sf) =	vpush v1, $0xD;
	s20 =	sand.u32 $0x1FFFFFF0, s6;
	s21 =	spop (v2sf);
	s31 =	rddreg [dreg:$0x8]  }
0x316: {  	(v2sf) =	vpush v2, $0xE;
	[tilespmem:s23], [sflag:$0x2] =	stream.linear.gather [hbm4b:s19+s12], $0x80, $0x38;
	[tilespmem:$0x10600] =	vst v63  }
0x317: {  	(v2sf) =	vpush v1, $0xE;
	s30 =	sadd.s32 s11, s20;
	s1 =	sand.u32 $0x1FFFFFF0, s21;
	s0 =	spop (v2sf)  }
0x318: {  	(v2sf) =	vpush v2, $0xF;
	[tilespmem:s31], [sflag:$0x1] =	stream.linear.gather [hbm4b:s30+s12], $0x80, $0x38;
	[tilespmem:$0x10600] =	vst v63  }
0x319: {  	_ =	sdelay $0x2  }
0x31a: {  	s1 =	sadd.s32 s14, s1;
	s0 =	sand.u32 $0x1FFFFFF0, s0  }
0x31b: {  	[tilespmem:s25], [sflag:$0x2] =	stream.linear.gather [hbm4b:s1+s12], $0x80, $0x38;
	[tilespmem:$0x10600] =	vst v63  }
0x31c: {  	s0 =	sadd.s32 s11, s0  }
0x31d: {  	[tilespmem:s28], [sflag:$0x1] =	stream.linear.gather [hbm4b:s0+s12], $0x80, $0x38;
	[tilespmem:$0x10600] =	vst v63  }
0x31e: {  	s31 =	spop (v2sf)  }
0x31f: {  	s0 =	sand.u32 $0x1FFFFFF0, s31  }
0x320: {  	s1 =	spop (v2sf);
	s0 =	sadd.s32 s14, s0  }
0x321: {  	[tilespmem:s29], [sflag:$0x2] =	stream.linear.gather [hbm4b:s0+s12], $0x80, $0x38;
	[tilespmem:$0x10600] =	vst v63  }
0x322: {  	s0 =	sand.u32 $0x1FFFFFF0, s1  }
0x323: {  	s2 =	spop (v2sf);
	s0 =	sadd.s32 s11, s0  }
0x324: {  	[tilespmem:s26], [sflag:$0x1] =	stream.linear.gather [hbm4b:s0+s12], $0x80, $0x38;
	[tilespmem:$0x10600] =	vst v63  }
0x325: {  	s0 =	sand.u32 $0x1FFFFFF0, s2  }
0x326: {  	(v2sf) =	vpush v1, $0xF;
	s3 =	spop (v2sf);
	s0 =	sadd.s32 s14, s0  }
0x327: {  	[tilespmem:s15], [sflag:$0x2] =	stream.linear.gather [hbm4b:s0+s12], $0x80, $0x38;
	[tilespmem:$0x10600] =	vst v63  }
0x328: {  	s0 =	sand.u32 $0x1FFFFFF0, s3  }
0x329: {  	s4 =	spop (v2sf);
	s0 =	sadd.s32 s11, s0  }
0x32a: {  	[tilespmem:s13], [sflag:$0x1] =	stream.linear.gather [hbm4b:s0+s12], $0x80, $0x38;
	[tilespmem:$0x10600] =	vst v63  }
0x32b: {  	s0 =	sand.u32 $0x1FFFFFF0, s4  }
0x32c: {  	s5 =	spop (v2sf);
	s0 =	sadd.s32 s14, s0  }
0x32d: {  	[tilespmem:s16], [sflag:$0x2] =	stream.linear.gather [hbm4b:s0+s12], $0x80, $0x38;
	[tilespmem:$0x10600] =	vst v63  }
0x32e: {  	s0 =	sand.u32 $0x1FFFFFF0, s5  }
0x32f: {  	s6 =	spop (v2sf);
	s0 =	sadd.s32 s11, s0  }
0x330: {  	[tilespmem:s24], [sflag:$0x1] =	stream.linear.gather [hbm4b:s0+s12], $0x80, $0x38;
	[tilespmem:$0x10600] =	vst v63  }
0x331: {  	s0 =	sand.u32 $0x1FFFFFF0, s6  }
0x332: {  	s8 =	spop (v2sf);
	s0 =	sadd.s32 s14, s0  }
0x333: {  	[tilespmem:s7], [sflag:$0x2] =	stream.linear.gather [hbm4b:s0+s12], $0x80, $0x38;
	[tilespmem:$0x10600] =	vst v63  }
0x334: {  	s15 =	sand.u32 $0x200, s22;
	s0 =	sand.u32 $0x1FFFFFF0, s8  }
0x335: {  	s13 =	sadd.s32 $0xB80, s17;
	s0 =	sadd.s32 s11, s0;
	s16 =	spop (v2sf)  }
0x336: {  	[tilespmem:s13], [sflag:$0x1] =	stream.linear.gather [hbm4b:s0+s12], $0x80, $0x38;
	[tilespmem:$0x10600] =	vst v63  }
0x337: {  	s2 =	sand.u32 $0x70, s9;
	s0 =	sshrl.u32 s15, $0x2;
	s1 =	sand.u32 $0x1FFFFFF0, s16  }
0x338: {  	s17 =	sadd.s32 $0x8B80, s17;
	s0 =	sor.u32 s2, s0;
	s1 =	sadd.s32 s14, s1  }
0x339: {  	[tilespmem:s17], [sflag:$0x2] =	stream.linear.gather [hbm4b:s1+s12], $0x80, $0x38;
	[tilespmem:$0x10600] =	vst v63  }
0x33a: {  	v1 =	vld [tilespmem:s0+$0x100];
	_ =	sdelay $0x3  }
0x33b: {  	v3 =	vld [tilespmem:s0+$0x300]  }
0x33c: {  	v2 =	vshll.u32 v1, $0x4  }
0x33d: {  	(v2sf) =	vpush v2, $0x0;
	_ =	sdelay $0x1  }
0x33e: {  	(v2sf) =	vpush v2, $0x1  }
0x33f: {  	v1 =	vshll.u32 v3, $0x4  }
0x340: {  	(v2sf) =	vpush v1, $0x0;
	_ =	sdelay $0x4  }
0x341: {  	(v2sf) =	vpush v1, $0x1;
	_ =	sdelay $0x4  }
0x342: {  	(v2sf) =	vpush v2, $0x2  }
0x343: {  	s18 =	spop (v2sf);
	(v2sf) =	vpush v1, $0x2;
	_ =	sdelay $0x1  }
0x344: {  	s20 =	spop (v2sf);
	(v2sf) =	vpush v2, $0x3;
	_ =	sdelay $0x1  }
0x345: {  	s21 =	spop (v2sf);
	(v2sf) =	vpush v1, $0x3;
	_ =	sdelay $0x4  }
0x346: {  	s25 =	spop (v2sf);
	(v2sf) =	vpush v2, $0x4;
	_ =	sdelay $0x1  }
0x347: {  	s15 =	sshra.s32 s10, $0x2;
	s0 =	sand.u32 $0x1FFFFFF0, s18  }
0x348: {  	s19 =	sadd.s32 $0x400, s15;
	s0 =	sadd.s32 s11, s0  }
0x349: {  	[tilespmem:s19], [sflag:$0x1] =	stream.linear.gather [hbm4b:s0+s12], $0x80, $0x38;
	[tilespmem:$0x10600] =	vst v63  }
0x34a: {  	s22 =	sadd.s32 $0x8400, s15;
	s0 =	sand.u32 $0x1FFFFFF0, s21;
	s28 =	spop (v2sf)  }
0x34b: {  	s23 =	sand.u32 $0x1FFFFFF0, s20;
	s0 =	sadd.s32 s14, s0;
	s30 =	spop (v2sf);
	(v2sf) =	vpush v1, $0x4  }
0x34c: {  	[tilespmem:s22], [sflag:$0x2] =	stream.linear.gather [hbm4b:s0+s12], $0x80, $0x38;
	[tilespmem:$0x10600] =	vst v63  }
0x34d: {  	s24 =	sadd.s32 $0x480, s15;
	s0 =	sadd.s32 s11, s23;
	s1 =	spop (v2sf);
	(v2sf) =	vpush v2, $0x5  }
0x34e: {  	[tilespmem:s24], [sflag:$0x1] =	stream.linear.gather [hbm4b:s0+s12], $0x80, $0x38;
	[tilespmem:$0x10600] =	vst v63  }
0x34f: {  	s3 =	spop (v2sf);
	(v2sf) =	vpush v1, $0x5  }
0x350: {  	s0 =	sand.u32 $0x1FFFFFF0, s25  }
0x351: {  	s26 =	sadd.s32 $0x8480, s15;
	s0 =	sadd.s32 s14, s0  }
0x352: {  	[tilespmem:s26], [sflag:$0x2] =	stream.linear.gather [hbm4b:s0+s12], $0x80, $0x38;
	[tilespmem:$0x10600] =	vst v63  }
0x353: {  	s0 =	sand.u32 $0x1FFFFFF0, s28  }
0x354: {  	s29 =	sadd.s32 $0x500, s15;
	s0 =	sadd.s32 s11, s0;
	s5 =	spop (v2sf);
	(v2sf) =	vpush v2, $0x6  }
0x355: {  	[tilespmem:s29], [sflag:$0x1] =	stream.linear.gather [hbm4b:s0+s12], $0x80, $0x38;
	[tilespmem:$0x10600] =	vst v63  }
0x356: {  	s0 =	sand.u32 $0x1FFFFFF0, s30  }
0x357: {  	s31 =	sadd.s32 $0x8500, s15;
	s0 =	sadd.s32 s14, s0  }
0x358: {  	[tilespmem:s31], [sflag:$0x2] =	stream.linear.gather [hbm4b:s0+s12], $0x80, $0x38;
	[tilespmem:$0x10600] =	vst v63  }
0x359: {  	s0 =	sand.u32 $0x1FFFFFF0, s1  }
0x35a: {  	s2 =	sadd.s32 $0x580, s15;
	s0 =	sadd.s32 s11, s0;
	s7 =	spop (v2sf);
	(v2sf) =	vpush v1, $0x6  }
0x35b: {  	[tilespmem:s2], [sflag:$0x1] =	stream.linear.gather [hbm4b:s0+s12], $0x80, $0x38;
	[tilespmem:$0x10600] =	vst v63  }
0x35c: {  	s9 =	spop (v2sf);
	(v2sf) =	vpush v2, $0x7  }
0x35d: {  	s0 =	sand.u32 $0x1FFFFFF0, s3  }
0x35e: {  	s4 =	sadd.s32 $0x8580, s15;
	s0 =	sadd.s32 s14, s0;
	s13 =	spop (v2sf);
	(v2sf) =	vpush v1, $0x7  }
0x35f: {  	[tilespmem:s4], [sflag:$0x2] =	stream.linear.gather [hbm4b:s0+s12], $0x80, $0x38;
	[tilespmem:$0x10600] =	vst v63  }
0x360: {  	s0 =	sand.u32 $0x1FFFFFF0, s5  }
0x361: {  	s6 =	sadd.s32 $0x600, s15;
	s0 =	sadd.s32 s11, s0  }
0x362: {  	[tilespmem:s6], [sflag:$0x1] =	stream.linear.gather [hbm4b:s0+s12], $0x80, $0x38;
	[tilespmem:$0x10600] =	vst v63  }
0x363: {  	s0 =	sand.u32 $0x1FFFFFF0, s7;
	s17 =	spop (v2sf);
	(v2sf) =	vpush v2, $0x8  }
0x364: {  	s8 =	sadd.s32 $0x8600, s15;
	s0 =	sadd.s32 s14, s0  }
0x365: {  	[tilespmem:s8], [sflag:$0x2] =	stream.linear.gather [hbm4b:s0+s12], $0x80, $0x38;
	[tilespmem:$0x10600] =	vst v63  }
0x366: {  	s0 =	sand.u32 $0x1FFFFFF0, s9  }
0x367: {  	s10 =	sadd.s32 $0x680, s15;
	s0 =	sadd.s32 s11, s0  }
0x368: {  	[tilespmem:s10], [sflag:$0x1] =	stream.linear.gather [hbm4b:s0+s12], $0x80, $0x38;
	[tilespmem:$0x10600] =	vst v63  }
0x369: {  	s19 =	spop (v2sf);
	(v2sf) =	vpush v1, $0x8  }
0x36a: {  	s0 =	sand.u32 $0x1FFFFFF0, s13  }
0x36b: {  	s16 =	sadd.s32 $0x8680, s15;
	s0 =	sadd.s32 s14, s0;
	s21 =	spop (v2sf);
	(v2sf) =	vpush v2, $0x9  }
0x36c: {  	[tilespmem:s16], [sflag:$0x2] =	stream.linear.gather [hbm4b:s0+s12], $0x80, $0x38;
	[tilespmem:$0x10600] =	vst v63  }
0x36d: {  	s23 =	spop (v2sf);
	(v2sf) =	vpush v1, $0x9  }
0x36e: {  	s0 =	sand.u32 $0x1FFFFFF0, s17  }
0x36f: {  	s18 =	sadd.s32 $0x700, s15;
	s0 =	sadd.s32 s11, s0  }
0x370: {  	[tilespmem:s18], [sflag:$0x1] =	stream.linear.gather [hbm4b:s0+s12], $0x80, $0x38;
	[tilespmem:$0x10600] =	vst v63  }
0x371: {  	s0 =	sand.u32 $0x1FFFFFF0, s19  }
0x372: {  	s20 =	sadd.s32 $0x8700, s15;
	s0 =	sadd.s32 s14, s0;
	s25 =	spop (v2sf);
	(v2sf) =	vpush v2, $0xA  }
0x373: {  	[tilespmem:s20], [sflag:$0x2] =	stream.linear.gather [hbm4b:s0+s12], $0x80, $0x38;
	[tilespmem:$0x10600] =	vst v63  }
0x374: {  	s0 =	sand.u32 $0x1FFFFFF0, s21  }
0x375: {  	s22 =	sadd.s32 $0x780, s15;
	s0 =	sadd.s32 s11, s0  }
0x376: {  	[tilespmem:s22], [sflag:$0x1] =	stream.linear.gather [hbm4b:s0+s12], $0x80, $0x38;
	[tilespmem:$0x10600] =	vst v63  }
0x377: {  	s0 =	sand.u32 $0x1FFFFFF0, s23  }
0x378: {  	s24 =	sadd.s32 $0x8780, s15;
	s0 =	sadd.s32 s14, s0;
	s28 =	spop (v2sf);
	(v2sf) =	vpush v1, $0xA  }
0x379: {  	[tilespmem:s24], [sflag:$0x2] =	stream.linear.gather [hbm4b:s0+s12], $0x80, $0x38;
	[tilespmem:$0x10600] =	vst v63  }
0x37a: {  	s30 =	spop (v2sf);
	(v2sf) =	vpush v2, $0xB  }
0x37b: {  	s0 =	sand.u32 $0x1FFFFFF0, s25  }
0x37c: {  	s26 =	sadd.s32 $0x800, s15;
	s0 =	sadd.s32 s11, s0;
	s1 =	spop (v2sf);
	(v2sf) =	vpush v1, $0xB  }
0x37d: {  	[tilespmem:s26], [sflag:$0x1] =	stream.linear.gather [hbm4b:s0+s12], $0x80, $0x38;
	[tilespmem:$0x10600] =	vst v63  }
0x37e: {  	s0 =	sand.u32 $0x1FFFFFF0, s28  }
0x37f: {  	s29 =	sadd.s32 $0x8800, s15;
	s0 =	sadd.s32 s14, s0  }
0x380: {  	[tilespmem:s29], [sflag:$0x2] =	stream.linear.gather [hbm4b:s0+s12], $0x80, $0x38;
	[tilespmem:$0x10600] =	vst v63  }
0x381: {  	s0 =	sand.u32 $0x1FFFFFF0, s30;
	s3 =	spop (v2sf);
	(v2sf) =	vpush v2, $0xC  }
0x382: {  	s31 =	sadd.s32 $0x880, s15;
	s0 =	sadd.s32 s11, s0  }
0x383: {  	[tilespmem:s31], [sflag:$0x1] =	stream.linear.gather [hbm4b:s0+s12], $0x80, $0x38;
	[tilespmem:$0x10600] =	vst v63  }
0x384: {  	s0 =	sand.u32 $0x1FFFFFF0, s1  }
0x385: {  	s2 =	sadd.s32 $0x8880, s15;
	s0 =	sadd.s32 s14, s0  }
0x386: {  	[tilespmem:s2], [sflag:$0x2] =	stream.linear.gather [hbm4b:s0+s12], $0x80, $0x38;
	[tilespmem:$0x10600] =	vst v63  }
0x387: {  	s5 =	spop (v2sf);
	(v2sf) =	vpush v1, $0xC  }
0x388: {  	s0 =	sand.u32 $0x1FFFFFF0, s3  }
0x389: {  	s4 =	sadd.s32 $0x900, s15;
	s0 =	sadd.s32 s11, s0;
	s7 =	spop (v2sf);
	(v2sf) =	vpush v2, $0xD  }
0x38a: {  	[tilespmem:s4], [sflag:$0x1] =	stream.linear.gather [hbm4b:s0+s12], $0x80, $0x38;
	[tilespmem:$0x10600] =	vst v63  }
0x38b: {  	s9 =	spop (v2sf);
	(v2sf) =	vpush v1, $0xD  }
0x38c: {  	s0 =	sand.u32 $0x1FFFFFF0, s5  }
0x38d: {  	s6 =	sadd.s32 $0x8900, s15;
	s0 =	sadd.s32 s14, s0  }
0x38e: {  	[tilespmem:s6], [sflag:$0x2] =	stream.linear.gather [hbm4b:s0+s12], $0x80, $0x38;
	[tilespmem:$0x10600] =	vst v63  }
0x38f: {  	s0 =	sand.u32 $0x1FFFFFF0, s7  }
0x390: {  	s8 =	sadd.s32 $0x980, s15;
	s13 =	spop (v2sf);
	s0 =	sadd.s32 s11, s0  }
0x391: {  	(v2sf) =	vpush v2, $0xE;
	[tilespmem:s8], [sflag:$0x1] =	stream.linear.gather [hbm4b:s0+s12], $0x80, $0x38;
	[tilespmem:$0x10600] =	vst v63  }
0x392: {  	s0 =	sand.u32 $0x1FFFFFF0, s9  }
0x393: {  	s10 =	sadd.s32 $0x8980, s15;
	s0 =	sadd.s32 s14, s0  }
0x394: {  	[tilespmem:s10], [sflag:$0x2] =	stream.linear.gather [hbm4b:s0+s12], $0x80, $0x38;
	[tilespmem:$0x10600] =	vst v63  }
0x395: {  	s0 =	sand.u32 $0x1FFFFFF0, s13  }
0x396: {  	s16 =	sadd.s32 $0xA00, s15;
	s0 =	sadd.s32 s11, s0;
	s17 =	spop (v2sf);
	(v2sf) =	vpush v1, $0xE  }
0x397: {  	[tilespmem:s16], [sflag:$0x1] =	stream.linear.gather [hbm4b:s0+s12], $0x80, $0x38;
	[tilespmem:$0x10600] =	vst v63  }
0x398: {  	s19 =	spop (v2sf);
	(v2sf) =	vpush v2, $0xF  }
0x399: {  	s0 =	sand.u32 $0x1FFFFFF0, s17  }
0x39a: {  	s18 =	sadd.s32 $0x8A00, s15;
	s0 =	sadd.s32 s14, s0;
	s21 =	spop (v2sf)  }
0x39b: {  	(v2sf) =	vpush v1, $0xF;
	[tilespmem:s18], [sflag:$0x2] =	stream.linear.gather [hbm4b:s0+s12], $0x80, $0x38;
	[tilespmem:$0x10600] =	vst v63  }
0x39c: {  	s0 =	sand.u32 $0x1FFFFFF0, s19  }
0x39d: {  	s20 =	sadd.s32 $0xA80, s15;
	s0 =	sadd.s32 s11, s0  }
0x39e: {  	[tilespmem:s20], [sflag:$0x1] =	stream.linear.gather [hbm4b:s0+s12], $0x80, $0x38;
	[tilespmem:$0x10600] =	vst v63  }
0x39f: {  	s0 =	sand.u32 $0x1FFFFFF0, s21  }
0x3a0: {  	s22 =	sadd.s32 $0x8A80, s15;
	s23 =	spop (v2sf);
	s0 =	sadd.s32 s14, s0  }
0x3a1: {  	[tilespmem:s22], [sflag:$0x2] =	stream.linear.gather [hbm4b:s0+s12], $0x80, $0x38;
	[tilespmem:$0x10600] =	vst v63  }
0x3a2: {  	s0 =	sand.u32 $0x1FFFFFF0, s23  }
0x3a3: {  	s24 =	sadd.s32 $0xB00, s15;
	s0 =	sadd.s32 s11, s0  }
0x3a4: {  	[tilespmem:s24], [sflag:$0x1] =	stream.linear.gather [hbm4b:s0+s12], $0x80, $0x38;
	[tilespmem:$0x10600] =	vst v63  }
0x3a5: {  	s25 =	spop (v2sf)  }
0x3a6: {  	s0 =	sand.u32 $0x1FFFFFF0, s25  }
0x3a7: {  	s26 =	sadd.s32 $0x8B00, s15;
	s28 =	spop (v2sf);
	s0 =	sadd.s32 s14, s0  }
0x3a8: {  	[tilespmem:s26], [sflag:$0x2] =	stream.linear.gather [hbm4b:s0+s12], $0x80, $0x38;
	[tilespmem:$0x10600] =	vst v63  }
0x3a9: {  	s0 =	sand.u32 $0x1FFFFFF0, s28  }
0x3aa: {  	s29 =	sadd.s32 $0xB80, s15;
	s30 =	spop (v2sf);
	s0 =	sadd.s32 s11, s0  }
0x3ab: {  	[tilespmem:s29], [sflag:$0x1] =	stream.linear.gather [hbm4b:s0+s12], $0x80, $0x38;
	[tilespmem:$0x10600] =	vst v63  }
0x3ac: {  	s0 =	sand.u32 $0x1FFFFFF0, s30  }
0x3ad: {  	s31 =	sadd.s32 $0x8B80, s15;
	s1 =	simm.s32 $0x1;
	s0 =	sadd.s32 s14, s0  }
0x3ae: {  	[tilespmem:s31], [sflag:$0x2] =	stream.linear.gather [hbm4b:s0+s12], $0x80, $0x38;
	[tilespmem:$0x10600] =	vst v63  }
0x3af: {  	_ =	swait.ge [sflag:s1], $0x80  }
0x3b0: {  	[sflag:s1] =	ssyncset.done $0x0  }
0x3b1: {  	s2 =	simm.s32 $0x2;
	[sflag:s1] =	ssyncadd.s32 $0xFFFFFF80  }
0x3b2: {  	_ =	swait.ge [sflag:s2], $0x80  }
0x3b3: {  	s0 =	simm.s32 $0xFF;
	[sflag:s2] =	ssyncset.done $0x0  }
.LBB2_10:
0x3b4: {  	p0 =	sne.s32 s0, $0x1;
	s0 =	sadd.s32 $0xFFFFFFFF, s0;
	[sflag:s2] =	ssyncadd.s32 $0xFFFFFF80  }
.Ltmp4:
0x3b5: {  	_ =	swait.ge [sflag:s1], $0x80;
	(pc) =	sbr.rel @p0 .LBB2_10-.Ltmp4, $4  }
0x3b6: {  	[sflag:s1] =	ssyncset.done $0x0  }
0x3b7: {  	[sflag:s1] =	ssyncadd.s32 $0xFFFFFF80  }
0x3b8: {  	_ =	swait.ge [sflag:s2], $0x80  }
0x3b9: {  	[sflag:s2] =	ssyncset.done $0x0  }
0x3ba: {  	s16 =	simm.s32 $0x0  }
0x3bb: {  	v1 =	vmov s16  }
0x3bc: {  	v1 =	vshll.u32 v1, $0x7  }
0x3bd: {  	v1 =	vor.u32 v0, v1;
	_ =	sdelay $0x1  }
0x3be: {  	v2 =	vor.u32 $0x1, v1;
	_ =	sdelay $0x1  }
0x3bf: {  	[sflag:s2] =	ssyncadd.s32 $0xFFFFFF80;
	s3 =	simm.s32 $0x8400;
	v3 =	vor.u32 $0x2, v1  }
0x3c0: {  	s1 =	simm.s32 $0x400;
	v4 =	vld.idx.msk [tilespmem:v1+s3+$0x0], $0xffff  }
0x3c1: {  	v6 =	vor.u32 $0x3, v1;
	v5 =	vld.idx.msk [tilespmem:v1+s1+$0x0], $0xffff  }
0x3c2: {  	v7 =	vld.idx.msk [tilespmem:v2+s1+$0x0], $0xffff  }
0x3c3: {  	v8 =	vor.u32 $0x4, v1;
	v2 =	vld.idx.msk [tilespmem:v2+s3+$0x0], $0xffff  }
0x3c4: {  	v9 =	vld.idx.msk [tilespmem:v3+s1+$0x0], $0xffff  }
0x3c5: {  	v10 =	vor.u32 $0x5, v1;
	v3 =	vld.idx.msk [tilespmem:v3+s3+$0x0], $0xffff  }
0x3c6: {  	v11 =	vld.idx.msk [tilespmem:v6+s1+$0x0], $0xffff;
	v4 =	vmul.f32 v4, v5  }
0x3c7: {  	v5 =	vld.idx.msk [tilespmem:v6+s3+$0x0], $0xffff;
	v6 =	vor.u32 $0x6, v1  }
0x3c8: {  	v12 =	vld.idx.msk [tilespmem:v8+s1+$0x0], $0xffff;
	v2 =	vmul.f32 v2, v7;
	v4 =	vadd.f32 $0.0e+00, v4  }
0x3c9: {  	v23 =	vor.u32 $0x7, v1;
	v7 =	vld.idx.msk [tilespmem:v8+s3+$0x0], $0xffff  }
0x3ca: {  	v13 =	vld.idx.msk [tilespmem:v10+s1+$0x0], $0xffff;
	v3 =	vmul.f32 v3, v9;
	v2 =	vadd.f32 v2, v4  }
0x3cb: {  	v24 =	vor.u32 $0x8, v1;
	v4 =	vld.idx.msk [tilespmem:v10+s3+$0x0], $0xffff  }
0x3cc: {  	v25 =	vld.idx.msk [tilespmem:v6+s1+$0x0], $0xffff;
	v2 =	vadd.f32 v3, v2;
	v3 =	vmul.f32 v5, v11  }
0x3cd: {  	v5 =	vld.idx.msk [tilespmem:v6+s3+$0x0], $0xffff;
	v6 =	vor.u32 $0x9, v1  }
0x3ce: {  	v26 =	vld.idx.msk [tilespmem:v23+s1+$0x0], $0xffff;
	v2 =	vadd.f32 v3, v2;
	v3 =	vmul.f32 v7, v12  }
0x3cf: {  	v27 =	vor.u32 $0xA, v1;
	v7 =	vld.idx.msk [tilespmem:v23+s3+$0x0], $0xffff  }
0x3d0: {  	v28 =	vld.idx.msk [tilespmem:v24+s1+$0x0], $0xffff;
	v2 =	vadd.f32 v3, v2;
	v3 =	vmul.f32 v4, v13  }
0x3d1: {  	v29 =	vor.u32 $0xB, v1;
	v4 =	vld.idx.msk [tilespmem:v24+s3+$0x0], $0xffff  }
0x3d2: {  	v30 =	vld.idx.msk [tilespmem:v6+s1+$0x0], $0xffff;
	v2 =	vadd.f32 v3, v2;
	v3 =	vmul.f32 v5, v25  }
0x3d3: {  	v5 =	vld.idx.msk [tilespmem:v6+s3+$0x0], $0xffff;
	v6 =	vor.u32 $0xC, v1  }
0x3d4: {  	v31 =	vld.idx.msk [tilespmem:v27+s1+$0x0], $0xffff;
	v2 =	vadd.f32 v3, v2;
	v3 =	vmul.f32 v7, v26  }
0x3d5: {  	v32 =	vor.u32 $0xD, v1;
	v7 =	vld.idx.msk [tilespmem:v27+s3+$0x0], $0xffff  }
0x3d6: {  	v33 =	vld.idx.msk [tilespmem:v29+s1+$0x0], $0xffff;
	v2 =	vadd.f32 v3, v2;
	v3 =	vmul.f32 v4, v28  }
0x3d7: {  	v34 =	vor.u32 $0xE, v1;
	v4 =	vld.idx.msk [tilespmem:v29+s3+$0x0], $0xffff  }
0x3d8: {  	v35 =	vld.idx.msk [tilespmem:v6+s1+$0x0], $0xffff;
	v2 =	vadd.f32 v3, v2;
	v3 =	vmul.f32 v5, v30  }
0x3d9: {  	v5 =	vld.idx.msk [tilespmem:v6+s3+$0x0], $0xffff;
	v6 =	vor.u32 $0xF, v1  }
0x3da: {  	v36 =	vld.idx.msk [tilespmem:v32+s1+$0x0], $0xffff;
	v2 =	vadd.f32 v3, v2;
	v3 =	vmul.f32 v7, v31  }
0x3db: {  	v37 =	vor.u32 $0x10, v1;
	v7 =	vld.idx.msk [tilespmem:v32+s3+$0x0], $0xffff  }
0x3dc: {  	v38 =	vld.idx.msk [tilespmem:v34+s1+$0x0], $0xffff;
	v2 =	vadd.f32 v3, v2;
	v3 =	vmul.f32 v4, v33  }
0x3dd: {  	v39 =	vor.u32 $0x11, v1;
	v4 =	vld.idx.msk [tilespmem:v34+s3+$0x0], $0xffff  }
0x3de: {  	v40 =	vld.idx.msk [tilespmem:v6+s1+$0x0], $0xffff;
	v2 =	vadd.f32 v3, v2;
	v3 =	vmul.f32 v5, v35  }
0x3df: {  	v5 =	vld.idx.msk [tilespmem:v6+s3+$0x0], $0xffff;
	v6 =	vor.u32 $0x12, v1  }
0x3e0: {  	v41 =	vld.idx.msk [tilespmem:v37+s1+$0x0], $0xffff;
	v2 =	vadd.f32 v3, v2;
	v3 =	vmul.f32 v7, v36  }
0x3e1: {  	v42 =	vor.u32 $0x13, v1;
	v7 =	vld.idx.msk [tilespmem:v37+s3+$0x0], $0xffff  }
0x3e2: {  	v43 =	vld.idx.msk [tilespmem:v39+s1+$0x0], $0xffff;
	v2 =	vadd.f32 v3, v2;
	v3 =	vmul.f32 v4, v38  }
0x3e3: {  	v44 =	vor.u32 $0x14, v1;
	v4 =	vld.idx.msk [tilespmem:v39+s3+$0x0], $0xffff  }
0x3e4: {  	v45 =	vld.idx.msk [tilespmem:v6+s1+$0x0], $0xffff;
	v2 =	vadd.f32 v3, v2;
	v3 =	vmul.f32 v5, v40  }
0x3e5: {  	v5 =	vld.idx.msk [tilespmem:v6+s3+$0x0], $0xffff;
	v6 =	vor.u32 $0x15, v1  }
0x3e6: {  	v46 =	vld.idx.msk [tilespmem:v42+s1+$0x0], $0xffff;
	v2 =	vadd.f32 v3, v2;
	v3 =	vmul.f32 v7, v41  }
0x3e7: {  	v47 =	vor.u32 $0x16, v1;
	v7 =	vld.idx.msk [tilespmem:v42+s3+$0x0], $0xffff  }
0x3e8: {  	v48 =	vld.idx.msk [tilespmem:v44+s1+$0x0], $0xffff;
	v2 =	vadd.f32 v3, v2;
	v3 =	vmul.f32 v4, v43  }
0x3e9: {  	v49 =	vor.u32 $0x17, v1;
	v4 =	vld.idx.msk [tilespmem:v44+s3+$0x0], $0xffff  }
0x3ea: {  	v50 =	vld.idx.msk [tilespmem:v6+s1+$0x0], $0xffff;
	v2 =	vadd.f32 v3, v2;
	v3 =	vmul.f32 v5, v45  }
0x3eb: {  	v5 =	vld.idx.msk [tilespmem:v6+s3+$0x0], $0xffff;
	v6 =	vor.u32 $0x18, v1  }
0x3ec: {  	v51 =	vld.idx.msk [tilespmem:v47+s1+$0x0], $0xffff;
	v2 =	vadd.f32 v3, v2;
	v3 =	vmul.f32 v7, v46  }
0x3ed: {  	v52 =	vor.u32 $0x19, v1;
	v7 =	vld.idx.msk [tilespmem:v47+s3+$0x0], $0xffff  }
0x3ee: {  	v53 =	vld.idx.msk [tilespmem:v49+s1+$0x0], $0xffff;
	v2 =	vadd.f32 v3, v2;
	v3 =	vmul.f32 v4, v48  }
0x3ef: {  	v54 =	vor.u32 $0x1A, v1;
	v4 =	vld.idx.msk [tilespmem:v49+s3+$0x0], $0xffff  }
0x3f0: {  	v55 =	vld.idx.msk [tilespmem:v6+s1+$0x0], $0xffff;
	v2 =	vadd.f32 v3, v2;
	v3 =	vmul.f32 v5, v50  }
0x3f1: {  	v5 =	vld.idx.msk [tilespmem:v6+s3+$0x0], $0xffff;
	v6 =	vor.u32 $0x1B, v1  }
0x3f2: {  	v56 =	vld.idx.msk [tilespmem:v52+s1+$0x0], $0xffff;
	v2 =	vadd.f32 v3, v2;
	v3 =	vmul.f32 v7, v51  }
0x3f3: {  	v57 =	vor.u32 $0x1C, v1;
	v7 =	vld.idx.msk [tilespmem:v52+s3+$0x0], $0xffff  }
0x3f4: {  	v58 =	vld.idx.msk [tilespmem:v54+s1+$0x0], $0xffff;
	v2 =	vadd.f32 v3, v2;
	v3 =	vmul.f32 v4, v53  }
0x3f5: {  	v4 =	vld.idx.msk [tilespmem:v54+s3+$0x0], $0xffff  }
0x3f6: {  	v60 =	vld.idx.msk [tilespmem:v6+s1+$0x0], $0xffff;
	v2 =	vadd.f32 v3, v2;
	v3 =	vmul.f32 v5, v55  }
0x3f7: {  	v59 =	vor.u32 $0x1D, v1;
	v5 =	vld.idx.msk [tilespmem:v6+s3+$0x0], $0xffff  }
0x3f8: {  	v61 =	vld.idx.msk [tilespmem:v57+s1+$0x0], $0xffff;
	v2 =	vadd.f32 v3, v2;
	v3 =	vmul.f32 v7, v56  }
0x3f9: {  	v6 =	vor.u32 $0x1E, v1;
	v7 =	vld.idx.msk [tilespmem:v57+s3+$0x0], $0xffff  }
0x3fa: {  	v2 =	vadd.f32 v3, v2;
	v3 =	vmul.f32 v4, v58  }
0x3fb: {  	v1 =	vor.u32 $0x1F, v1  }
0x3fc: {  	v62 =	vld.idx.msk [tilespmem:v59+s1+$0x0], $0xffff;
	v2 =	vadd.f32 v3, v2;
	v3 =	vmul.f32 v5, v60  }
0x3fd: {  	v4 =	vld.idx.msk [tilespmem:v59+s3+$0x0], $0xffff  }
0x3fe: {  	v63 =	vld.idx.msk [tilespmem:v6+s1+$0x0], $0xffff;
	v2 =	vadd.f32 v3, v2;
	v3 =	vmul.f32 v7, v61  }
0x3ff: {  	v5 =	vld.idx.msk [tilespmem:v6+s3+$0x0], $0xffff  }
0x400: {  	v6 =	vadd.f32 v3, v2;
	v2 =	vld.idx.msk [tilespmem:v1+s1+$0x0], $0xffff  }
0x401: {  	v3 =	vld.idx.msk [tilespmem:v1+s3+$0x0], $0xffff  }
0x402: {  	v4 =	vmul.f32 v4, v62  }
0x403: {  	s15 =	simm.s32 $0x10  }
0x404: {  	v7 =	vmov s15;
	v5 =	vmul.f32 v5, v63;
	v4 =	vadd.f32 v4, v6  }
0x405: {  	s17 =	simm.s32 $0x20;
	s2 =	simm.s32 $0x3;
	v1 =	vshll.u32 v7, $0x7  }
.LBB2_12:
0x406: {  	p0 =	sne.s32 s17, $0xF0;
	v1 =	vor.u32 v0, v1;
	v4 =	vadd.f32 v5, v4;
	v2 =	vmul.f32 v3, v2;
	_ =	sdelay $0x1  }
0x407: {  	v3 =	vor.u32 $0x1, v1;
	v2 =	vadd.f32 v2, v4  }
0x408: {  	s0 =	sand.u32 $0xF0, s16;
	s16 =	smov.u32 s15;
	s15 =	smov.u32 s17  }
0x409: {  	v4 =	vor.u32 $0x2, v1;
	[tilespmem:s0+$0x10500] =	vst v2  }
0x40a: {  	v2 =	vld.idx.msk [tilespmem:v1+s3+$0x0], $0xffff  }
0x40b: {  	v6 =	vor.u32 $0x3, v1;
	v5 =	vld.idx.msk [tilespmem:v1+s1+$0x0], $0xffff  }
0x40c: {  	v7 =	vld.idx.msk [tilespmem:v3+s1+$0x0], $0xffff  }
0x40d: {  	v8 =	vor.u32 $0x4, v1;
	v3 =	vld.idx.msk [tilespmem:v3+s3+$0x0], $0xffff  }
0x40e: {  	v9 =	vld.idx.msk [tilespmem:v4+s1+$0x0], $0xffff  }
0x40f: {  	v10 =	vor.u32 $0x5, v1;
	v4 =	vld.idx.msk [tilespmem:v4+s3+$0x0], $0xffff  }
0x410: {  	v11 =	vld.idx.msk [tilespmem:v6+s1+$0x0], $0xffff  }
0x411: {  	v2 =	vmul.f32 v2, v5;
	v5 =	vld.idx.msk [tilespmem:v6+s3+$0x0], $0xffff;
	v6 =	vor.u32 $0x6, v1  }
0x412: {  	v12 =	vld.idx.msk [tilespmem:v8+s1+$0x0], $0xffff  }
0x413: {  	v2 =	vadd.f32 $0.0e+00, v2;
	v3 =	vmul.f32 v3, v7;
	v7 =	vld.idx.msk [tilespmem:v8+s3+$0x0], $0xffff;
	v8 =	vor.u32 $0x7, v1  }
0x414: {  	v13 =	vld.idx.msk [tilespmem:v10+s1+$0x0], $0xffff  }
0x415: {  	v2 =	vadd.f32 v3, v2;
	v3 =	vmul.f32 v4, v9;
	v9 =	vor.u32 $0x8, v1;
	v4 =	vld.idx.msk [tilespmem:v10+s3+$0x0], $0xffff  }
0x416: {  	v10 =	vld.idx.msk [tilespmem:v6+s1+$0x0], $0xffff  }
0x417: {  	v2 =	vadd.f32 v3, v2;
	v3 =	vmul.f32 v5, v11;
	v5 =	vld.idx.msk [tilespmem:v6+s3+$0x0], $0xffff;
	v6 =	vor.u32 $0x9, v1  }
0x418: {  	v11 =	vld.idx.msk [tilespmem:v8+s1+$0x0], $0xffff  }
0x419: {  	v2 =	vadd.f32 v3, v2;
	v3 =	vmul.f32 v7, v12;
	v7 =	vld.idx.msk [tilespmem:v8+s3+$0x0], $0xffff;
	v8 =	vor.u32 $0xA, v1  }
0x41a: {  	v12 =	vld.idx.msk [tilespmem:v9+s1+$0x0], $0xffff  }
0x41b: {  	v2 =	vadd.f32 v3, v2;
	v3 =	vmul.f32 v4, v13;
	v4 =	vld.idx.msk [tilespmem:v9+s3+$0x0], $0xffff;
	v9 =	vor.u32 $0xB, v1  }
0x41c: {  	v13 =	vld.idx.msk [tilespmem:v6+s1+$0x0], $0xffff  }
0x41d: {  	v2 =	vadd.f32 v3, v2;
	v3 =	vmul.f32 v5, v10;
	v5 =	vld.idx.msk [tilespmem:v6+s3+$0x0], $0xffff;
	v6 =	vor.u32 $0xC, v1  }
0x41e: {  	v10 =	vld.idx.msk [tilespmem:v8+s1+$0x0], $0xffff  }
0x41f: {  	v2 =	vadd.f32 v3, v2;
	v3 =	vmul.f32 v7, v11;
	v7 =	vld.idx.msk [tilespmem:v8+s3+$0x0], $0xffff;
	v8 =	vor.u32 $0xD, v1  }
0x420: {  	v11 =	vld.idx.msk [tilespmem:v9+s1+$0x0], $0xffff  }
0x421: {  	v2 =	vadd.f32 v3, v2;
	v3 =	vmul.f32 v4, v12;
	v4 =	vld.idx.msk [tilespmem:v9+s3+$0x0], $0xffff;
	v9 =	vor.u32 $0xE, v1  }
0x422: {  	v12 =	vld.idx.msk [tilespmem:v6+s1+$0x0], $0xffff  }
0x423: {  	v2 =	vadd.f32 v3, v2;
	v3 =	vmul.f32 v5, v13;
	v5 =	vld.idx.msk [tilespmem:v6+s3+$0x0], $0xffff;
	v6 =	vor.u32 $0xF, v1  }
0x424: {  	v13 =	vld.idx.msk [tilespmem:v8+s1+$0x0], $0xffff  }
0x425: {  	v2 =	vadd.f32 v3, v2;
	v3 =	vmul.f32 v7, v10;
	v7 =	vld.idx.msk [tilespmem:v8+s3+$0x0], $0xffff;
	v8 =	vor.u32 $0x10, v1  }
0x426: {  	v10 =	vld.idx.msk [tilespmem:v9+s1+$0x0], $0xffff  }
0x427: {  	v2 =	vadd.f32 v3, v2;
	v3 =	vmul.f32 v4, v11;
	v4 =	vld.idx.msk [tilespmem:v9+s3+$0x0], $0xffff;
	v9 =	vor.u32 $0x11, v1  }
0x428: {  	v11 =	vld.idx.msk [tilespmem:v6+s1+$0x0], $0xffff  }
0x429: {  	v2 =	vadd.f32 v3, v2;
	v3 =	vmul.f32 v5, v12;
	v5 =	vld.idx.msk [tilespmem:v6+s3+$0x0], $0xffff;
	v6 =	vor.u32 $0x12, v1  }
0x42a: {  	v12 =	vld.idx.msk [tilespmem:v8+s1+$0x0], $0xffff  }
0x42b: {  	v2 =	vadd.f32 v3, v2;
	v3 =	vmul.f32 v7, v13;
	v7 =	vld.idx.msk [tilespmem:v8+s3+$0x0], $0xffff;
	v8 =	vor.u32 $0x13, v1  }
0x42c: {  	v13 =	vld.idx.msk [tilespmem:v9+s1+$0x0], $0xffff  }
0x42d: {  	v2 =	vadd.f32 v3, v2;
	v3 =	vmul.f32 v4, v10;
	v4 =	vld.idx.msk [tilespmem:v9+s3+$0x0], $0xffff;
	v9 =	vor.u32 $0x14, v1  }
0x42e: {  	v10 =	vld.idx.msk [tilespmem:v6+s1+$0x0], $0xffff  }
0x42f: {  	v2 =	vadd.f32 v3, v2;
	v3 =	vmul.f32 v5, v11;
	v5 =	vld.idx.msk [tilespmem:v6+s3+$0x0], $0xffff;
	v6 =	vor.u32 $0x15, v1  }
0x430: {  	v11 =	vld.idx.msk [tilespmem:v8+s1+$0x0], $0xffff  }
0x431: {  	v2 =	vadd.f32 v3, v2;
	v3 =	vmul.f32 v7, v12;
	v7 =	vld.idx.msk [tilespmem:v8+s3+$0x0], $0xffff;
	v8 =	vor.u32 $0x16, v1  }
0x432: {  	v12 =	vld.idx.msk [tilespmem:v9+s1+$0x0], $0xffff  }
0x433: {  	v2 =	vadd.f32 v3, v2;
	v3 =	vmul.f32 v4, v13;
	v4 =	vld.idx.msk [tilespmem:v9+s3+$0x0], $0xffff;
	v9 =	vor.u32 $0x17, v1  }
0x434: {  	v13 =	vld.idx.msk [tilespmem:v6+s1+$0x0], $0xffff  }
0x435: {  	v2 =	vadd.f32 v3, v2;
	v3 =	vmul.f32 v5, v10;
	v5 =	vld.idx.msk [tilespmem:v6+s3+$0x0], $0xffff;
	v6 =	vor.u32 $0x18, v1  }
0x436: {  	v10 =	vld.idx.msk [tilespmem:v8+s1+$0x0], $0xffff  }
0x437: {  	v2 =	vadd.f32 v3, v2;
	v3 =	vmul.f32 v7, v11;
	v7 =	vld.idx.msk [tilespmem:v8+s3+$0x0], $0xffff;
	v8 =	vor.u32 $0x19, v1  }
0x438: {  	v11 =	vld.idx.msk [tilespmem:v9+s1+$0x0], $0xffff  }
0x439: {  	v2 =	vadd.f32 v3, v2;
	v3 =	vmul.f32 v4, v12;
	v4 =	vld.idx.msk [tilespmem:v9+s3+$0x0], $0xffff;
	v9 =	vor.u32 $0x1A, v1  }
0x43a: {  	v12 =	vld.idx.msk [tilespmem:v6+s1+$0x0], $0xffff  }
0x43b: {  	v2 =	vadd.f32 v3, v2;
	v3 =	vmul.f32 v5, v13;
	v5 =	vld.idx.msk [tilespmem:v6+s3+$0x0], $0xffff;
	v6 =	vor.u32 $0x1B, v1  }
0x43c: {  	v13 =	vld.idx.msk [tilespmem:v8+s1+$0x0], $0xffff  }
0x43d: {  	v2 =	vadd.f32 v3, v2;
	v3 =	vmul.f32 v7, v10;
	v7 =	vld.idx.msk [tilespmem:v8+s3+$0x0], $0xffff;
	v8 =	vor.u32 $0x1C, v1  }
0x43e: {  	v10 =	vld.idx.msk [tilespmem:v9+s1+$0x0], $0xffff  }
0x43f: {  	v2 =	vadd.f32 v3, v2;
	v3 =	vmul.f32 v4, v11;
	v4 =	vld.idx.msk [tilespmem:v9+s3+$0x0], $0xffff;
	v9 =	vor.u32 $0x1D, v1  }
0x440: {  	v11 =	vld.idx.msk [tilespmem:v6+s1+$0x0], $0xffff  }
0x441: {  	v2 =	vadd.f32 v3, v2;
	v3 =	vmul.f32 v5, v12;
	v5 =	vld.idx.msk [tilespmem:v6+s3+$0x0], $0xffff;
	v6 =	vor.u32 $0x1E, v1  }
0x442: {  	v12 =	vld.idx.msk [tilespmem:v8+s1+$0x0], $0xffff  }
0x443: {  	v1 =	vor.u32 $0x1F, v1;
	v2 =	vadd.f32 v3, v2;
	v3 =	vmul.f32 v7, v13;
	v7 =	vld.idx.msk [tilespmem:v8+s3+$0x0], $0xffff  }
0x444: {  	v8 =	vld.idx.msk [tilespmem:v9+s1+$0x0], $0xffff  }
0x445: {  	v2 =	vadd.f32 v3, v2;
	v3 =	vmul.f32 v4, v10;
	v4 =	vld.idx.msk [tilespmem:v9+s3+$0x0], $0xffff  }
0x446: {  	v9 =	vld.idx.msk [tilespmem:v6+s1+$0x0], $0xffff  }
0x447: {  	v3 =	vadd.f32 v3, v2;
	v5 =	vmul.f32 v5, v11;
	v6 =	vld.idx.msk [tilespmem:v6+s3+$0x0], $0xffff  }
0x448: {  	v2 =	vld.idx.msk [tilespmem:v1+s1+$0x0], $0xffff  }
0x449: {  	v5 =	vadd.f32 v5, v3;
	v7 =	vmul.f32 v7, v12;
	v3 =	vld.idx.msk [tilespmem:v1+s3+$0x0], $0xffff  }
.Ltmp5:
0x44a: {  	(pc) =	sbr.rel @p0 .LBB2_12-.Ltmp5, $3  }
0x44b: {  	v1 =	vadd.f32 v7, v5;
	v4 =	vmul.f32 v4, v8;
	_ =	sdelay $0x1  }
0x44c: {  	v7 =	vmov s17;
	v4 =	vadd.f32 v4, v1;
	v5 =	vmul.f32 v6, v9  }
0x44d: {  	s17 =	sadd.s32 $0x10, s17;
	v1 =	vshll.u32 v7, $0x7  }
0x44e: {  	v1 =	vor.u32 v0, v1;
	v4 =	vadd.f32 v5, v4;
	v2 =	vmul.f32 v3, v2;
	_ =	sdelay $0x1  }
0x44f: {  	v3 =	vor.u32 $0x1, v1;
	v2 =	vadd.f32 v2, v4  }
0x450: {  	s0 =	sand.u32 $0xF0, s16  }
0x451: {  	v31 =	vor.u32 $0x2, v1;
	[tilespmem:s0+$0x10500] =	vst v2  }
0x452: {  	v2 =	vld.idx.msk [tilespmem:v1+s3+$0x0], $0xffff  }
0x453: {  	v6 =	vor.u32 $0x3, v1;
	v32 =	vld.idx.msk [tilespmem:v1+s1+$0x0], $0xffff  }
0x454: {  	v7 =	vld.idx.msk [tilespmem:v3+s1+$0x0], $0xffff  }
0x455: {  	v8 =	vor.u32 $0x4, v1;
	v3 =	vld.idx.msk [tilespmem:v3+s3+$0x0], $0xffff  }
0x456: {  	v9 =	vld.idx.msk [tilespmem:v31+s1+$0x0], $0xffff  }
0x457: {  	v10 =	vor.u32 $0x5, v1;
	v4 =	vld.idx.msk [tilespmem:v31+s3+$0x0], $0xffff  }
0x458: {  	v11 =	vld.idx.msk [tilespmem:v6+s1+$0x0], $0xffff;
	v2 =	vmul.f32 v2, v32  }
0x459: {  	v34 =	vor.u32 $0x6, v1;
	v33 =	vld.idx.msk [tilespmem:v6+s3+$0x0], $0xffff  }
0x45a: {  	v12 =	vld.idx.msk [tilespmem:v8+s1+$0x0], $0xffff;
	v3 =	vmul.f32 v3, v7;
	v2 =	vadd.f32 $0.0e+00, v2  }
0x45b: {  	v36 =	vor.u32 $0x7, v1;
	v35 =	vld.idx.msk [tilespmem:v8+s3+$0x0], $0xffff  }
0x45c: {  	v13 =	vld.idx.msk [tilespmem:v10+s1+$0x0], $0xffff;
	v2 =	vadd.f32 v3, v2;
	v3 =	vmul.f32 v4, v9  }
0x45d: {  	v38 =	vor.u32 $0x8, v1;
	v37 =	vld.idx.msk [tilespmem:v10+s3+$0x0], $0xffff  }
0x45e: {  	v39 =	vld.idx.msk [tilespmem:v34+s1+$0x0], $0xffff;
	v2 =	vadd.f32 v3, v2;
	v3 =	vmul.f32 v33, v11  }
0x45f: {  	v41 =	vor.u32 $0x9, v1;
	v40 =	vld.idx.msk [tilespmem:v34+s3+$0x0], $0xffff  }
0x460: {  	v42 =	vld.idx.msk [tilespmem:v36+s1+$0x0], $0xffff;
	v2 =	vadd.f32 v3, v2;
	v3 =	vmul.f32 v35, v12  }
0x461: {  	v44 =	vor.u32 $0xA, v1;
	v43 =	vld.idx.msk [tilespmem:v36+s3+$0x0], $0xffff  }
0x462: {  	v45 =	vld.idx.msk [tilespmem:v38+s1+$0x0], $0xffff;
	v2 =	vadd.f32 v3, v2;
	v3 =	vmul.f32 v37, v13  }
0x463: {  	v47 =	vor.u32 $0xB, v1;
	v46 =	vld.idx.msk [tilespmem:v38+s3+$0x0], $0xffff  }
0x464: {  	v48 =	vld.idx.msk [tilespmem:v41+s1+$0x0], $0xffff;
	v2 =	vadd.f32 v3, v2;
	v3 =	vmul.f32 v40, v39  }
0x465: {  	v50 =	vor.u32 $0xC, v1;
	v49 =	vld.idx.msk [tilespmem:v41+s3+$0x0], $0xffff  }
0x466: {  	v51 =	vld.idx.msk [tilespmem:v44+s1+$0x0], $0xffff;
	v2 =	vadd.f32 v3, v2;
	v3 =	vmul.f32 v43, v42  }
0x467: {  	v53 =	vor.u32 $0xD, v1;
	v52 =	vld.idx.msk [tilespmem:v44+s3+$0x0], $0xffff  }
0x468: {  	v54 =	vld.idx.msk [tilespmem:v47+s1+$0x0], $0xffff;
	v2 =	vadd.f32 v3, v2;
	v3 =	vmul.f32 v46, v45  }
0x469: {  	v56 =	vor.u32 $0xE, v1;
	v55 =	vld.idx.msk [tilespmem:v47+s3+$0x0], $0xffff  }
0x46a: {  	v57 =	vld.idx.msk [tilespmem:v50+s1+$0x0], $0xffff;
	v2 =	vadd.f32 v3, v2;
	v3 =	vmul.f32 v49, v48  }
0x46b: {  	v59 =	vor.u32 $0xF, v1;
	v58 =	vld.idx.msk [tilespmem:v50+s3+$0x0], $0xffff  }
0x46c: {  	v60 =	vld.idx.msk [tilespmem:v53+s1+$0x0], $0xffff;
	v2 =	vadd.f32 v3, v2;
	v3 =	vmul.f32 v52, v51  }
0x46d: {  	v62 =	vor.u32 $0x10, v1;
	v61 =	vld.idx.msk [tilespmem:v53+s3+$0x0], $0xffff  }
0x46e: {  	v63 =	vld.idx.msk [tilespmem:v56+s1+$0x0], $0xffff;
	v2 =	vadd.f32 v3, v2;
	v3 =	vmul.f32 v55, v54  }
0x46f: {  	v17 =	vor.u32 $0x11, v1;
	v16 =	vld.idx.msk [tilespmem:v56+s3+$0x0], $0xffff  }
0x470: {  	v18 =	vld.idx.msk [tilespmem:v59+s1+$0x0], $0xffff;
	v2 =	vadd.f32 v3, v2;
	v3 =	vmul.f32 v58, v57  }
0x471: {  	v20 =	vor.u32 $0x12, v1;
	v19 =	vld.idx.msk [tilespmem:v59+s3+$0x0], $0xffff  }
0x472: {  	v21 =	vld.idx.msk [tilespmem:v62+s1+$0x0], $0xffff;
	v2 =	vadd.f32 v3, v2;
	v3 =	vmul.f32 v61, v60  }
0x473: {  	v23 =	vor.u32 $0x13, v1;
	v22 =	vld.idx.msk [tilespmem:v62+s3+$0x0], $0xffff  }
0x474: {  	v24 =	vld.idx.msk [tilespmem:v17+s1+$0x0], $0xffff;
	v2 =	vadd.f32 v3, v2;
	v3 =	vmul.f32 v16, v63  }
0x475: {  	v26 =	vor.u32 $0x14, v1;
	v25 =	vld.idx.msk [tilespmem:v17+s3+$0x0], $0xffff  }
0x476: {  	v27 =	vld.idx.msk [tilespmem:v20+s1+$0x0], $0xffff;
	v2 =	vadd.f32 v3, v2;
	v3 =	vmul.f32 v19, v18  }
0x477: {  	v29 =	vor.u32 $0x15, v1;
	v28 =	vld.idx.msk [tilespmem:v20+s3+$0x0], $0xffff  }
0x478: {  	v30 =	vld.idx.msk [tilespmem:v23+s1+$0x0], $0xffff;
	v2 =	vadd.f32 v3, v2;
	v3 =	vmul.f32 v22, v21  }
0x479: {  	v31 =	vld.idx.msk [tilespmem:v23+s3+$0x0], $0xffff;
	v32 =	vor.u32 $0x16, v1  }
0x47a: {  	v34 =	vld.idx.msk [tilespmem:v26+s3+$0x0], $0xffff;
	v2 =	vadd.f32 v3, v2;
	v3 =	vmul.f32 v25, v24  }
0x47b: {  	v33 =	vld.idx.msk [tilespmem:v26+s1+$0x0], $0xffff;
	v35 =	vor.u32 $0x17, v1  }
0x47c: {  	v36 =	vld.idx.msk [tilespmem:v29+s1+$0x0], $0xffff;
	v2 =	vadd.f32 v3, v2;
	v3 =	vmul.f32 v28, v27  }
0x47d: {  	v38 =	vor.u32 $0x18, v1;
	v37 =	vld.idx.msk [tilespmem:v29+s3+$0x0], $0xffff  }
0x47e: {  	v39 =	vld.idx.msk [tilespmem:v32+s1+$0x0], $0xffff;
	v2 =	vadd.f32 v3, v2;
	v3 =	vmul.f32 v31, v30  }
0x47f: {  	v41 =	vor.u32 $0x19, v1;
	v40 =	vld.idx.msk [tilespmem:v32+s3+$0x0], $0xffff  }
0x480: {  	v42 =	vld.idx.msk [tilespmem:v35+s1+$0x0], $0xffff;
	v2 =	vadd.f32 v3, v2;
	v3 =	vmul.f32 v34, v33  }
0x481: {  	v44 =	vor.u32 $0x1A, v1;
	v43 =	vld.idx.msk [tilespmem:v35+s3+$0x0], $0xffff  }
0x482: {  	v45 =	vld.idx.msk [tilespmem:v38+s1+$0x0], $0xffff;
	v2 =	vadd.f32 v3, v2;
	v3 =	vmul.f32 v37, v36  }
0x483: {  	v47 =	vor.u32 $0x1B, v1;
	v46 =	vld.idx.msk [tilespmem:v38+s3+$0x0], $0xffff  }
0x484: {  	v48 =	vld.idx.msk [tilespmem:v41+s1+$0x0], $0xffff;
	v2 =	vadd.f32 v3, v2;
	v3 =	vmul.f32 v40, v39  }
0x485: {  	v50 =	vor.u32 $0x1C, v1;
	v49 =	vld.idx.msk [tilespmem:v41+s3+$0x0], $0xffff  }
0x486: {  	v51 =	vld.idx.msk [tilespmem:v44+s1+$0x0], $0xffff;
	v2 =	vadd.f32 v3, v2;
	v3 =	vmul.f32 v43, v42  }
0x487: {  	v53 =	vor.u32 $0x1D, v1;
	v52 =	vld.idx.msk [tilespmem:v44+s3+$0x0], $0xffff  }
0x488: {  	v54 =	vld.idx.msk [tilespmem:v47+s1+$0x0], $0xffff;
	v2 =	vadd.f32 v3, v2;
	v3 =	vmul.f32 v46, v45  }
0x489: {  	v56 =	vor.u32 $0x1E, v1;
	v55 =	vld.idx.msk [tilespmem:v47+s3+$0x0], $0xffff  }
0x48a: {  	v57 =	vld.idx.msk [tilespmem:v50+s1+$0x0], $0xffff;
	v2 =	vadd.f32 v3, v2;
	v3 =	vmul.f32 v49, v48  }
0x48b: {  	v1 =	vor.u32 $0x1F, v1;
	v58 =	vld.idx.msk [tilespmem:v50+s3+$0x0], $0xffff  }
0x48c: {  	v59 =	vld.idx.msk [tilespmem:v53+s1+$0x0], $0xffff;
	v2 =	vadd.f32 v3, v2;
	v3 =	vmul.f32 v52, v51  }
0x48d: {  	v60 =	vld.idx.msk [tilespmem:v53+s3+$0x0], $0xffff  }
0x48e: {  	v62 =	vld.idx.msk [tilespmem:v56+s3+$0x0], $0xffff;
	v2 =	vadd.f32 v3, v2;
	v3 =	vmul.f32 v55, v54  }
0x48f: {  	v61 =	vld.idx.msk [tilespmem:v56+s1+$0x0], $0xffff  }
0x490: {  	v63 =	vld.idx.msk [tilespmem:v1+s1+$0x0], $0xffff;
	v2 =	vadd.f32 v3, v2;
	v3 =	vmul.f32 v58, v57  }
0x491: {  	v1 =	vld.idx.msk [tilespmem:v1+s3+$0x0], $0xffff  }
0x492: {  	v2 =	vadd.f32 v3, v2;
	v3 =	vmul.f32 v60, v59;
	_ =	sdelay $0x1  }
0x493: {  	v2 =	vadd.f32 v3, v2;
	v3 =	vmul.f32 v62, v61;
	_ =	sdelay $0x1  }
0x494: {  	v1 =	vmul.f32 v1, v63;
	v2 =	vadd.f32 v3, v2;
	_ =	sdelay $0x1  }
0x495: {  	v1 =	vadd.f32 v1, v2  }
0x496: {  	s26 =	sand.u32 $0xF0, s15  }
0x497: {  	s28 =	rddreg [dreg:$0x18];
	s29 =	simm.s32 $0x10400;
	[tilespmem:s26+$0x10500] =	vst v1  }
0x498: {  	[hbm4b:s28+s12] =	stream.linear.scatter [tilespmem:s29], [sflag:$0x3], $0x200, $0x38;
	[tilespmem:$0x10600] =	vst v63  }
0x499: {  	_ =	swait.ge [sflag:s2], $0x200  }
0x49a: {  	s30 =	rddreg [dreg:$0x1a]  }
0x49b: {  	s31 =	rddreg [dreg:$0x19];
	s1 =	sadd.s32 $0x1, s30  }
0x49c: {  	p0 =	sne.s32 s1, s31  }
.Ltmp6:
0x49d: {  	_ = 	snop;
	(pc) =	sbr.rel @p0 .LBB2_1-.Ltmp6, $3  }
0x49e: {  	_ =	sdelay $0x1  }
0x49f: {  	[sflag:s2] =	ssyncset.done $0x0  }
0x4a0: {  	[sflag:s2] =	ssyncadd.s32 $0xFFFFFE00  }
0x4a1: {  	_ =	sfence.sel $0x180000  }
0x4a2: {  	[bflag:$0x0] =	sbarrier.arrive $0xFFFF  }
0x4a3: {  	_ =	strace $0x90000047  }
0x4a4: {  	s0 =	stileid.u32;
	[bflag:$0x2] =	sbarrier.arrive $0xFFFF  }
0x4a5: {  	p0 =	sne.s32 s0, $0x0;
	s0 =	rddreg [dreg:$0x3]  }
0x4a6: {  	s0 =	sadd.s32 @!p0 $0x100000, s0  }
0x4a7: {  	[sflag:s0] =	ssyncadd.tile.s32 @!p0 $0x1;
	_ =	shalt  }
.Lfunc_end2:
_tile_overlayer_lowered:
.L_overlay_start_2:
0x4a8: {  	(tag) =	ssettag $0x2  }
0x4a9: {  	s0 =	rddreg [dreg:$0x0];
	s2 =	stileid.u32  }
0x4aa: {  	s1 =	rddreg [dreg:$0x1];
	p0 =	sne.s32 s2, $0x0  }
0x4ab: {  	s3 =	rddreg [dreg:$0x2];
	[bflag:$0x3] =	sbarrier.arrive $0xFFFF;
	s2 =	simm.s32 @!p0 $0x1C03  }
0x4ac: {  	[timem:s3], [sflag:s2] =	dma.local @!p0 [hbm:s0], s1  }
0x4ad: {  	s0 =	simm.s32 @!p0 $0x3  }
0x4ae: {  	_ =	swait.ge @!p0 [sflag:s0], s1  }
0x4af: {  	s1 =	ssub.s32 @!p0 $0x0, s1;
	[sflag:s0] =	ssyncset.done @!p0 $0x0  }
0x4b0: {  	[sflag:s0] =	ssyncadd.s32 @!p0 s1  }
0x4b1: {  	[bflag:$0x3] =	sbarrier.arrive $0xFFFF  }
0x4b2: {  	_ =	shalt  }

</sc_bundles>
